<compile_context>
chip_gen: v7x
topology: tpu7x:2x2x1
jax: 0.10.2.dev20260603
libtpu: 0.0.44.dev20260713+nightly
codegen_flags: <defaults>
</compile_context>

<pallas_src>
import functools

import jax
import jax.numpy as jnp
from jax import lax
from jax.experimental import pallas as pl
from jax.experimental.pallas import tpu as pltpu
from jax.experimental.pallas import tpu_sc as plsc

NUM_SEG = 512
N_ROWS = 320000
D = 128
NC = 2
NS = 16
NW = NC * NS
ROWS_PER_W = N_ROWS // NW
SUB = 128
NFULL = ROWS_PER_W // SUB
TAIL = ROWS_PER_W - NFULL * SUB
NPAIR = NFULL // 2
SEG_PER_TILE = NUM_SEG // NS
SEG_PER_SEARCH = NUM_SEG // NW
SEARCH_STEPS = 19


def _sc_body(x_hbm, b_hbm, z_hbm, out_hbm, pout_hbm,
             bufA, bufB, bufT, idxA, idxB, idxT, zbuf_v, obuf_v, buf2_v,
             mid_v, val_v, semA, semB, semG, semX, acc_sh):
    c = lax.axis_index("c")
    s = lax.axis_index("s")
    wid = s * NC + c
    seg0 = s * SEG_PER_TILE
    row0 = wid * ROWS_PER_W

    def read(j, buf, idx, sem):
        base = row0 + j * SUB
        pltpu.async_copy(x_hbm.at[pl.ds(base, SUB)], buf, sem)
        pltpu.async_copy(b_hbm.at[pl.ds(base, SUB)], idx, sem)

    def wait(buf, idx, sem):
        pltpu.make_async_copy(x_hbm.at[pl.ds(0, SUB)], buf, sem).wait()
        pltpu.make_async_copy(b_hbm.at[pl.ds(0, SUB)], idx, sem).wait()

    def scatter(buf, idx):
        pltpu.sync_copy(buf, acc_sh.at[idx], add=True)

    read(0, bufA, idxA, semA)
    read(1, bufB, idxB, semB)

    pltpu.sync_copy(z_hbm, zbuf_v)
    pltpu.sync_copy(zbuf_v, acc_sh.at[pl.ds(seg0, SEG_PER_TILE)])
    plsc.subcore_barrier()

    cseg0 = (NUM_SEG // NC) * c + SEG_PER_SEARCH * s
    segv = cseg0 + lax.iota(jnp.int32, 16)
    tgt0 = segv
    tgt1 = segv + 1
    zero = jnp.zeros((16,), jnp.int32)
    nfull = zero + N_ROWS

    def mids(st):
        lo0, hi0, lo1, hi1 = st
        mid0 = jnp.minimum(lax.shift_right_logical(lo0 + hi0, 1), N_ROWS - 1)
        mid1 = jnp.minimum(lax.shift_right_logical(lo1 + hi1, 1), N_ROWS - 1)
        return mid0, mid1

    def issue_gather(st):
        mid0, mid1 = mids(st)
        mid_v[pl.ds(0, 16)] = mid0
        mid_v[pl.ds(16, 16)] = mid1
        pltpu.async_copy(b_hbm.at[mid_v], val_v, semG)

    def apply_step(st):
        lo0, hi0, lo1, hi1 = st
        mid0, mid1 = mids(st)
        pltpu.make_async_copy(b_hbm.at[mid_v], val_v, semG).wait()
        v0 = val_v[pl.ds(0, 16)]
        v1 = val_v[pl.ds(16, 16)]
        p0 = v0 < tgt0
        p1 = v1 < tgt1
        lo0n = jnp.where(p0, mid0 + 1, lo0)
        hi0n = jnp.where(p0, hi0, mid0)
        lo1n = jnp.where(p1, mid1 + 1, lo1)
        hi1n = jnp.where(p1, hi1, mid1)
        return (lo0n, hi0n, lo1n, hi1n)

    st0 = (zero, nfull, zero, nfull)
    issue_gather(st0)

    def body(g, st):
        st = apply_step(st)
        issue_gather(st)
        wait(bufA, idxA, semA)
        scatter(bufA, idxA)

        @pl.when(g < NPAIR - 1)
        def _():
            read(2 * g + 2, bufA, idxA, semA)

        wait(bufB, idxB, semB)
        scatter(bufB, idxB)

        @pl.when(g < NPAIR - 1)
        def _():
            read(2 * g + 3, bufB, idxB, semB)

        return st

    st = lax.fori_loop(0, NPAIR, body, st0)
    tbase = row0 + NFULL * SUB
    pltpu.async_copy(x_hbm.at[pl.ds(tbase, TAIL)], bufT, semA)
    pltpu.async_copy(b_hbm.at[pl.ds(tbase, TAIL)], idxT, semA)
    pltpu.make_async_copy(x_hbm.at[pl.ds(0, TAIL)], bufT, semA).wait()
    pltpu.make_async_copy(b_hbm.at[pl.ds(0, TAIL)], idxT, semA).wait()
    scatter(bufT, idxT)

    lo0, _, lo1, _ = apply_step(st)
    rcp = 1.0 / jnp.maximum((lo1 - lo0).astype(jnp.float32), 1.0)

    plsc.subcore_barrier()
    oc = 1 - c
    orow0 = (NUM_SEG // NC) * oc + SEG_PER_SEARCH * s
    pltpu.sync_copy(acc_sh.at[pl.ds(orow0, SEG_PER_SEARCH)], obuf_v)
    pltpu.sync_copy(obuf_v, pout_hbm.at[pl.ds(orow0, SEG_PER_SEARCH)])
    pltpu.semaphore_signal(semX, 1, core_index=oc)
    pl.semaphore_wait(semX, 1)
    pltpu.sync_copy(pout_hbm.at[pl.ds(cseg0, SEG_PER_SEARCH)], buf2_v)
    pltpu.sync_copy(acc_sh.at[pl.ds(cseg0, SEG_PER_SEARCH)], obuf_v)
    for i in range(SEG_PER_SEARCH):
        rv = jnp.zeros((16,), jnp.float32) + rcp[i]
        for j in range(D // 16):
            sl = pl.ds(j * 16, 16)
            obuf_v[i, sl] = (obuf_v[i, sl] + buf2_v[i, sl]) * rv
    pltpu.sync_copy(obuf_v, out_hbm.at[pl.ds(cseg0, SEG_PER_SEARCH)])


@functools.partial(
    pl.kernel,
    out_type=(
        jax.ShapeDtypeStruct((NUM_SEG, D), jnp.float32),
        jax.ShapeDtypeStruct((NUM_SEG, D), jnp.float32),
    ),
    mesh=plsc.VectorSubcoreMesh(core_axis_name="c", subcore_axis_name="s"),
    scratch_types=[
        pltpu.VMEM((SUB, D), jnp.float32),
        pltpu.VMEM((SUB, D), jnp.float32),
        pltpu.VMEM((TAIL, D), jnp.float32),
        pltpu.VMEM((SUB,), jnp.int32),
        pltpu.VMEM((SUB,), jnp.int32),
        pltpu.VMEM((TAIL,), jnp.int32),
        pltpu.VMEM((SEG_PER_TILE, D), jnp.float32),
        pltpu.VMEM((SEG_PER_SEARCH, D), jnp.float32),
        pltpu.VMEM((SEG_PER_SEARCH, D), jnp.float32),
        pltpu.VMEM((32,), jnp.int32),
        pltpu.VMEM((32,), jnp.int32),
        pltpu.SemaphoreType.DMA,
        pltpu.SemaphoreType.DMA,
        pltpu.SemaphoreType.DMA,
        pltpu.SemaphoreType.REGULAR,
        pltpu.VMEM_SHARED((NUM_SEG, D), jnp.float32),
    ],
)
def _sc_accumulate(x_hbm, b_hbm, z_hbm, out_hbm, pout_hbm,
                   bufA, bufB, bufT, idxA, idxB, idxT, zbuf_v, obuf_v,
                   buf2_v, mid_v, val_v, semA, semB, semG, semX,
                   acc_sh):
    _sc_body(x_hbm, b_hbm, z_hbm, out_hbm, pout_hbm,
             bufA, bufB, bufT, idxA, idxB, idxT, zbuf_v, obuf_v, buf2_v,
             mid_v, val_v, semA, semB, semG, semX, acc_sh)


def kernel(x, batch):
    batch = batch.astype(jnp.int32)
    zeros = jnp.zeros((SEG_PER_TILE, D), jnp.float32)
    out, _ = _sc_accumulate(x, batch, zeros)
    return out

# --- scband reference (transcript-rebuilt; emitter-appended) ---
"""Pipeline reference for scband-pooling-module-22342419874160 (READ-ONLY COPY).

The authoritative reference and input builder live on the scoring server;
editing this copy changes nothing except your own understanding.
"""

import jax, jax.numpy as jnp
import numpy as np

NUM_SEGMENTS = 512

def setup_inputs(seed: int = 0) -> dict:
    key = jax.random.key(seed)
    k1, k2 = jax.random.split(key)
    x = jax.random.normal(k1, (320000, 128), dtype=jnp.float32)
    batch = jnp.sort(jax.random.randint(k2, (320000,), 0, NUM_SEGMENTS, dtype=jnp.int64))
    return {"x": x, "batch": batch}

def reference(x, batch):
    # Faithful translation of PoolingModule(pooling_type='mean') with batch given:
    # global_mean_pool(x, batch) = segment_sum(x) / counts per segment.
    sums = jax.ops.segment_sum(x, batch, num_segments=NUM_SEGMENTS)
    counts = jax.ops.segment_sum(jnp.ones((x.shape[0],), dtype=x.dtype), batch, num_segments=NUM_SEGMENTS)
    result = sums / jnp.maximum(counts, 1.0)[:, None]
    # result has dim 2 already; module would unsqueeze only if dim==1
    return result

if __name__ == "__main__":
    import jax
    _d = setup_inputs()
    print(jax.jit(kernel)(*tuple(_d.values())))

</pallas_src>

<mosaic_0001>
#map = affine_map<(d0, d1) -> (0, 0)>
#map1 = affine_map<(d0, d1) -> (0)>
module attributes {stable_mosaic.version = 14 : i64} {
  func.func @_sc_accumulate(%arg0: i32, %arg1: i32, %arg2: memref<320000x128xf32, #tpu.memory_space<hbm>>, %arg3: memref<320000xi32, #tpu.memory_space<hbm>>, %arg4: memref<32x128xf32, #tpu.memory_space<hbm>>, %arg5: memref<512x128xf32, #tpu.memory_space<hbm>>, %arg6: memref<512x128xf32, #tpu.memory_space<hbm>>, %arg7: memref<128x128xf32, #tpu.memory_space<vmem>>, %arg8: memref<128x128xf32, #tpu.memory_space<vmem>>, %arg9: memref<16x128xf32, #tpu.memory_space<vmem>>, %arg10: memref<128xi32, #tpu.memory_space<vmem>>, %arg11: memref<128xi32, #tpu.memory_space<vmem>>, %arg12: memref<16xi32, #tpu.memory_space<vmem>>, %arg13: memref<32x128xf32, #tpu.memory_space<vmem>>, %arg14: memref<16x128xf32, #tpu.memory_space<vmem>>, %arg15: memref<16x128xf32, #tpu.memory_space<vmem>>, %arg16: memref<32xi32, #tpu.memory_space<vmem>>, %arg17: memref<32xi32, #tpu.memory_space<vmem>>, %arg18: memref<!tpu.dma_semaphore, #tpu.memory_space<semaphore_mem>>, %arg19: memref<!tpu.dma_semaphore, #tpu.memory_space<semaphore_mem>>, %arg20: memref<!tpu.dma_semaphore, #tpu.memory_space<semaphore_mem>>, %arg21: memref<!tpu.semaphore, #tpu.memory_space<semaphore_mem>>, %arg22: memref<512x128xf32, #tpu.memory_space<vmem_shared>>) attributes {dimension_semantics = [#tpu.dimension_semantics<core_parallel>, #tpu.dimension_semantics<subcore_parallel>], iteration_bounds = array<i64: 2, 16>, scalar_prefetch = 0 : i64, scratch_operands = 16 : i64, tpu.core_type = #tpu.core_type<sc_vector_subcore>, window_params = [{transform_indices = #map}, {transform_indices = #map1}, {transform_indices = #map}, {transform_indices = #map}, {transform_indices = #map}]} {
    %mul3A = arith.constant 2 : i32
    %mul3A_0 = arith.muli %arg1, %mul3A : i32
    %add3A = arith.addi %mul3A_0, %arg0 : i32
    %mul3A_1 = arith.constant 32 : i32
    %mul3A_2 = arith.muli %arg1, %mul3A_1 : i32
    %mul3A_3 = arith.constant 10000 : i32
    %mul3A_4 = arith.muli %add3A, %mul3A_3 : i32
    %add3A_5 = arith.constant 0 : i32
    %add3A_6 = arith.addi %mul3A_4, %add3A_5 : i32
    %dma_start3A = arith.constant 0 : i32
    %dma_start3A_7 = tpu.memref_slice %arg2[%add3A_6, %dma_start3A] : memref<320000x128xf32, #tpu.memory_space<hbm>> -> memref<128x128xf32, #tpu.memory_space<hbm>>
    %dma_start3A_8 = arith.constant 0 : i32
    %dma_start3A_9 = tpu.memref_slice %arg2[%add3A_6, %dma_start3A_8] : memref<320000x128xf32, #tpu.memory_space<hbm>> -> memref<128x128xf32, #tpu.memory_space<hbm>>
    tpu.enqueue_dma source(%dma_start3A_9 : memref<128x128xf32, #tpu.memory_space<hbm>>) target(%arg7 : memref<128x128xf32, #tpu.memory_space<vmem>>) target_semaphore(%arg18 : memref<!tpu.dma_semaphore, #tpu.memory_space<semaphore_mem>>)
    %dma_start3A_10 = tpu.memref_slice %arg3[%add3A_6] : memref<320000xi32, #tpu.memory_space<hbm>> -> memref<128xi32, #tpu.memory_space<hbm>>
    %dma_start3A_11 = tpu.memref_slice %arg3[%add3A_6] : memref<320000xi32, #tpu.memory_space<hbm>> -> memref<128xi32, #tpu.memory_space<hbm>>
    tpu.enqueue_dma source(%dma_start3A_11 : memref<128xi32, #tpu.memory_space<hbm>>) target(%arg10 : memref<128xi32, #tpu.memory_space<vmem>>) target_semaphore(%arg18 : memref<!tpu.dma_semaphore, #tpu.memory_space<semaphore_mem>>)
    %add3A_12 = arith.constant 128 : i32
    %add3A_13 = arith.addi %mul3A_4, %add3A_12 : i32
    %dma_start3A_14 = arith.constant 0 : i32
    %dma_start3A_15 = tpu.memref_slice %arg2[%add3A_13, %dma_start3A_14] : memref<320000x128xf32, #tpu.memory_space<hbm>> -> memref<128x128xf32, #tpu.memory_space<hbm>>
    %dma_start3A_16 = arith.constant 0 : i32
    %dma_start3A_17 = tpu.memref_slice %arg2[%add3A_13, %dma_start3A_16] : memref<320000x128xf32, #tpu.memory_space<hbm>> -> memref<128x128xf32, #tpu.memory_space<hbm>>
    tpu.enqueue_dma source(%dma_start3A_17 : memref<128x128xf32, #tpu.memory_space<hbm>>) target(%arg8 : memref<128x128xf32, #tpu.memory_space<vmem>>) target_semaphore(%arg19 : memref<!tpu.dma_semaphore, #tpu.memory_space<semaphore_mem>>)
    %dma_start3A_18 = tpu.memref_slice %arg3[%add3A_13] : memref<320000xi32, #tpu.memory_space<hbm>> -> memref<128xi32, #tpu.memory_space<hbm>>
    %dma_start3A_19 = tpu.memref_slice %arg3[%add3A_13] : memref<320000xi32, #tpu.memory_space<hbm>> -> memref<128xi32, #tpu.memory_space<hbm>>
    tpu.enqueue_dma source(%dma_start3A_19 : memref<128xi32, #tpu.memory_space<hbm>>) target(%arg11 : memref<128xi32, #tpu.memory_space<vmem>>) target_semaphore(%arg19 : memref<!tpu.dma_semaphore, #tpu.memory_space<semaphore_mem>>)
    "tpu.region"() ({
      %run_scoped3A = tpu.sem_alloc : memref<!tpu.dma_semaphore, #tpu.memory_space<semaphore_mem>>
      tpu.enqueue_dma source(%arg4 : memref<32x128xf32, #tpu.memory_space<hbm>>) target(%arg13 : memref<32x128xf32, #tpu.memory_space<vmem>>) target_semaphore(%run_scoped3A : memref<!tpu.dma_semaphore, #tpu.memory_space<semaphore_mem>>)
      tpu.wait_dma2 semaphore(%run_scoped3A : memref<!tpu.dma_semaphore, #tpu.memory_space<semaphore_mem>>) src(%arg4 : memref<32x128xf32, #tpu.memory_space<hbm>>) dst(%arg13 : memref<32x128xf32, #tpu.memory_space<vmem>>)
      tpu.yield
    }) : () -> ()
    "tpu.region"() ({
      %run_scoped3A = tpu.sem_alloc : memref<!tpu.dma_semaphore, #tpu.memory_space<semaphore_mem>>
      %dma_start3A_2519 = arith.constant 0 : i32
      %dma_start3A_2520 = tpu.memref_slice %arg22[%mul3A_2, %dma_start3A_2519] : memref<512x128xf32, #tpu.memory_space<vmem_shared>> -> memref<32x128xf32, #tpu.memory_space<vmem_shared>>
      %dma_start3A_2521 = arith.constant 0 : i32
      %dma_start3A_2522 = tpu.memref_slice %arg22[%mul3A_2, %dma_start3A_2521] : memref<512x128xf32, #tpu.memory_space<vmem_shared>> -> memref<32x128xf32, #tpu.memory_space<vmem_shared>>
      tpu.enqueue_dma source(%arg13 : memref<32x128xf32, #tpu.memory_space<vmem>>) target(%dma_start3A_2522 : memref<32x128xf32, #tpu.memory_space<vmem_shared>>) target_semaphore(%run_scoped3A : memref<!tpu.dma_semaphore, #tpu.memory_space<semaphore_mem>>)
      %dma_wait3A_2523 = arith.constant 0 : i32
      %dma_wait3A_2524 = tpu.memref_slice %arg22[%mul3A_2, %dma_wait3A_2523] : memref<512x128xf32, #tpu.memory_space<vmem_shared>> -> memref<32x128xf32, #tpu.memory_space<vmem_shared>>
      %dma_wait3A_2525 = arith.constant 0 : i32
      %dma_wait3A_2526 = tpu.memref_slice %arg22[%mul3A_2, %dma_wait3A_2525] : memref<512x128xf32, #tpu.memory_space<vmem_shared>> -> memref<32x128xf32, #tpu.memory_space<vmem_shared>>
      tpu.wait_dma2 semaphore(%run_scoped3A : memref<!tpu.dma_semaphore, #tpu.memory_space<semaphore_mem>>) src(%arg13 : memref<32x128xf32, #tpu.memory_space<vmem>>) dst(%dma_wait3A_2526 : memref<32x128xf32, #tpu.memory_space<vmem_shared>>)
      tpu.yield
    }) : () -> ()
    %barrier3A = arith.constant 0 : index
    tpu.barrier barrier_id(%barrier3A)
    %mul3A_20 = arith.constant 256 : i32
    %mul3A_21 = arith.muli %mul3A_20, %arg0 : i32
    %mul3A_22 = arith.constant 16 : i32
    %mul3A_23 = arith.muli %mul3A_22, %arg1 : i32
    %add3A_24 = arith.addi %mul3A_21, %mul3A_23 : i32
    %iota3A = tpu.iota {dimensions = array<i32: 0>} : vector<16xi32>
    %add3A_25 = vector.broadcast %add3A_24 : i32 to vector<16xi32>
    %add3A_26 = arith.addi %add3A_25, %iota3A : vector<16xi32>
    %add3A_27 = arith.constant 1 : i32
    %add3A_28 = vector.broadcast %add3A_27 : i32 to vector<16xi32>
    %add3A_29 = arith.addi %add3A_26, %add3A_28 : vector<16xi32>
    %broadcast_in_dim3A = arith.constant 0 : i32
    %broadcast_in_dim3A_30 = vector.broadcast %broadcast_in_dim3A : i32 to vector<16xi32>
    %add3A_31 = arith.constant 320000 : i32
    %add3A_32 = vector.broadcast %add3A_31 : i32 to vector<16xi32>
    %add3A_33 = arith.addi %broadcast_in_dim3A_30, %add3A_32 : vector<16xi32>
    %add3A_34 = arith.addi %broadcast_in_dim3A_30, %add3A_33 : vector<16xi32>
    %shift_right_logical3A = arith.constant 1 : i32
    %shift_right_logical3A_35 = vector.broadcast %shift_right_logical3A : i32 to vector<16xi32>
    %shift_right_logical3A_36 = arith.shrui %add3A_34, %shift_right_logical3A_35 : vector<16xi32>
    %min3A = arith.constant 319999 : i32
    %min3A_37 = vector.broadcast %min3A : i32 to vector<16xi32>
    %min3A_38 = arith.minsi %shift_right_logical3A_36, %min3A_37 : vector<16xi32>
    %add3A_39 = arith.addi %broadcast_in_dim3A_30, %add3A_33 : vector<16xi32>
    %shift_right_logical3A_40 = arith.constant 1 : i32
    %shift_right_logical3A_41 = vector.broadcast %shift_right_logical3A_40 : i32 to vector<16xi32>
    %shift_right_logical3A_42 = arith.shrui %add3A_39, %shift_right_logical3A_41 : vector<16xi32>
    %min3A_43 = arith.constant 319999 : i32
    %min3A_44 = vector.broadcast %min3A_43 : i32 to vector<16xi32>
    %min3A_45 = arith.minsi %shift_right_logical3A_42, %min3A_44 : vector<16xi32>
    %swap3A = arith.constant 0 : index
    %swap3A_46 = tpu.vector_load %arg16[%swap3A] {strides = array<i32>} : memref<32xi32, #tpu.memory_space<vmem>>, vector<16xi32>,
    %swap3A_47 = vector.shape_cast %swap3A_46 : vector<16xi32> to vector<16xi32>
    %swap3A_48 = vector.shape_cast %min3A_38 : vector<16xi32> to vector<16xi32>
    tpu.vector_store %arg16[%swap3A], %swap3A_48 {strides = array<i32>} : memref<32xi32, #tpu.memory_space<vmem>>, vector<16xi32>,
    %swap3A_49 = arith.constant 16 : index
    %swap3A_50 = tpu.vector_load %arg16[%swap3A_49] {strides = array<i32>} : memref<32xi32, #tpu.memory_space<vmem>>, vector<16xi32>,
    %swap3A_51 = vector.shape_cast %swap3A_50 : vector<16xi32> to vector<16xi32>
    %swap3A_52 = vector.shape_cast %min3A_45 : vector<16xi32> to vector<16xi32>
    tpu.vector_store %arg16[%swap3A_49], %swap3A_52 {strides = array<i32>} : memref<32xi32, #tpu.memory_space<vmem>>, vector<16xi32>,
    %dma_start3A_53 = arith.constant 0 : i32
    %dma_start3A_54 = tpu.memref_slice %arg3[%dma_start3A_53] : memref<320000xi32, #tpu.memory_space<hbm>> -> memref<320000xi32, #tpu.memory_space<hbm>>
    tpu.enqueue_indirect_dma source(%dma_start3A_54 : memref<320000xi32, #tpu.memory_space<hbm>>) target(%arg17 : memref<32xi32, #tpu.memory_space<vmem>>) offsets(%arg16 : memref<32xi32, #tpu.memory_space<vmem>>) semaphore(%arg20 : memref<!tpu.dma_semaphore, #tpu.memory_space<semaphore_mem>>)
    %scan3A = arith.constant 0 : i32
    %scan3A_55 = arith.constant 39 : i32
    %scan3A_56 = arith.addi %scan3A, %scan3A_55 : i32
    %scan3A_57 = arith.constant 1 : i32
    %scan3A_58:4 = scf.for %scan3A_2519 = %scan3A to %scan3A_56 step %scan3A_57 iter_args(%scan3A_2520 = %broadcast_in_dim3A_30, %scan3A_2521 = %add3A_33, %scan3A_2522 = %broadcast_in_dim3A_30, %scan3A_2523 = %add3A_33) -> (vector<16xi32>, vector<16xi32>, vector<16xi32>, vector<16xi32>)  : i32 {
      %add3A_2524 = arith.addi %scan3A_2520, %scan3A_2521 : vector<16xi32>
      %shift_right_logical3A_2525 = arith.constant 1 : i32
      %shift_right_logical3A_2526 = vector.broadcast %shift_right_logical3A_2525 : i32 to vector<16xi32>
      %shift_right_logical3A_2527 = arith.shrui %add3A_2524, %shift_right_logical3A_2526 : vector<16xi32>
      %min3A_2528 = arith.constant 319999 : i32
      %min3A_2529 = vector.broadcast %min3A_2528 : i32 to vector<16xi32>
      %min3A_2530 = arith.minsi %shift_right_logical3A_2527, %min3A_2529 : vector<16xi32>
      %add3A_2531 = arith.addi %scan3A_2522, %scan3A_2523 : vector<16xi32>
      %shift_right_logical3A_2532 = arith.constant 1 : i32
      %shift_right_logical3A_2533 = vector.broadcast %shift_right_logical3A_2532 : i32 to vector<16xi32>
      %shift_right_logical3A_2534 = arith.shrui %add3A_2531, %shift_right_logical3A_2533 : vector<16xi32>
      %min3A_2535 = arith.constant 319999 : i32
      %min3A_2536 = vector.broadcast %min3A_2535 : i32 to vector<16xi32>
      %min3A_2537 = arith.minsi %shift_right_logical3A_2534, %min3A_2536 : vector<16xi32>
      %dma_wait3A_2538 = arith.constant 0 : i32
      %dma_wait3A_2539 = tpu.memref_slice %arg3[%dma_wait3A_2538] : memref<320000xi32, #tpu.memory_space<hbm>> -> memref<320000xi32, #tpu.memory_space<hbm>>
      tpu.wait_indirect_dma semaphore(%arg20 : memref<!tpu.dma_semaphore, #tpu.memory_space<semaphore_mem>>) src(%dma_wait3A_2539 : memref<320000xi32, #tpu.memory_space<hbm>>) dst(%arg17 : memref<32xi32, #tpu.memory_space<vmem>>)
      %get3A_2540 = arith.constant 0 : index
      %get3A_2541 = tpu.vector_load %arg17[%get3A_2540] {strides = array<i32>} : memref<32xi32, #tpu.memory_space<vmem>>, vector<16xi32>,
      %get3A_2542 = vector.shape_cast %get3A_2541 : vector<16xi32> to vector<16xi32>
      %get3A_2543 = arith.constant 16 : index
      %get3A_2544 = tpu.vector_load %arg17[%get3A_2543] {strides = array<i32>} : memref<32xi32, #tpu.memory_space<vmem>>, vector<16xi32>,
      %get3A_2545 = vector.shape_cast %get3A_2544 : vector<16xi32> to vector<16xi32>
      %lt3A_2546 = arith.cmpi slt, %get3A_2542, %add3A_26 : vector<16xi32>
      %lt3A_2547 = arith.cmpi slt, %get3A_2545, %add3A_29 : vector<16xi32>
      %add3A_2548 = arith.constant 1 : i32
      %add3A_2549 = vector.broadcast %add3A_2548 : i32 to vector<16xi32>
      %add3A_2550 = arith.addi %min3A_2530, %add3A_2549 : vector<16xi32>
      %select_n3A_2551 = arith.select %lt3A_2546, %add3A_2550, %scan3A_2520 : vector<16xi1>, vector<16xi32>
      %select_n3A_2552 = arith.select %lt3A_2546, %scan3A_2521, %min3A_2530 : vector<16xi1>, vector<16xi32>
      %add3A_2553 = arith.constant 1 : i32
      %add3A_2554 = vector.broadcast %add3A_2553 : i32 to vector<16xi32>
      %add3A_2555 = arith.addi %min3A_2537, %add3A_2554 : vector<16xi32>
      %select_n3A_2556 = arith.select %lt3A_2547, %add3A_2555, %scan3A_2522 : vector<16xi1>, vector<16xi32>
      %select_n3A_2557 = arith.select %lt3A_2547, %scan3A_2523, %min3A_2537 : vector<16xi1>, vector<16xi32>
      %add3A_2558 = arith.addi %select_n3A_2551, %select_n3A_2552 : vector<16xi32>
      %shift_right_logical3A_2559 = arith.constant 1 : i32
      %shift_right_logical3A_2560 = vector.broadcast %shift_right_logical3A_2559 : i32 to vector<16xi32>
      %shift_right_logical3A_2561 = arith.shrui %add3A_2558, %shift_right_logical3A_2560 : vector<16xi32>
      %min3A_2562 = arith.constant 319999 : i32
      %min3A_2563 = vector.broadcast %min3A_2562 : i32 to vector<16xi32>
      %min3A_2564 = arith.minsi %shift_right_logical3A_2561, %min3A_2563 : vector<16xi32>
      %add3A_2565 = arith.addi %select_n3A_2556, %select_n3A_2557 : vector<16xi32>
      %shift_right_logical3A_2566 = arith.constant 1 : i32
      %shift_right_logical3A_2567 = vector.broadcast %shift_right_logical3A_2566 : i32 to vector<16xi32>
      %shift_right_logical3A_2568 = arith.shrui %add3A_2565, %shift_right_logical3A_2567 : vector<16xi32>
      %min3A_2569 = arith.constant 319999 : i32
      %min3A_2570 = vector.broadcast %min3A_2569 : i32 to vector<16xi32>
      %min3A_2571 = arith.minsi %shift_right_logical3A_2568, %min3A_2570 : vector<16xi32>
      %swap3A_2572 = arith.constant 0 : index
      %swap3A_2573 = tpu.vector_load %arg16[%swap3A_2572] {strides = array<i32>} : memref<32xi32, #tpu.memory_space<vmem>>, vector<16xi32>,
      %swap3A_2574 = vector.shape_cast %swap3A_2573 : vector<16xi32> to vector<16xi32>
      %swap3A_2575 = vector.shape_cast %min3A_2564 : vector<16xi32> to vector<16xi32>
      tpu.vector_store %arg16[%swap3A_2572], %swap3A_2575 {strides = array<i32>} : memref<32xi32, #tpu.memory_space<vmem>>, vector<16xi32>,
      %swap3A_2576 = arith.constant 16 : index
      %swap3A_2577 = tpu.vector_load %arg16[%swap3A_2576] {strides = array<i32>} : memref<32xi32, #tpu.memory_space<vmem>>, vector<16xi32>,
      %swap3A_2578 = vector.shape_cast %swap3A_2577 : vector<16xi32> to vector<16xi32>
      %swap3A_2579 = vector.shape_cast %min3A_2571 : vector<16xi32> to vector<16xi32>
      tpu.vector_store %arg16[%swap3A_2576], %swap3A_2579 {strides = array<i32>} : memref<32xi32, #tpu.memory_space<vmem>>, vector<16xi32>,
      %dma_start3A_2580 = arith.constant 0 : i32
      %dma_start3A_2581 = tpu.memref_slice %arg3[%dma_start3A_2580] : memref<320000xi32, #tpu.memory_space<hbm>> -> memref<320000xi32, #tpu.memory_space<hbm>>
      tpu.enqueue_indirect_dma source(%dma_start3A_2581 : memref<320000xi32, #tpu.memory_space<hbm>>) target(%arg17 : memref<32xi32, #tpu.memory_space<vmem>>) offsets(%arg16 : memref<32xi32, #tpu.memory_space<vmem>>) semaphore(%arg20 : memref<!tpu.dma_semaphore, #tpu.memory_space<semaphore_mem>>)
      %dma_wait3A_2582 = arith.constant 0 : i32
      %dma_wait3A_2583 = arith.constant 0 : i32
      %dma_wait3A_2584 = tpu.memref_slice %arg2[%dma_wait3A_2582, %dma_wait3A_2583] : memref<320000x128xf32, #tpu.memory_space<hbm>> -> memref<128x128xf32, #tpu.memory_space<hbm>>
      %dma_wait3A_2585 = arith.constant 0 : i32
      %dma_wait3A_2586 = arith.constant 0 : i32
      %dma_wait3A_2587 = tpu.memref_slice %arg2[%dma_wait3A_2585, %dma_wait3A_2586] : memref<320000x128xf32, #tpu.memory_space<hbm>> -> memref<128x128xf32, #tpu.memory_space<hbm>>
      tpu.wait_dma2 semaphore(%arg18 : memref<!tpu.dma_semaphore, #tpu.memory_space<semaphore_mem>>) src(%dma_wait3A_2587 : memref<128x128xf32, #tpu.memory_space<hbm>>) dst(%arg7 : memref<128x128xf32, #tpu.memory_space<vmem>>)
      %dma_wait3A_2588 = arith.constant 0 : i32
      %dma_wait3A_2589 = tpu.memref_slice %arg3[%dma_wait3A_2588] : memref<320000xi32, #tpu.memory_space<hbm>> -> memref<128xi32, #tpu.memory_space<hbm>>
      %dma_wait3A_2590 = arith.constant 0 : i32
      %dma_wait3A_2591 = tpu.memref_slice %arg3[%dma_wait3A_2590] : memref<320000xi32, #tpu.memory_space<hbm>> -> memref<128xi32, #tpu.memory_space<hbm>>
      tpu.wait_dma2 semaphore(%arg18 : memref<!tpu.dma_semaphore, #tpu.memory_space<semaphore_mem>>) src(%dma_wait3A_2591 : memref<128xi32, #tpu.memory_space<hbm>>) dst(%arg10 : memref<128xi32, #tpu.memory_space<vmem>>)
      "tpu.region"() ({
        %run_scoped3A = tpu.sem_alloc : memref<!tpu.dma_semaphore, #tpu.memory_space<semaphore_mem>>
        %dma_start3A_2611 = arith.constant 0 : i32
        %dma_start3A_2612 = arith.constant 0 : i32
        %dma_start3A_2613 = tpu.memref_slice %arg22[%dma_start3A_2611, %dma_start3A_2612] : memref<512x128xf32, #tpu.memory_space<vmem_shared>> -> memref<512x128xf32, #tpu.memory_space<vmem_shared>>
        tpu.enqueue_indirect_dma source(%arg7 : memref<128x128xf32, #tpu.memory_space<vmem>>) target(%dma_start3A_2613 : memref<512x128xf32, #tpu.memory_space<vmem_shared>>) offsets(%arg10 : memref<128xi32, #tpu.memory_space<vmem>>) semaphore(%run_scoped3A : memref<!tpu.dma_semaphore, #tpu.memory_space<semaphore_mem>>) {add = true}
        %dma_wait3A_2614 = arith.constant 0 : i32
        %dma_wait3A_2615 = arith.constant 0 : i32
        %dma_wait3A_2616 = tpu.memref_slice %arg22[%dma_wait3A_2614, %dma_wait3A_2615] : memref<512x128xf32, #tpu.memory_space<vmem_shared>> -> memref<512x128xf32, #tpu.memory_space<vmem_shared>>
        tpu.wait_indirect_dma semaphore(%run_scoped3A : memref<!tpu.dma_semaphore, #tpu.memory_space<semaphore_mem>>) src(%arg7 : memref<128x128xf32, #tpu.memory_space<vmem>>) dst(%dma_wait3A_2616 : memref<512x128xf32, #tpu.memory_space<vmem_shared>>)
        tpu.yield
      }) : () -> ()
      %lt3A_2592 = arith.constant 38 : i32
      %lt3A_2593 = arith.cmpi slt, %scan3A_2519, %lt3A_2592 : i32
      %convert_element_type3A_2594 = arith.extui %lt3A_2593 : i1 to i32
      %cond3A = arith.constant 0 : i32
      %cond3A_2595 = arith.cmpi ne, %convert_element_type3A_2594, %cond3A : i32
      scf.if %cond3A_2595 {
        %mul3A_2611 = arith.constant 2 : i32
        %mul3A_2612 = arith.muli %mul3A_2611, %scan3A_2519 : i32
        %add3A_2613 = arith.constant 2 : i32
        %add3A_2614 = arith.addi %mul3A_2612, %add3A_2613 : i32
        %mul3A_2615 = arith.constant 128 : i32
        %mul3A_2616 = arith.muli %add3A_2614, %mul3A_2615 : i32
        %add3A_2617 = arith.addi %mul3A_4, %mul3A_2616 : i32
        %dma_start3A_2618 = arith.constant 0 : i32
        %dma_start3A_2619 = tpu.memref_slice %arg2[%add3A_2617, %dma_start3A_2618] : memref<320000x128xf32, #tpu.memory_space<hbm>> -> memref<128x128xf32, #tpu.memory_space<hbm>>
        %dma_start3A_2620 = arith.constant 0 : i32
        %dma_start3A_2621 = tpu.memref_slice %arg2[%add3A_2617, %dma_start3A_2620] : memref<320000x128xf32, #tpu.memory_space<hbm>> -> memref<128x128xf32, #tpu.memory_space<hbm>>
        tpu.enqueue_dma source(%dma_start3A_2621 : memref<128x128xf32, #tpu.memory_space<hbm>>) target(%arg7 : memref<128x128xf32, #tpu.memory_space<vmem>>) target_semaphore(%arg18 : memref<!tpu.dma_semaphore, #tpu.memory_space<semaphore_mem>>)
        %dma_start3A_2622 = tpu.memref_slice %arg3[%add3A_2617] : memref<320000xi32, #tpu.memory_space<hbm>> -> memref<128xi32, #tpu.memory_space<hbm>>
        %dma_start3A_2623 = tpu.memref_slice %arg3[%add3A_2617] : memref<320000xi32, #tpu.memory_space<hbm>> -> memref<128xi32, #tpu.memory_space<hbm>>
        tpu.enqueue_dma source(%dma_start3A_2623 : memref<128xi32, #tpu.memory_space<hbm>>) target(%arg10 : memref<128xi32, #tpu.memory_space<vmem>>) target_semaphore(%arg18 : memref<!tpu.dma_semaphore, #tpu.memory_space<semaphore_mem>>)
      } else {
      }
      %dma_wait3A_2596 = arith.constant 0 : i32
      %dma_wait3A_2597 = arith.constant 0 : i32
      %dma_wait3A_2598 = tpu.memref_slice %arg2[%dma_wait3A_2596, %dma_wait3A_2597] : memref<320000x128xf32, #tpu.memory_space<hbm>> -> memref<128x128xf32, #tpu.memory_space<hbm>>
      %dma_wait3A_2599 = arith.constant 0 : i32
      %dma_wait3A_2600 = arith.constant 0 : i32
      %dma_wait3A_2601 = tpu.memref_slice %arg2[%dma_wait3A_2599, %dma_wait3A_2600] : memref<320000x128xf32, #tpu.memory_space<hbm>> -> memref<128x128xf32, #tpu.memory_space<hbm>>
      tpu.wait_dma2 semaphore(%arg19 : memref<!tpu.dma_semaphore, #tpu.memory_space<semaphore_mem>>) src(%dma_wait3A_2601 : memref<128x128xf32, #tpu.memory_space<hbm>>) dst(%arg8 : memref<128x128xf32, #tpu.memory_space<vmem>>)
      %dma_wait3A_2602 = arith.constant 0 : i32
      %dma_wait3A_2603 = tpu.memref_slice %arg3[%dma_wait3A_2602] : memref<320000xi32, #tpu.memory_space<hbm>> -> memref<128xi32, #tpu.memory_space<hbm>>
      %dma_wait3A_2604 = arith.constant 0 : i32
      %dma_wait3A_2605 = tpu.memref_slice %arg3[%dma_wait3A_2604] : memref<320000xi32, #tpu.memory_space<hbm>> -> memref<128xi32, #tpu.memory_space<hbm>>
      tpu.wait_dma2 semaphore(%arg19 : memref<!tpu.dma_semaphore, #tpu.memory_space<semaphore_mem>>) src(%dma_wait3A_2605 : memref<128xi32, #tpu.memory_space<hbm>>) dst(%arg11 : memref<128xi32, #tpu.memory_space<vmem>>)
      "tpu.region"() ({
        %run_scoped3A = tpu.sem_alloc : memref<!tpu.dma_semaphore, #tpu.memory_space<semaphore_mem>>
        %dma_start3A_2611 = arith.constant 0 : i32
        %dma_start3A_2612 = arith.constant 0 : i32
        %dma_start3A_2613 = tpu.memref_slice %arg22[%dma_start3A_2611, %dma_start3A_2612] : memref<512x128xf32, #tpu.memory_space<vmem_shared>> -> memref<512x128xf32, #tpu.memory_space<vmem_shared>>
        tpu.enqueue_indirect_dma source(%arg8 : memref<128x128xf32, #tpu.memory_space<vmem>>) target(%dma_start3A_2613 : memref<512x128xf32, #tpu.memory_space<vmem_shared>>) offsets(%arg11 : memref<128xi32, #tpu.memory_space<vmem>>) semaphore(%run_scoped3A : memref<!tpu.dma_semaphore, #tpu.memory_space<semaphore_mem>>) {add = true}
        %dma_wait3A_2614 = arith.constant 0 : i32
        %dma_wait3A_2615 = arith.constant 0 : i32
        %dma_wait3A_2616 = tpu.memref_slice %arg22[%dma_wait3A_2614, %dma_wait3A_2615] : memref<512x128xf32, #tpu.memory_space<vmem_shared>> -> memref<512x128xf32, #tpu.memory_space<vmem_shared>>
        tpu.wait_indirect_dma semaphore(%run_scoped3A : memref<!tpu.dma_semaphore, #tpu.memory_space<semaphore_mem>>) src(%arg8 : memref<128x128xf32, #tpu.memory_space<vmem>>) dst(%dma_wait3A_2616 : memref<512x128xf32, #tpu.memory_space<vmem_shared>>)
        tpu.yield
      }) : () -> ()
      %lt3A_2606 = arith.constant 38 : i32
      %lt3A_2607 = arith.cmpi slt, %scan3A_2519, %lt3A_2606 : i32
      %convert_element_type3A_2608 = arith.extui %lt3A_2607 : i1 to i32
      %cond3A_2609 = arith.constant 0 : i32
      %cond3A_2610 = arith.cmpi ne, %convert_element_type3A_2608, %cond3A_2609 : i32
      scf.if %cond3A_2610 {
        %mul3A_2611 = arith.constant 2 : i32
        %mul3A_2612 = arith.muli %mul3A_2611, %scan3A_2519 : i32
        %add3A_2613 = arith.constant 3 : i32
        %add3A_2614 = arith.addi %mul3A_2612, %add3A_2613 : i32
        %mul3A_2615 = arith.constant 128 : i32
        %mul3A_2616 = arith.muli %add3A_2614, %mul3A_2615 : i32
        %add3A_2617 = arith.addi %mul3A_4, %mul3A_2616 : i32
        %dma_start3A_2618 = arith.constant 0 : i32
        %dma_start3A_2619 = tpu.memref_slice %arg2[%add3A_2617, %dma_start3A_2618] : memref<320000x128xf32, #tpu.memory_space<hbm>> -> memref<128x128xf32, #tpu.memory_space<hbm>>
        %dma_start3A_2620 = arith.constant 0 : i32
        %dma_start3A_2621 = tpu.memref_slice %arg2[%add3A_2617, %dma_start3A_2620] : memref<320000x128xf32, #tpu.memory_space<hbm>> -> memref<128x128xf32, #tpu.memory_space<hbm>>
        tpu.enqueue_dma source(%dma_start3A_2621 : memref<128x128xf32, #tpu.memory_space<hbm>>) target(%arg8 : memref<128x128xf32, #tpu.memory_space<vmem>>) target_semaphore(%arg19 : memref<!tpu.dma_semaphore, #tpu.memory_space<semaphore_mem>>)
        %dma_start3A_2622 = tpu.memref_slice %arg3[%add3A_2617] : memref<320000xi32, #tpu.memory_space<hbm>> -> memref<128xi32, #tpu.memory_space<hbm>>
        %dma_start3A_2623 = tpu.memref_slice %arg3[%add3A_2617] : memref<320000xi32, #tpu.memory_space<hbm>> -> memref<128xi32, #tpu.memory_space<hbm>>
        tpu.enqueue_dma source(%dma_start3A_2623 : memref<128xi32, #tpu.memory_space<hbm>>) target(%arg11 : memref<128xi32, #tpu.memory_space<vmem>>) target_semaphore(%arg19 : memref<!tpu.dma_semaphore, #tpu.memory_space<semaphore_mem>>)
      } else {
      }
      scf.yield %select_n3A_2551, %select_n3A_2552, %select_n3A_2556, %select_n3A_2557 : vector<16xi32>, vector<16xi32>, vector<16xi32>, vector<16xi32>
    }
    %scan3A_59 = arith.constant 39 : i32
    %add3A_60 = arith.constant 9984 : i32
    %add3A_61 = arith.addi %mul3A_4, %add3A_60 : i32
    %dma_start3A_62 = arith.constant 0 : i32
    %dma_start3A_63 = tpu.memref_slice %arg2[%add3A_61, %dma_start3A_62] : memref<320000x128xf32, #tpu.memory_space<hbm>> -> memref<16x128xf32, #tpu.memory_space<hbm>>
    %dma_start3A_64 = arith.constant 0 : i32
    %dma_start3A_65 = tpu.memref_slice %arg2[%add3A_61, %dma_start3A_64] : memref<320000x128xf32, #tpu.memory_space<hbm>> -> memref<16x128xf32, #tpu.memory_space<hbm>>
    tpu.enqueue_dma source(%dma_start3A_65 : memref<16x128xf32, #tpu.memory_space<hbm>>) target(%arg9 : memref<16x128xf32, #tpu.memory_space<vmem>>) target_semaphore(%arg18 : memref<!tpu.dma_semaphore, #tpu.memory_space<semaphore_mem>>)
    %dma_start3A_66 = tpu.memref_slice %arg3[%add3A_61] : memref<320000xi32, #tpu.memory_space<hbm>> -> memref<16xi32, #tpu.memory_space<hbm>>
    %dma_start3A_67 = tpu.memref_slice %arg3[%add3A_61] : memref<320000xi32, #tpu.memory_space<hbm>> -> memref<16xi32, #tpu.memory_space<hbm>>
    tpu.enqueue_dma source(%dma_start3A_67 : memref<16xi32, #tpu.memory_space<hbm>>) target(%arg12 : memref<16xi32, #tpu.memory_space<vmem>>) target_semaphore(%arg18 : memref<!tpu.dma_semaphore, #tpu.memory_space<semaphore_mem>>)
    %dma_wait3A = arith.constant 0 : i32
    %dma_wait3A_68 = arith.constant 0 : i32
    %dma_wait3A_69 = tpu.memref_slice %arg2[%dma_wait3A, %dma_wait3A_68] : memref<320000x128xf32, #tpu.memory_space<hbm>> -> memref<16x128xf32, #tpu.memory_space<hbm>>
    %dma_wait3A_70 = arith.constant 0 : i32
    %dma_wait3A_71 = arith.constant 0 : i32
    %dma_wait3A_72 = tpu.memref_slice %arg2[%dma_wait3A_70, %dma_wait3A_71] : memref<320000x128xf32, #tpu.memory_space<hbm>> -> memref<16x128xf32, #tpu.memory_space<hbm>>
    tpu.wait_dma2 semaphore(%arg18 : memref<!tpu.dma_semaphore, #tpu.memory_space<semaphore_mem>>) src(%dma_wait3A_72 : memref<16x128xf32, #tpu.memory_space<hbm>>) dst(%arg9 : memref<16x128xf32, #tpu.memory_space<vmem>>)
    %dma_wait3A_73 = arith.constant 0 : i32
    %dma_wait3A_74 = tpu.memref_slice %arg3[%dma_wait3A_73] : memref<320000xi32, #tpu.memory_space<hbm>> -> memref<16xi32, #tpu.memory_space<hbm>>
    %dma_wait3A_75 = arith.constant 0 : i32
    %dma_wait3A_76 = tpu.memref_slice %arg3[%dma_wait3A_75] : memref<320000xi32, #tpu.memory_space<hbm>> -> memref<16xi32, #tpu.memory_space<hbm>>
    tpu.wait_dma2 semaphore(%arg18 : memref<!tpu.dma_semaphore, #tpu.memory_space<semaphore_mem>>) src(%dma_wait3A_76 : memref<16xi32, #tpu.memory_space<hbm>>) dst(%arg12 : memref<16xi32, #tpu.memory_space<vmem>>)
    "tpu.region"() ({
      %run_scoped3A = tpu.sem_alloc : memref<!tpu.dma_semaphore, #tpu.memory_space<semaphore_mem>>
      %dma_start3A_2519 = arith.constant 0 : i32
      %dma_start3A_2520 = arith.constant 0 : i32
      %dma_start3A_2521 = tpu.memref_slice %arg22[%dma_start3A_2519, %dma_start3A_2520] : memref<512x128xf32, #tpu.memory_space<vmem_shared>> -> memref<512x128xf32, #tpu.memory_space<vmem_shared>>
      tpu.enqueue_indirect_dma source(%arg9 : memref<16x128xf32, #tpu.memory_space<vmem>>) target(%dma_start3A_2521 : memref<512x128xf32, #tpu.memory_space<vmem_shared>>) offsets(%arg12 : memref<16xi32, #tpu.memory_space<vmem>>) semaphore(%run_scoped3A : memref<!tpu.dma_semaphore, #tpu.memory_space<semaphore_mem>>) {add = true}
      %dma_wait3A_2522 = arith.constant 0 : i32
      %dma_wait3A_2523 = arith.constant 0 : i32
      %dma_wait3A_2524 = tpu.memref_slice %arg22[%dma_wait3A_2522, %dma_wait3A_2523] : memref<512x128xf32, #tpu.memory_space<vmem_shared>> -> memref<512x128xf32, #tpu.memory_space<vmem_shared>>
      tpu.wait_indirect_dma semaphore(%run_scoped3A : memref<!tpu.dma_semaphore, #tpu.memory_space<semaphore_mem>>) src(%arg9 : memref<16x128xf32, #tpu.memory_space<vmem>>) dst(%dma_wait3A_2524 : memref<512x128xf32, #tpu.memory_space<vmem_shared>>)
      tpu.yield
    }) : () -> ()
    %add3A_77 = arith.addi %scan3A_58#0, %scan3A_58#1 : vector<16xi32>
    %shift_right_logical3A_78 = arith.constant 1 : i32
    %shift_right_logical3A_79 = vector.broadcast %shift_right_logical3A_78 : i32 to vector<16xi32>
    %shift_right_logical3A_80 = arith.shrui %add3A_77, %shift_right_logical3A_79 : vector<16xi32>
    %min3A_81 = arith.constant 319999 : i32
    %min3A_82 = vector.broadcast %min3A_81 : i32 to vector<16xi32>
    %min3A_83 = arith.minsi %shift_right_logical3A_80, %min3A_82 : vector<16xi32>
    %add3A_84 = arith.addi %scan3A_58#2, %scan3A_58#3 : vector<16xi32>
    %shift_right_logical3A_85 = arith.constant 1 : i32
    %shift_right_logical3A_86 = vector.broadcast %shift_right_logical3A_85 : i32 to vector<16xi32>
    %shift_right_logical3A_87 = arith.shrui %add3A_84, %shift_right_logical3A_86 : vector<16xi32>
    %min3A_88 = arith.constant 319999 : i32
    %min3A_89 = vector.broadcast %min3A_88 : i32 to vector<16xi32>
    %min3A_90 = arith.minsi %shift_right_logical3A_87, %min3A_89 : vector<16xi32>
    %dma_wait3A_91 = arith.constant 0 : i32
    %dma_wait3A_92 = tpu.memref_slice %arg3[%dma_wait3A_91] : memref<320000xi32, #tpu.memory_space<hbm>> -> memref<320000xi32, #tpu.memory_space<hbm>>
    tpu.wait_indirect_dma semaphore(%arg20 : memref<!tpu.dma_semaphore, #tpu.memory_space<semaphore_mem>>) src(%dma_wait3A_92 : memref<320000xi32, #tpu.memory_space<hbm>>) dst(%arg17 : memref<32xi32, #tpu.memory_space<vmem>>)
    %get3A = arith.constant 0 : index
    %get3A_93 = tpu.vector_load %arg17[%get3A] {strides = array<i32>} : memref<32xi32, #tpu.memory_space<vmem>>, vector<16xi32>,
    %get3A_94 = vector.shape_cast %get3A_93 : vector<16xi32> to vector<16xi32>
    %get3A_95 = arith.constant 16 : index
    %get3A_96 = tpu.vector_load %arg17[%get3A_95] {strides = array<i32>} : memref<32xi32, #tpu.memory_space<vmem>>, vector<16xi32>,
    %get3A_97 = vector.shape_cast %get3A_96 : vector<16xi32> to vector<16xi32>
    %lt3A = arith.cmpi slt, %get3A_94, %add3A_26 : vector<16xi32>
    %lt3A_98 = arith.cmpi slt, %get3A_97, %add3A_29 : vector<16xi32>
    %add3A_99 = arith.constant 1 : i32
    %add3A_100 = vector.broadcast %add3A_99 : i32 to vector<16xi32>
    %add3A_101 = arith.addi %min3A_83, %add3A_100 : vector<16xi32>
    %select_n3A = arith.select %lt3A, %add3A_101, %scan3A_58#0 : vector<16xi1>, vector<16xi32>
    %select_n3A_102 = arith.select %lt3A, %scan3A_58#1, %min3A_83 : vector<16xi1>, vector<16xi32>
    %add3A_103 = arith.constant 1 : i32
    %add3A_104 = vector.broadcast %add3A_103 : i32 to vector<16xi32>
    %add3A_105 = arith.addi %min3A_90, %add3A_104 : vector<16xi32>
    %select_n3A_106 = arith.select %lt3A_98, %add3A_105, %scan3A_58#2 : vector<16xi1>, vector<16xi32>
    %select_n3A_107 = arith.select %lt3A_98, %scan3A_58#3, %min3A_90 : vector<16xi1>, vector<16xi32>
    %sub3A = arith.subi %select_n3A_106, %select_n3A : vector<16xi32>
    %convert_element_type3A = arith.sitofp %sub3A : vector<16xi32> to vector<16xf32>
    %max3A = arith.constant 1.000000e+00 : f32
    %max3A_108 = vector.broadcast %max3A : f32 to vector<16xf32>
    %max3A_109 = arith.maximumf %convert_element_type3A, %max3A_108 : vector<16xf32>
    %div3A = arith.constant 1.000000e+00 : f32
    %div3A_110 = vector.broadcast %div3A : f32 to vector<16xf32>
    %div3A_111 = arith.divf %div3A_110, %max3A_109 : vector<16xf32>
    %barrier3A_112 = arith.constant 0 : index
    tpu.barrier barrier_id(%barrier3A_112)
    %sub3A_113 = arith.constant 1 : i32
    %sub3A_114 = arith.subi %sub3A_113, %arg0 : i32
    %mul3A_115 = arith.constant 256 : i32
    %mul3A_116 = arith.muli %mul3A_115, %sub3A_114 : i32
    %mul3A_117 = arith.constant 16 : i32
    %mul3A_118 = arith.muli %mul3A_117, %arg1 : i32
    %add3A_119 = arith.addi %mul3A_116, %mul3A_118 : i32
    "tpu.region"() ({
      %run_scoped3A = tpu.sem_alloc : memref<!tpu.dma_semaphore, #tpu.memory_space<semaphore_mem>>
      %dma_start3A_2519 = arith.constant 0 : i32
      %dma_start3A_2520 = tpu.memref_slice %arg22[%add3A_119, %dma_start3A_2519] : memref<512x128xf32, #tpu.memory_space<vmem_shared>> -> memref<16x128xf32, #tpu.memory_space<vmem_shared>>
      %dma_start3A_2521 = arith.constant 0 : i32
      %dma_start3A_2522 = tpu.memref_slice %arg22[%add3A_119, %dma_start3A_2521] : memref<512x128xf32, #tpu.memory_space<vmem_shared>> -> memref<16x128xf32, #tpu.memory_space<vmem_shared>>
      tpu.enqueue_dma source(%dma_start3A_2522 : memref<16x128xf32, #tpu.memory_space<vmem_shared>>) target(%arg14 : memref<16x128xf32, #tpu.memory_space<vmem>>) target_semaphore(%run_scoped3A : memref<!tpu.dma_semaphore, #tpu.memory_space<semaphore_mem>>)
      %dma_wait3A_2523 = arith.constant 0 : i32
      %dma_wait3A_2524 = tpu.memref_slice %arg22[%add3A_119, %dma_wait3A_2523] : memref<512x128xf32, #tpu.memory_space<vmem_shared>> -> memref<16x128xf32, #tpu.memory_space<vmem_shared>>
      %dma_wait3A_2525 = arith.constant 0 : i32
      %dma_wait3A_2526 = tpu.memref_slice %arg22[%add3A_119, %dma_wait3A_2525] : memref<512x128xf32, #tpu.memory_space<vmem_shared>> -> memref<16x128xf32, #tpu.memory_space<vmem_shared>>
      tpu.wait_dma2 semaphore(%run_scoped3A : memref<!tpu.dma_semaphore, #tpu.memory_space<semaphore_mem>>) src(%dma_wait3A_2526 : memref<16x128xf32, #tpu.memory_space<vmem_shared>>) dst(%arg14 : memref<16x128xf32, #tpu.memory_space<vmem>>)
      tpu.yield
    }) : () -> ()
    "tpu.region"() ({
      %run_scoped3A = tpu.sem_alloc : memref<!tpu.dma_semaphore, #tpu.memory_space<semaphore_mem>>
      %dma_start3A_2519 = arith.constant 0 : i32
      %dma_start3A_2520 = tpu.memref_slice %arg6[%add3A_119, %dma_start3A_2519] : memref<512x128xf32, #tpu.memory_space<hbm>> -> memref<16x128xf32, #tpu.memory_space<hbm>>
      %dma_start3A_2521 = arith.constant 0 : i32
      %dma_start3A_2522 = tpu.memref_slice %arg6[%add3A_119, %dma_start3A_2521] : memref<512x128xf32, #tpu.memory_space<hbm>> -> memref<16x128xf32, #tpu.memory_space<hbm>>
      tpu.enqueue_dma source(%arg14 : memref<16x128xf32, #tpu.memory_space<vmem>>) target(%dma_start3A_2522 : memref<16x128xf32, #tpu.memory_space<hbm>>) target_semaphore(%run_scoped3A : memref<!tpu.dma_semaphore, #tpu.memory_space<semaphore_mem>>)
      %dma_wait3A_2523 = arith.constant 0 : i32
      %dma_wait3A_2524 = tpu.memref_slice %arg6[%add3A_119, %dma_wait3A_2523] : memref<512x128xf32, #tpu.memory_space<hbm>> -> memref<16x128xf32, #tpu.memory_space<hbm>>
      %dma_wait3A_2525 = arith.constant 0 : i32
      %dma_wait3A_2526 = tpu.memref_slice %arg6[%add3A_119, %dma_wait3A_2525] : memref<512x128xf32, #tpu.memory_space<hbm>> -> memref<16x128xf32, #tpu.memory_space<hbm>>
      tpu.wait_dma2 semaphore(%run_scoped3A : memref<!tpu.dma_semaphore, #tpu.memory_space<semaphore_mem>>) src(%arg14 : memref<16x128xf32, #tpu.memory_space<vmem>>) dst(%dma_wait3A_2526 : memref<16x128xf32, #tpu.memory_space<hbm>>)
      tpu.yield
    }) : () -> ()
    %semaphore_signal3A = arith.constant 1 : i32
    tpu.sem_signal %arg21, %semaphore_signal3A core_id %sub3A_114 : memref<!tpu.semaphore, #tpu.memory_space<semaphore_mem>>
    %semaphore_wait3A = arith.constant 1 : i32
    %semaphore_wait3A_120 = arith.constant true
    tpu.sem_wait %arg21, %semaphore_wait3A : memref<!tpu.semaphore, #tpu.memory_space<semaphore_mem>>
    "tpu.region"() ({
      %run_scoped3A = tpu.sem_alloc : memref<!tpu.dma_semaphore, #tpu.memory_space<semaphore_mem>>
      %dma_start3A_2519 = arith.constant 0 : i32
      %dma_start3A_2520 = tpu.memref_slice %arg6[%add3A_24, %dma_start3A_2519] : memref<512x128xf32, #tpu.memory_space<hbm>> -> memref<16x128xf32, #tpu.memory_space<hbm>>
      %dma_start3A_2521 = arith.constant 0 : i32
      %dma_start3A_2522 = tpu.memref_slice %arg6[%add3A_24, %dma_start3A_2521] : memref<512x128xf32, #tpu.memory_space<hbm>> -> memref<16x128xf32, #tpu.memory_space<hbm>>
      tpu.enqueue_dma source(%dma_start3A_2522 : memref<16x128xf32, #tpu.memory_space<hbm>>) target(%arg15 : memref<16x128xf32, #tpu.memory_space<vmem>>) target_semaphore(%run_scoped3A : memref<!tpu.dma_semaphore, #tpu.memory_space<semaphore_mem>>)
      %dma_wait3A_2523 = arith.constant 0 : i32
      %dma_wait3A_2524 = tpu.memref_slice %arg6[%add3A_24, %dma_wait3A_2523] : memref<512x128xf32, #tpu.memory_space<hbm>> -> memref<16x128xf32, #tpu.memory_space<hbm>>
      %dma_wait3A_2525 = arith.constant 0 : i32
      %dma_wait3A_2526 = tpu.memref_slice %arg6[%add3A_24, %dma_wait3A_2525] : memref<512x128xf32, #tpu.memory_space<hbm>> -> memref<16x128xf32, #tpu.memory_space<hbm>>
      tpu.wait_dma2 semaphore(%run_scoped3A : memref<!tpu.dma_semaphore, #tpu.memory_space<semaphore_mem>>) src(%dma_wait3A_2526 : memref<16x128xf32, #tpu.memory_space<hbm>>) dst(%arg15 : memref<16x128xf32, #tpu.memory_space<vmem>>)
      tpu.yield
    }) : () -> ()
    "tpu.region"() ({
      %run_scoped3A = tpu.sem_alloc : memref<!tpu.dma_semaphore, #tpu.memory_space<semaphore_mem>>
      %dma_start3A_2519 = arith.constant 0 : i32
      %dma_start3A_2520 = tpu.memref_slice %arg22[%add3A_24, %dma_start3A_2519] : memref<512x128xf32, #tpu.memory_space<vmem_shared>> -> memref<16x128xf32, #tpu.memory_space<vmem_shared>>
      %dma_start3A_2521 = arith.constant 0 : i32
      %dma_start3A_2522 = tpu.memref_slice %arg22[%add3A_24, %dma_start3A_2521] : memref<512x128xf32, #tpu.memory_space<vmem_shared>> -> memref<16x128xf32, #tpu.memory_space<vmem_shared>>
      tpu.enqueue_dma source(%dma_start3A_2522 : memref<16x128xf32, #tpu.memory_space<vmem_shared>>) target(%arg14 : memref<16x128xf32, #tpu.memory_space<vmem>>) target_semaphore(%run_scoped3A : memref<!tpu.dma_semaphore, #tpu.memory_space<semaphore_mem>>)
      %dma_wait3A_2523 = arith.constant 0 : i32
      %dma_wait3A_2524 = tpu.memref_slice %arg22[%add3A_24, %dma_wait3A_2523] : memref<512x128xf32, #tpu.memory_space<vmem_shared>> -> memref<16x128xf32, #tpu.memory_space<vmem_shared>>
      %dma_wait3A_2525 = arith.constant 0 : i32
      %dma_wait3A_2526 = tpu.memref_slice %arg22[%add3A_24, %dma_wait3A_2525] : memref<512x128xf32, #tpu.memory_space<vmem_shared>> -> memref<16x128xf32, #tpu.memory_space<vmem_shared>>
      tpu.wait_dma2 semaphore(%run_scoped3A : memref<!tpu.dma_semaphore, #tpu.memory_space<semaphore_mem>>) src(%dma_wait3A_2526 : memref<16x128xf32, #tpu.memory_space<vmem_shared>>) dst(%arg14 : memref<16x128xf32, #tpu.memory_space<vmem>>)
      tpu.yield
    }) : () -> ()
    %broadcast_in_dim3A_121 = arith.constant 0.000000e+00 : f32
    %broadcast_in_dim3A_122 = vector.broadcast %broadcast_in_dim3A_121 : f32 to vector<16xf32>
    %slice3A = vector.extract_strided_slice %div3A_111 {offsets = [0], sizes = [1], strides = [1]} : vector<16xf32> to vector<1xf32>
    %squeeze3A = vector.extract %slice3A[0] : f32 from vector<1xf32>
    %add3A_123 = vector.broadcast %squeeze3A : f32 to vector<16xf32>
    %add3A_124 = arith.addf %broadcast_in_dim3A_122, %add3A_123 : vector<16xf32>
    %get3A_125 = arith.constant 0 : i32
    %get3A_126 = arith.index_cast %get3A_125 : i32 to index
    %get3A_127 = arith.constant 0 : index
    %get3A_128 = tpu.vector_load %arg14[%get3A_126, %get3A_127] {strides = array<i32>} : memref<16x128xf32, #tpu.memory_space<vmem>>, vector<1x16xf32>,
    %get3A_129 = vector.shape_cast %get3A_128 : vector<1x16xf32> to vector<16xf32>
    %get3A_130 = arith.constant 0 : i32
    %get3A_131 = arith.index_cast %get3A_130 : i32 to index
    %get3A_132 = arith.constant 0 : index
    %get3A_133 = tpu.vector_load %arg15[%get3A_131, %get3A_132] {strides = array<i32>} : memref<16x128xf32, #tpu.memory_space<vmem>>, vector<1x16xf32>,
    %get3A_134 = vector.shape_cast %get3A_133 : vector<1x16xf32> to vector<16xf32>
    %add3A_135 = arith.addf %get3A_129, %get3A_134 : vector<16xf32>
    %mul3A_136 = arith.mulf %add3A_135, %add3A_124 : vector<16xf32>
    %swap3A_137 = arith.constant 0 : i32
    %swap3A_138 = arith.index_cast %swap3A_137 : i32 to index
    %swap3A_139 = arith.constant 0 : index
    %swap3A_140 = tpu.vector_load %arg14[%swap3A_138, %swap3A_139] {strides = array<i32>} : memref<16x128xf32, #tpu.memory_space<vmem>>, vector<1x16xf32>,
    %swap3A_141 = vector.shape_cast %swap3A_140 : vector<1x16xf32> to vector<16xf32>
    %swap3A_142 = vector.shape_cast %mul3A_136 : vector<16xf32> to vector<1x16xf32>
    tpu.vector_store %arg14[%swap3A_138, %swap3A_139], %swap3A_142 {strides = array<i32>} : memref<16x128xf32, #tpu.memory_space<vmem>>, vector<1x16xf32>,
    %get3A_143 = arith.constant 0 : i32
    %get3A_144 = arith.index_cast %get3A_143 : i32 to index
    %get3A_145 = arith.constant 16 : index
    %get3A_146 = tpu.vector_load %arg14[%get3A_144, %get3A_145] {strides = array<i32>} : memref<16x128xf32, #tpu.memory_space<vmem>>, vector<1x16xf32>,
    %get3A_147 = vector.shape_cast %get3A_146 : vector<1x16xf32> to vector<16xf32>
    %get3A_148 = arith.constant 0 : i32
    %get3A_149 = arith.index_cast %get3A_148 : i32 to index
    %get3A_150 = arith.constant 16 : index
    %get3A_151 = tpu.vector_load %arg15[%get3A_149, %get3A_150] {strides = array<i32>} : memref<16x128xf32, #tpu.memory_space<vmem>>, vector<1x16xf32>,
    %get3A_152 = vector.shape_cast %get3A_151 : vector<1x16xf32> to vector<16xf32>
    %add3A_153 = arith.addf %get3A_147, %get3A_152 : vector<16xf32>
    %mul3A_154 = arith.mulf %add3A_153, %add3A_124 : vector<16xf32>
    %swap3A_155 = arith.constant 0 : i32
    %swap3A_156 = arith.index_cast %swap3A_155 : i32 to index
    %swap3A_157 = arith.constant 16 : index
    %swap3A_158 = tpu.vector_load %arg14[%swap3A_156, %swap3A_157] {strides = array<i32>} : memref<16x128xf32, #tpu.memory_space<vmem>>, vector<1x16xf32>,
    %swap3A_159 = vector.shape_cast %swap3A_158 : vector<1x16xf32> to vector<16xf32>
    %swap3A_160 = vector.shape_cast %mul3A_154 : vector<16xf32> to vector<1x16xf32>
    tpu.vector_store %arg14[%swap3A_156, %swap3A_157], %swap3A_160 {strides = array<i32>} : memref<16x128xf32, #tpu.memory_space<vmem>>, vector<1x16xf32>,
    %get3A_161 = arith.constant 0 : i32
    %get3A_162 = arith.index_cast %get3A_161 : i32 to index
    %get3A_163 = arith.constant 32 : index
    %get3A_164 = tpu.vector_load %arg14[%get3A_162, %get3A_163] {strides = array<i32>} : memref<16x128xf32, #tpu.memory_space<vmem>>, vector<1x16xf32>,
    %get3A_165 = vector.shape_cast %get3A_164 : vector<1x16xf32> to vector<16xf32>
    %get3A_166 = arith.constant 0 : i32
    %get3A_167 = arith.index_cast %get3A_166 : i32 to index
    %get3A_168 = arith.constant 32 : index
    %get3A_169 = tpu.vector_load %arg15[%get3A_167, %get3A_168] {strides = array<i32>} : memref<16x128xf32, #tpu.memory_space<vmem>>, vector<1x16xf32>,
    %get3A_170 = vector.shape_cast %get3A_169 : vector<1x16xf32> to vector<16xf32>
    %add3A_171 = arith.addf %get3A_165, %get3A_170 : vector<16xf32>
    %mul3A_172 = arith.mulf %add3A_171, %add3A_124 : vector<16xf32>
    %swap3A_173 = arith.constant 0 : i32
    %swap3A_174 = arith.index_cast %swap3A_173 : i32 to index
    %swap3A_175 = arith.constant 32 : index
    %swap3A_176 = tpu.vector_load %arg14[%swap3A_174, %swap3A_175] {strides = array<i32>} : memref<16x128xf32, #tpu.memory_space<vmem>>, vector<1x16xf32>,
    %swap3A_177 = vector.shape_cast %swap3A_176 : vector<1x16xf32> to vector<16xf32>
    %swap3A_178 = vector.shape_cast %mul3A_172 : vector<16xf32> to vector<1x16xf32>
    tpu.vector_store %arg14[%swap3A_174, %swap3A_175], %swap3A_178 {strides = array<i32>} : memref<16x128xf32, #tpu.memory_space<vmem>>, vector<1x16xf32>,
    %get3A_179 = arith.constant 0 : i32
    %get3A_180 = arith.index_cast %get3A_179 : i32 to index
    %get3A_181 = arith.constant 48 : index
    %get3A_182 = tpu.vector_load %arg14[%get3A_180, %get3A_181] {strides = array<i32>} : memref<16x128xf32, #tpu.memory_space<vmem>>, vector<1x16xf32>,
    %get3A_183 = vector.shape_cast %get3A_182 : vector<1x16xf32> to vector<16xf32>
    %get3A_184 = arith.constant 0 : i32
    %get3A_185 = arith.index_cast %get3A_184 : i32 to index
    %get3A_186 = arith.constant 48 : index
    %get3A_187 = tpu.vector_load %arg15[%get3A_185, %get3A_186] {strides = array<i32>} : memref<16x128xf32, #tpu.memory_space<vmem>>, vector<1x16xf32>,
    %get3A_188 = vector.shape_cast %get3A_187 : vector<1x16xf32> to vector<16xf32>
    %add3A_189 = arith.addf %get3A_183, %get3A_188 : vector<16xf32>
    %mul3A_190 = arith.mulf %add3A_189, %add3A_124 : vector<16xf32>
    %swap3A_191 = arith.constant 0 : i32
    %swap3A_192 = arith.index_cast %swap3A_191 : i32 to index
    %swap3A_193 = arith.constant 48 : index
    %swap3A_194 = tpu.vector_load %arg14[%swap3A_192, %swap3A_193] {strides = array<i32>} : memref<16x128xf32, #tpu.memory_space<vmem>>, vector<1x16xf32>,
    %swap3A_195 = vector.shape_cast %swap3A_194 : vector<1x16xf32> to vector<16xf32>
    %swap3A_196 = vector.shape_cast %mul3A_190 : vector<16xf32> to vector<1x16xf32>
    tpu.vector_store %arg14[%swap3A_192, %swap3A_193], %swap3A_196 {strides = array<i32>} : memref<16x128xf32, #tpu.memory_space<vmem>>, vector<1x16xf32>,
    %get3A_197 = arith.constant 0 : i32
    %get3A_198 = arith.index_cast %get3A_197 : i32 to index
    %get3A_199 = arith.constant 64 : index
    %get3A_200 = tpu.vector_load %arg14[%get3A_198, %get3A_199] {strides = array<i32>} : memref<16x128xf32, #tpu.memory_space<vmem>>, vector<1x16xf32>,
    %get3A_201 = vector.shape_cast %get3A_200 : vector<1x16xf32> to vector<16xf32>
    %get3A_202 = arith.constant 0 : i32
    %get3A_203 = arith.index_cast %get3A_202 : i32 to index
    %get3A_204 = arith.constant 64 : index
    %get3A_205 = tpu.vector_load %arg15[%get3A_203, %get3A_204] {strides = array<i32>} : memref<16x128xf32, #tpu.memory_space<vmem>>, vector<1x16xf32>,
    %get3A_206 = vector.shape_cast %get3A_205 : vector<1x16xf32> to vector<16xf32>
    %add3A_207 = arith.addf %get3A_201, %get3A_206 : vector<16xf32>
    %mul3A_208 = arith.mulf %add3A_207, %add3A_124 : vector<16xf32>
    %swap3A_209 = arith.constant 0 : i32
    %swap3A_210 = arith.index_cast %swap3A_209 : i32 to index
    %swap3A_211 = arith.constant 64 : index
    %swap3A_212 = tpu.vector_load %arg14[%swap3A_210, %swap3A_211] {strides = array<i32>} : memref<16x128xf32, #tpu.memory_space<vmem>>, vector<1x16xf32>,
    %swap3A_213 = vector.shape_cast %swap3A_212 : vector<1x16xf32> to vector<16xf32>
    %swap3A_214 = vector.shape_cast %mul3A_208 : vector<16xf32> to vector<1x16xf32>
    tpu.vector_store %arg14[%swap3A_210, %swap3A_211], %swap3A_214 {strides = array<i32>} : memref<16x128xf32, #tpu.memory_space<vmem>>, vector<1x16xf32>,
    %get3A_215 = arith.constant 0 : i32
    %get3A_216 = arith.index_cast %get3A_215 : i32 to index
    %get3A_217 = arith.constant 80 : index
    %get3A_218 = tpu.vector_load %arg14[%get3A_216, %get3A_217] {strides = array<i32>} : memref<16x128xf32, #tpu.memory_space<vmem>>, vector<1x16xf32>,
    %get3A_219 = vector.shape_cast %get3A_218 : vector<1x16xf32> to vector<16xf32>
    %get3A_220 = arith.constant 0 : i32
    %get3A_221 = arith.index_cast %get3A_220 : i32 to index
    %get3A_222 = arith.constant 80 : index
    %get3A_223 = tpu.vector_load %arg15[%get3A_221, %get3A_222] {strides = array<i32>} : memref<16x128xf32, #tpu.memory_space<vmem>>, vector<1x16xf32>,
    %get3A_224 = vector.shape_cast %get3A_223 : vector<1x16xf32> to vector<16xf32>
    %add3A_225 = arith.addf %get3A_219, %get3A_224 : vector<16xf32>
    %mul3A_226 = arith.mulf %add3A_225, %add3A_124 : vector<16xf32>
    %swap3A_227 = arith.constant 0 : i32
    %swap3A_228 = arith.index_cast %swap3A_227 : i32 to index
    %swap3A_229 = arith.constant 80 : index
    %swap3A_230 = tpu.vector_load %arg14[%swap3A_228, %swap3A_229] {strides = array<i32>} : memref<16x128xf32, #tpu.memory_space<vmem>>, vector<1x16xf32>,
    %swap3A_231 = vector.shape_cast %swap3A_230 : vector<1x16xf32> to vector<16xf32>
    %swap3A_232 = vector.shape_cast %mul3A_226 : vector<16xf32> to vector<1x16xf32>
    tpu.vector_store %arg14[%swap3A_228, %swap3A_229], %swap3A_232 {strides = array<i32>} : memref<16x128xf32, #tpu.memory_space<vmem>>, vector<1x16xf32>,
    %get3A_233 = arith.constant 0 : i32
    %get3A_234 = arith.index_cast %get3A_233 : i32 to index
    %get3A_235 = arith.constant 96 : index
    %get3A_236 = tpu.vector_load %arg14[%get3A_234, %get3A_235] {strides = array<i32>} : memref<16x128xf32, #tpu.memory_space<vmem>>, vector<1x16xf32>,
    %get3A_237 = vector.shape_cast %get3A_236 : vector<1x16xf32> to vector<16xf32>
    %get3A_238 = arith.constant 0 : i32
    %get3A_239 = arith.index_cast %get3A_238 : i32 to index
    %get3A_240 = arith.constant 96 : index
    %get3A_241 = tpu.vector_load %arg15[%get3A_239, %get3A_240] {strides = array<i32>} : memref<16x128xf32, #tpu.memory_space<vmem>>, vector<1x16xf32>,
    %get3A_242 = vector.shape_cast %get3A_241 : vector<1x16xf32> to vector<16xf32>
    %add3A_243 = arith.addf %get3A_237, %get3A_242 : vector<16xf32>
    %mul3A_244 = arith.mulf %add3A_243, %add3A_124 : vector<16xf32>
    %swap3A_245 = arith.constant 0 : i32
    %swap3A_246 = arith.index_cast %swap3A_245 : i32 to index
    %swap3A_247 = arith.constant 96 : index
    %swap3A_248 = tpu.vector_load %arg14[%swap3A_246, %swap3A_247] {strides = array<i32>} : memref<16x128xf32, #tpu.memory_space<vmem>>, vector<1x16xf32>,
    %swap3A_249 = vector.shape_cast %swap3A_248 : vector<1x16xf32> to vector<16xf32>
    %swap3A_250 = vector.shape_cast %mul3A_244 : vector<16xf32> to vector<1x16xf32>
    tpu.vector_store %arg14[%swap3A_246, %swap3A_247], %swap3A_250 {strides = array<i32>} : memref<16x128xf32, #tpu.memory_space<vmem>>, vector<1x16xf32>,
    %get3A_251 = arith.constant 0 : i32
    %get3A_252 = arith.index_cast %get3A_251 : i32 to index
    %get3A_253 = arith.constant 112 : index
    %get3A_254 = tpu.vector_load %arg14[%get3A_252, %get3A_253] {strides = array<i32>} : memref<16x128xf32, #tpu.memory_space<vmem>>, vector<1x16xf32>,
    %get3A_255 = vector.shape_cast %get3A_254 : vector<1x16xf32> to vector<16xf32>
    %get3A_256 = arith.constant 0 : i32
    %get3A_257 = arith.index_cast %get3A_256 : i32 to index
    %get3A_258 = arith.constant 112 : index
    %get3A_259 = tpu.vector_load %arg15[%get3A_257, %get3A_258] {strides = array<i32>} : memref<16x128xf32, #tpu.memory_space<vmem>>, vector<1x16xf32>,
    %get3A_260 = vector.shape_cast %get3A_259 : vector<1x16xf32> to vector<16xf32>
    %add3A_261 = arith.addf %get3A_255, %get3A_260 : vector<16xf32>
    %mul3A_262 = arith.mulf %add3A_261, %add3A_124 : vector<16xf32>
    %swap3A_263 = arith.constant 0 : i32
    %swap3A_264 = arith.index_cast %swap3A_263 : i32 to index
    %swap3A_265 = arith.constant 112 : index
    %swap3A_266 = tpu.vector_load %arg14[%swap3A_264, %swap3A_265] {strides = array<i32>} : memref<16x128xf32, #tpu.memory_space<vmem>>, vector<1x16xf32>,
    %swap3A_267 = vector.shape_cast %swap3A_266 : vector<1x16xf32> to vector<16xf32>
    %swap3A_268 = vector.shape_cast %mul3A_262 : vector<16xf32> to vector<1x16xf32>
    tpu.vector_store %arg14[%swap3A_264, %swap3A_265], %swap3A_268 {strides = array<i32>} : memref<16x128xf32, #tpu.memory_space<vmem>>, vector<1x16xf32>,
    %broadcast_in_dim3A_269 = arith.constant 0.000000e+00 : f32
    %broadcast_in_dim3A_270 = vector.broadcast %broadcast_in_dim3A_269 : f32 to vector<16xf32>
    %slice3A_271 = vector.extract_strided_slice %div3A_111 {offsets = [1], sizes = [1], strides = [1]} : vector<16xf32> to vector<1xf32>
    %squeeze3A_272 = vector.extract %slice3A_271[0] : f32 from vector<1xf32>
    %add3A_273 = vector.broadcast %squeeze3A_272 : f32 to vector<16xf32>
    %add3A_274 = arith.addf %broadcast_in_dim3A_270, %add3A_273 : vector<16xf32>
    %get3A_275 = arith.constant 1 : i32
    %get3A_276 = arith.index_cast %get3A_275 : i32 to index
    %get3A_277 = arith.constant 0 : index
    %get3A_278 = tpu.vector_load %arg14[%get3A_276, %get3A_277] {strides = array<i32>} : memref<16x128xf32, #tpu.memory_space<vmem>>, vector<1x16xf32>,
    %get3A_279 = vector.shape_cast %get3A_278 : vector<1x16xf32> to vector<16xf32>
    %get3A_280 = arith.constant 1 : i32
    %get3A_281 = arith.index_cast %get3A_280 : i32 to index
    %get3A_282 = arith.constant 0 : index
    %get3A_283 = tpu.vector_load %arg15[%get3A_281, %get3A_282] {strides = array<i32>} : memref<16x128xf32, #tpu.memory_space<vmem>>, vector<1x16xf32>,
    %get3A_284 = vector.shape_cast %get3A_283 : vector<1x16xf32> to vector<16xf32>
    %add3A_285 = arith.addf %get3A_279, %get3A_284 : vector<16xf32>
    %mul3A_286 = arith.mulf %add3A_285, %add3A_274 : vector<16xf32>
    %swap3A_287 = arith.constant 1 : i32
    %swap3A_288 = arith.index_cast %swap3A_287 : i32 to index
    %swap3A_289 = arith.constant 0 : index
    %swap3A_290 = tpu.vector_load %arg14[%swap3A_288, %swap3A_289] {strides = array<i32>} : memref<16x128xf32, #tpu.memory_space<vmem>>, vector<1x16xf32>,
    %swap3A_291 = vector.shape_cast %swap3A_290 : vector<1x16xf32> to vector<16xf32>
    %swap3A_292 = vector.shape_cast %mul3A_286 : vector<16xf32> to vector<1x16xf32>
    tpu.vector_store %arg14[%swap3A_288, %swap3A_289], %swap3A_292 {strides = array<i32>} : memref<16x128xf32, #tpu.memory_space<vmem>>, vector<1x16xf32>,
    %get3A_293 = arith.constant 1 : i32
    %get3A_294 = arith.index_cast %get3A_293 : i32 to index
    %get3A_295 = arith.constant 16 : index
    %get3A_296 = tpu.vector_load %arg14[%get3A_294, %get3A_295] {strides = array<i32>} : memref<16x128xf32, #tpu.memory_space<vmem>>, vector<1x16xf32>,
    %get3A_297 = vector.shape_cast %get3A_296 : vector<1x16xf32> to vector<16xf32>
    %get3A_298 = arith.constant 1 : i32
    %get3A_299 = arith.index_cast %get3A_298 : i32 to index
    %get3A_300 = arith.constant 16 : index
    %get3A_301 = tpu.vector_load %arg15[%get3A_299, %get3A_300] {strides = array<i32>} : memref<16x128xf32, #tpu.memory_space<vmem>>, vector<1x16xf32>,
    %get3A_302 = vector.shape_cast %get3A_301 : vector<1x16xf32> to vector<16xf32>
    %add3A_303 = arith.addf %get3A_297, %get3A_302 : vector<16xf32>
    %mul3A_304 = arith.mulf %add3A_303, %add3A_274 : vector<16xf32>
    %swap3A_305 = arith.constant 1 : i32
    %swap3A_306 = arith.index_cast %swap3A_305 : i32 to index
    %swap3A_307 = arith.constant 16 : index
    %swap3A_308 = tpu.vector_load %arg14[%swap3A_306, %swap3A_307] {strides = array<i32>} : memref<16x128xf32, #tpu.memory_space<vmem>>, vector<1x16xf32>,
    %swap3A_309 = vector.shape_cast %swap3A_308 : vector<1x16xf32> to vector<16xf32>
    %swap3A_310 = vector.shape_cast %mul3A_304 : vector<16xf32> to vector<1x16xf32>
    tpu.vector_store %arg14[%swap3A_306, %swap3A_307], %swap3A_310 {strides = array<i32>} : memref<16x128xf32, #tpu.memory_space<vmem>>, vector<1x16xf32>,
    %get3A_311 = arith.constant 1 : i32
    %get3A_312 = arith.index_cast %get3A_311 : i32 to index
    %get3A_313 = arith.constant 32 : index
    %get3A_314 = tpu.vector_load %arg14[%get3A_312, %get3A_313] {strides = array<i32>} : memref<16x128xf32, #tpu.memory_space<vmem>>, vector<1x16xf32>,
    %get3A_315 = vector.shape_cast %get3A_314 : vector<1x16xf32> to vector<16xf32>
    %get3A_316 = arith.constant 1 : i32
    %get3A_317 = arith.index_cast %get3A_316 : i32 to index
    %get3A_318 = arith.constant 32 : index
    %get3A_319 = tpu.vector_load %arg15[%get3A_317, %get3A_318] {strides = array<i32>} : memref<16x128xf32, #tpu.memory_space<vmem>>, vector<1x16xf32>,
    %get3A_320 = vector.shape_cast %get3A_319 : vector<1x16xf32> to vector<16xf32>
    %add3A_321 = arith.addf %get3A_315, %get3A_320 : vector<16xf32>
    %mul3A_322 = arith.mulf %add3A_321, %add3A_274 : vector<16xf32>
    %swap3A_323 = arith.constant 1 : i32
    %swap3A_324 = arith.index_cast %swap3A_323 : i32 to index
    %swap3A_325 = arith.constant 32 : index
    %swap3A_326 = tpu.vector_load %arg14[%swap3A_324, %swap3A_325] {strides = array<i32>} : memref<16x128xf32, #tpu.memory_space<vmem>>, vector<1x16xf32>,
    %swap3A_327 = vector.shape_cast %swap3A_326 : vector<1x16xf32> to vector<16xf32>
    %swap3A_328 = vector.shape_cast %mul3A_322 : vector<16xf32> to vector<1x16xf32>
    tpu.vector_store %arg14[%swap3A_324, %swap3A_325], %swap3A_328 {strides = array<i32>} : memref<16x128xf32, #tpu.memory_space<vmem>>, vector<1x16xf32>,
    %get3A_329 = arith.constant 1 : i32
    %get3A_330 = arith.index_cast %get3A_329 : i32 to index
    %get3A_331 = arith.constant 48 : index
    %get3A_332 = tpu.vector_load %arg14[%get3A_330, %get3A_331] {strides = array<i32>} : memref<16x128xf32, #tpu.memory_space<vmem>>, vector<1x16xf32>,
    %get3A_333 = vector.shape_cast %get3A_332 : vector<1x16xf32> to vector<16xf32>
    %get3A_334 = arith.constant 1 : i32
    %get3A_335 = arith.index_cast %get3A_334 : i32 to index
    %get3A_336 = arith.constant 48 : index
    %get3A_337 = tpu.vector_load %arg15[%get3A_335, %get3A_336] {strides = array<i32>} : memref<16x128xf32, #tpu.memory_space<vmem>>, vector<1x16xf32>,
    %get3A_338 = vector.shape_cast %get3A_337 : vector<1x16xf32> to vector<16xf32>
    %add3A_339 = arith.addf %get3A_333, %get3A_338 : vector<16xf32>
    %mul3A_340 = arith.mulf %add3A_339, %add3A_274 : vector<16xf32>
    %swap3A_341 = arith.constant 1 : i32
    %swap3A_342 = arith.index_cast %swap3A_341 : i32 to index
    %swap3A_343 = arith.constant 48 : index
    %swap3A_344 = tpu.vector_load %arg14[%swap3A_342, %swap3A_343] {strides = array<i32>} : memref<16x128xf32, #tpu.memory_space<vmem>>, vector<1x16xf32>,
    %swap3A_345 = vector.shape_cast %swap3A_344 : vector<1x16xf32> to vector<16xf32>
    %swap3A_346 = vector.shape_cast %mul3A_340 : vector<16xf32> to vector<1x16xf32>
    tpu.vector_store %arg14[%swap3A_342, %swap3A_343], %swap3A_346 {strides = array<i32>} : memref<16x128xf32, #tpu.memory_space<vmem>>, vector<1x16xf32>,
    %get3A_347 = arith.constant 1 : i32
    %get3A_348 = arith.index_cast %get3A_347 : i32 to index
    %get3A_349 = arith.constant 64 : index
    %get3A_350 = tpu.vector_load %arg14[%get3A_348, %get3A_349] {strides = array<i32>} : memref<16x128xf32, #tpu.memory_space<vmem>>, vector<1x16xf32>,
    %get3A_351 = vector.shape_cast %get3A_350 : vector<1x16xf32> to vector<16xf32>
    %get3A_352 = arith.constant 1 : i32
    %get3A_353 = arith.index_cast %get3A_352 : i32 to index
    %get3A_354 = arith.constant 64 : index
    %get3A_355 = tpu.vector_load %arg15[%get3A_353, %get3A_354] {strides = array<i32>} : memref<16x128xf32, #tpu.memory_space<vmem>>, vector<1x16xf32>,
    %get3A_356 = vector.shape_cast %get3A_355 : vector<1x16xf32> to vector<16xf32>
    %add3A_357 = arith.addf %get3A_351, %get3A_356 : vector<16xf32>
    %mul3A_358 = arith.mulf %add3A_357, %add3A_274 : vector<16xf32>
    %swap3A_359 = arith.constant 1 : i32
    %swap3A_360 = arith.index_cast %swap3A_359 : i32 to index
    %swap3A_361 = arith.constant 64 : index
    %swap3A_362 = tpu.vector_load %arg14[%swap3A_360, %swap3A_361] {strides = array<i32>} : memref<16x128xf32, #tpu.memory_space<vmem>>, vector<1x16xf32>,
    %swap3A_363 = vector.shape_cast %swap3A_362 : vector<1x16xf32> to vector<16xf32>
    %swap3A_364 = vector.shape_cast %mul3A_358 : vector<16xf32> to vector<1x16xf32>
    tpu.vector_store %arg14[%swap3A_360, %swap3A_361], %swap3A_364 {strides = array<i32>} : memref<16x128xf32, #tpu.memory_space<vmem>>, vector<1x16xf32>,
    %get3A_365 = arith.constant 1 : i32
    %get3A_366 = arith.index_cast %get3A_365 : i32 to index
    %get3A_367 = arith.constant 80 : index
    %get3A_368 = tpu.vector_load %arg14[%get3A_366, %get3A_367] {strides = array<i32>} : memref<16x128xf32, #tpu.memory_space<vmem>>, vector<1x16xf32>,
    %get3A_369 = vector.shape_cast %get3A_368 : vector<1x16xf32> to vector<16xf32>
    %get3A_370 = arith.constant 1 : i32
    %get3A_371 = arith.index_cast %get3A_370 : i32 to index
    %get3A_372 = arith.constant 80 : index
    %get3A_373 = tpu.vector_load %arg15[%get3A_371, %get3A_372] {strides = array<i32>} : memref<16x128xf32, #tpu.memory_space<vmem>>, vector<1x16xf32>,
    %get3A_374 = vector.shape_cast %get3A_373 : vector<1x16xf32> to vector<16xf32>
    %add3A_375 = arith.addf %get3A_369, %get3A_374 : vector<16xf32>
    %mul3A_376 = arith.mulf %add3A_375, %add3A_274 : vector<16xf32>
    %swap3A_377 = arith.constant 1 : i32
    %swap3A_378 = arith.index_cast %swap3A_377 : i32 to index
    %swap3A_379 = arith.constant 80 : index
    %swap3A_380 = tpu.vector_load %arg14[%swap3A_378, %swap3A_379] {strides = array<i32>} : memref<16x128xf32, #tpu.memory_space<vmem>>, vector<1x16xf32>,
    %swap3A_381 = vector.shape_cast %swap3A_380 : vector<1x16xf32> to vector<16xf32>
    %swap3A_382 = vector.shape_cast %mul3A_376 : vector<16xf32> to vector<1x16xf32>
    tpu.vector_store %arg14[%swap3A_378, %swap3A_379], %swap3A_382 {strides = array<i32>} : memref<16x128xf32, #tpu.memory_space<vmem>>, vector<1x16xf32>,
    %get3A_383 = arith.constant 1 : i32
    %get3A_384 = arith.index_cast %get3A_383 : i32 to index
    %get3A_385 = arith.constant 96 : index
    %get3A_386 = tpu.vector_load %arg14[%get3A_384, %get3A_385] {strides = array<i32>} : memref<16x128xf32, #tpu.memory_space<vmem>>, vector<1x16xf32>,
    %get3A_387 = vector.shape_cast %get3A_386 : vector<1x16xf32> to vector<16xf32>
    %get3A_388 = arith.constant 1 : i32
    %get3A_389 = arith.index_cast %get3A_388 : i32 to index
    %get3A_390 = arith.constant 96 : index
    %get3A_391 = tpu.vector_load %arg15[%get3A_389, %get3A_390] {strides = array<i32>} : memref<16x128xf32, #tpu.memory_space<vmem>>, vector<1x16xf32>,
    %get3A_392 = vector.shape_cast %get3A_391 : vector<1x16xf32> to vector<16xf32>
    %add3A_393 = arith.addf %get3A_387, %get3A_392 : vector<16xf32>
    %mul3A_394 = arith.mulf %add3A_393, %add3A_274 : vector<16xf32>
    %swap3A_395 = arith.constant 1 : i32
    %swap3A_396 = arith.index_cast %swap3A_395 : i32 to index
    %swap3A_397 = arith.constant 96 : index
    %swap3A_398 = tpu.vector_load %arg14[%swap3A_396, %swap3A_397] {strides = array<i32>} : memref<16x128xf32, #tpu.memory_space<vmem>>, vector<1x16xf32>,
    %swap3A_399 = vector.shape_cast %swap3A_398 : vector<1x16xf32> to vector<16xf32>
    %swap3A_400 = vector.shape_cast %mul3A_394 : vector<16xf32> to vector<1x16xf32>
    tpu.vector_store %arg14[%swap3A_396, %swap3A_397], %swap3A_400 {strides = array<i32>} : memref<16x128xf32, #tpu.memory_space<vmem>>, vector<1x16xf32>,
    %get3A_401 = arith.constant 1 : i32
    %get3A_402 = arith.index_cast %get3A_401 : i32 to index
    %get3A_403 = arith.constant 112 : index
    %get3A_404 = tpu.vector_load %arg14[%get3A_402, %get3A_403] {strides = array<i32>} : memref<16x128xf32, #tpu.memory_space<vmem>>, vector<1x16xf32>,
    %get3A_405 = vector.shape_cast %get3A_404 : vector<1x16xf32> to vector<16xf32>
    %get3A_406 = arith.constant 1 : i32
    %get3A_407 = arith.index_cast %get3A_406 : i32 to index
    %get3A_408 = arith.constant 112 : index
    %get3A_409 = tpu.vector_load %arg15[%get3A_407, %get3A_408] {strides = array<i32>} : memref<16x128xf32, #tpu.memory_space<vmem>>, vector<1x16xf32>,
    %get3A_410 = vector.shape_cast %get3A_409 : vector<1x16xf32> to vector<16xf32>
    %add3A_411 = arith.addf %get3A_405, %get3A_410 : vector<16xf32>
    %mul3A_412 = arith.mulf %add3A_411, %add3A_274 : vector<16xf32>
    %swap3A_413 = arith.constant 1 : i32
    %swap3A_414 = arith.index_cast %swap3A_413 : i32 to index
    %swap3A_415 = arith.constant 112 : index
    %swap3A_416 = tpu.vector_load %arg14[%swap3A_414, %swap3A_415] {strides = array<i32>} : memref<16x128xf32, #tpu.memory_space<vmem>>, vector<1x16xf32>,
    %swap3A_417 = vector.shape_cast %swap3A_416 : vector<1x16xf32> to vector<16xf32>
    %swap3A_418 = vector.shape_cast %mul3A_412 : vector<16xf32> to vector<1x16xf32>
    tpu.vector_store %arg14[%swap3A_414, %swap3A_415], %swap3A_418 {strides = array<i32>} : memref<16x128xf32, #tpu.memory_space<vmem>>, vector<1x16xf32>,
    %broadcast_in_dim3A_419 = arith.constant 0.000000e+00 : f32
    %broadcast_in_dim3A_420 = vector.broadcast %broadcast_in_dim3A_419 : f32 to vector<16xf32>
    %slice3A_421 = vector.extract_strided_slice %div3A_111 {offsets = [2], sizes = [1], strides = [1]} : vector<16xf32> to vector<1xf32>
    %squeeze3A_422 = vector.extract %slice3A_421[0] : f32 from vector<1xf32>
    %add3A_423 = vector.broadcast %squeeze3A_422 : f32 to vector<16xf32>
    %add3A_424 = arith.addf %broadcast_in_dim3A_420, %add3A_423 : vector<16xf32>
    %get3A_425 = arith.constant 2 : i32
    %get3A_426 = arith.index_cast %get3A_425 : i32 to index
    %get3A_427 = arith.constant 0 : index
    %get3A_428 = tpu.vector_load %arg14[%get3A_426, %get3A_427] {strides = array<i32>} : memref<16x128xf32, #tpu.memory_space<vmem>>, vector<1x16xf32>,
    %get3A_429 = vector.shape_cast %get3A_428 : vector<1x16xf32> to vector<16xf32>
    %get3A_430 = arith.constant 2 : i32
    %get3A_431 = arith.index_cast %get3A_430 : i32 to index
    %get3A_432 = arith.constant 0 : index
    %get3A_433 = tpu.vector_load %arg15[%get3A_431, %get3A_432] {strides = array<i32>} : memref<16x128xf32, #tpu.memory_space<vmem>>, vector<1x16xf32>,
    %get3A_434 = vector.shape_cast %get3A_433 : vector<1x16xf32> to vector<16xf32>
    %add3A_435 = arith.addf %get3A_429, %get3A_434 : vector<16xf32>
    %mul3A_436 = arith.mulf %add3A_435, %add3A_424 : vector<16xf32>
    %swap3A_437 = arith.constant 2 : i32
    %swap3A_438 = arith.index_cast %swap3A_437 : i32 to index
    %swap3A_439 = arith.constant 0 : index
    %swap3A_440 = tpu.vector_load %arg14[%swap3A_438, %swap3A_439] {strides = array<i32>} : memref<16x128xf32, #tpu.memory_space<vmem>>, vector<1x16xf32>,
    %swap3A_441 = vector.shape_cast %swap3A_440 : vector<1x16xf32> to vector<16xf32>
    %swap3A_442 = vector.shape_cast %mul3A_436 : vector<16xf32> to vector<1x16xf32>
    tpu.vector_store %arg14[%swap3A_438, %swap3A_439], %swap3A_442 {strides = array<i32>} : memref<16x128xf32, #tpu.memory_space<vmem>>, vector<1x16xf32>,
    %get3A_443 = arith.constant 2 : i32
    %get3A_444 = arith.index_cast %get3A_443 : i32 to index
    %get3A_445 = arith.constant 16 : index
    %get3A_446 = tpu.vector_load %arg14[%get3A_444, %get3A_445] {strides = array<i32>} : memref<16x128xf32, #tpu.memory_space<vmem>>, vector<1x16xf32>,
    %get3A_447 = vector.shape_cast %get3A_446 : vector<1x16xf32> to vector<16xf32>
    %get3A_448 = arith.constant 2 : i32
    %get3A_449 = arith.index_cast %get3A_448 : i32 to index
    %get3A_450 = arith.constant 16 : index
    %get3A_451 = tpu.vector_load %arg15[%get3A_449, %get3A_450] {strides = array<i32>} : memref<16x128xf32, #tpu.memory_space<vmem>>, vector<1x16xf32>,
    %get3A_452 = vector.shape_cast %get3A_451 : vector<1x16xf32> to vector<16xf32>
    %add3A_453 = arith.addf %get3A_447, %get3A_452 : vector<16xf32>
    %mul3A_454 = arith.mulf %add3A_453, %add3A_424 : vector<16xf32>
    %swap3A_455 = arith.constant 2 : i32
    %swap3A_456 = arith.index_cast %swap3A_455 : i32 to index
    %swap3A_457 = arith.constant 16 : index
    %swap3A_458 = tpu.vector_load %arg14[%swap3A_456, %swap3A_457] {strides = array<i32>} : memref<16x128xf32, #tpu.memory_space<vmem>>, vector<1x16xf32>,
    %swap3A_459 = vector.shape_cast %swap3A_458 : vector<1x16xf32> to vector<16xf32>
    %swap3A_460 = vector.shape_cast %mul3A_454 : vector<16xf32> to vector<1x16xf32>
    tpu.vector_store %arg14[%swap3A_456, %swap3A_457], %swap3A_460 {strides = array<i32>} : memref<16x128xf32, #tpu.memory_space<vmem>>, vector<1x16xf32>,
    %get3A_461 = arith.constant 2 : i32
    %get3A_462 = arith.index_cast %get3A_461 : i32 to index
    %get3A_463 = arith.constant 32 : index
    %get3A_464 = tpu.vector_load %arg14[%get3A_462, %get3A_463] {strides = array<i32>} : memref<16x128xf32, #tpu.memory_space<vmem>>, vector<1x16xf32>,
    %get3A_465 = vector.shape_cast %get3A_464 : vector<1x16xf32> to vector<16xf32>
    %get3A_466 = arith.constant 2 : i32
    %get3A_467 = arith.index_cast %get3A_466 : i32 to index
    %get3A_468 = arith.constant 32 : index
    %get3A_469 = tpu.vector_load %arg15[%get3A_467, %get3A_468] {strides = array<i32>} : memref<16x128xf32, #tpu.memory_space<vmem>>, vector<1x16xf32>,
    %get3A_470 = vector.shape_cast %get3A_469 : vector<1x16xf32> to vector<16xf32>
    %add3A_471 = arith.addf %get3A_465, %get3A_470 : vector<16xf32>
    %mul3A_472 = arith.mulf %add3A_471, %add3A_424 : vector<16xf32>
    %swap3A_473 = arith.constant 2 : i32
    %swap3A_474 = arith.index_cast %swap3A_473 : i32 to index
    %swap3A_475 = arith.constant 32 : index
    %swap3A_476 = tpu.vector_load %arg14[%swap3A_474, %swap3A_475] {strides = array<i32>} : memref<16x128xf32, #tpu.memory_space<vmem>>, vector<1x16xf32>,
    %swap3A_477 = vector.shape_cast %swap3A_476 : vector<1x16xf32> to vector<16xf32>
    %swap3A_478 = vector.shape_cast %mul3A_472 : vector<16xf32> to vector<1x16xf32>
    tpu.vector_store %arg14[%swap3A_474, %swap3A_475], %swap3A_478 {strides = array<i32>} : memref<16x128xf32, #tpu.memory_space<vmem>>, vector<1x16xf32>,
    %get3A_479 = arith.constant 2 : i32
    %get3A_480 = arith.index_cast %get3A_479 : i32 to index
    %get3A_481 = arith.constant 48 : index
    %get3A_482 = tpu.vector_load %arg14[%get3A_480, %get3A_481] {strides = array<i32>} : memref<16x128xf32, #tpu.memory_space<vmem>>, vector<1x16xf32>,
    %get3A_483 = vector.shape_cast %get3A_482 : vector<1x16xf32> to vector<16xf32>
    %get3A_484 = arith.constant 2 : i32
    %get3A_485 = arith.index_cast %get3A_484 : i32 to index
    %get3A_486 = arith.constant 48 : index
    %get3A_487 = tpu.vector_load %arg15[%get3A_485, %get3A_486] {strides = array<i32>} : memref<16x128xf32, #tpu.memory_space<vmem>>, vector<1x16xf32>,
    %get3A_488 = vector.shape_cast %get3A_487 : vector<1x16xf32> to vector<16xf32>
    %add3A_489 = arith.addf %get3A_483, %get3A_488 : vector<16xf32>
    %mul3A_490 = arith.mulf %add3A_489, %add3A_424 : vector<16xf32>
    %swap3A_491 = arith.constant 2 : i32
    %swap3A_492 = arith.index_cast %swap3A_491 : i32 to index
    %swap3A_493 = arith.constant 48 : index
    %swap3A_494 = tpu.vector_load %arg14[%swap3A_492, %swap3A_493] {strides = array<i32>} : memref<16x128xf32, #tpu.memory_space<vmem>>, vector<1x16xf32>,
    %swap3A_495 = vector.shape_cast %swap3A_494 : vector<1x16xf32> to vector<16xf32>
    %swap3A_496 = vector.shape_cast %mul3A_490 : vector<16xf32> to vector<1x16xf32>
    tpu.vector_store %arg14[%swap3A_492, %swap3A_493], %swap3A_496 {strides = array<i32>} : memref<16x128xf32, #tpu.memory_space<vmem>>, vector<1x16xf32>,
    %get3A_497 = arith.constant 2 : i32
    %get3A_498 = arith.index_cast %get3A_497 : i32 to index
    %get3A_499 = arith.constant 64 : index
    %get3A_500 = tpu.vector_load %arg14[%get3A_498, %get3A_499] {strides = array<i32>} : memref<16x128xf32, #tpu.memory_space<vmem>>, vector<1x16xf32>,
    %get3A_501 = vector.shape_cast %get3A_500 : vector<1x16xf32> to vector<16xf32>
    %get3A_502 = arith.constant 2 : i32
    %get3A_503 = arith.index_cast %get3A_502 : i32 to index
    %get3A_504 = arith.constant 64 : index
    %get3A_505 = tpu.vector_load %arg15[%get3A_503, %get3A_504] {strides = array<i32>} : memref<16x128xf32, #tpu.memory_space<vmem>>, vector<1x16xf32>,
    %get3A_506 = vector.shape_cast %get3A_505 : vector<1x16xf32> to vector<16xf32>
    %add3A_507 = arith.addf %get3A_501, %get3A_506 : vector<16xf32>
    %mul3A_508 = arith.mulf %add3A_507, %add3A_424 : vector<16xf32>
    %swap3A_509 = arith.constant 2 : i32
    %swap3A_510 = arith.index_cast %swap3A_509 : i32 to index
    %swap3A_511 = arith.constant 64 : index
    %swap3A_512 = tpu.vector_load %arg14[%swap3A_510, %swap3A_511] {strides = array<i32>} : memref<16x128xf32, #tpu.memory_space<vmem>>, vector<1x16xf32>,
    %swap3A_513 = vector.shape_cast %swap3A_512 : vector<1x16xf32> to vector<16xf32>
    %swap3A_514 = vector.shape_cast %mul3A_508 : vector<16xf32> to vector<1x16xf32>
    tpu.vector_store %arg14[%swap3A_510, %swap3A_511], %swap3A_514 {strides = array<i32>} : memref<16x128xf32, #tpu.memory_space<vmem>>, vector<1x16xf32>,
    %get3A_515 = arith.constant 2 : i32
    %get3A_516 = arith.index_cast %get3A_515 : i32 to index
    %get3A_517 = arith.constant 80 : index
    %get3A_518 = tpu.vector_load %arg14[%get3A_516, %get3A_517] {strides = array<i32>} : memref<16x128xf32, #tpu.memory_space<vmem>>, vector<1x16xf32>,
    %get3A_519 = vector.shape_cast %get3A_518 : vector<1x16xf32> to vector<16xf32>
    %get3A_520 = arith.constant 2 : i32
    %get3A_521 = arith.index_cast %get3A_520 : i32 to index
    %get3A_522 = arith.constant 80 : index
    %get3A_523 = tpu.vector_load %arg15[%get3A_521, %get3A_522] {strides = array<i32>} : memref<16x128xf32, #tpu.memory_space<vmem>>, vector<1x16xf32>,
    %get3A_524 = vector.shape_cast %get3A_523 : vector<1x16xf32> to vector<16xf32>
    %add3A_525 = arith.addf %get3A_519, %get3A_524 : vector<16xf32>
    %mul3A_526 = arith.mulf %add3A_525, %add3A_424 : vector<16xf32>
    %swap3A_527 = arith.constant 2 : i32
    %swap3A_528 = arith.index_cast %swap3A_527 : i32 to index
    %swap3A_529 = arith.constant 80 : index
    %swap3A_530 = tpu.vector_load %arg14[%swap3A_528, %swap3A_529] {strides = array<i32>} : memref<16x128xf32, #tpu.memory_space<vmem>>, vector<1x16xf32>,
    %swap3A_531 = vector.shape_cast %swap3A_530 : vector<1x16xf32> to vector<16xf32>
    %swap3A_532 = vector.shape_cast %mul3A_526 : vector<16xf32> to vector<1x16xf32>
    tpu.vector_store %arg14[%swap3A_528, %swap3A_529], %swap3A_532 {strides = array<i32>} : memref<16x128xf32, #tpu.memory_space<vmem>>, vector<1x16xf32>,
    %get3A_533 = arith.constant 2 : i32
    %get3A_534 = arith.index_cast %get3A_533 : i32 to index
    %get3A_535 = arith.constant 96 : index
    %get3A_536 = tpu.vector_load %arg14[%get3A_534, %get3A_535] {strides = array<i32>} : memref<16x128xf32, #tpu.memory_space<vmem>>, vector<1x16xf32>,
    %get3A_537 = vector.shape_cast %get3A_536 : vector<1x16xf32> to vector<16xf32>
    %get3A_538 = arith.constant 2 : i32
    %get3A_539 = arith.index_cast %get3A_538 : i32 to index
    %get3A_540 = arith.constant 96 : index
    %get3A_541 = tpu.vector_load %arg15[%get3A_539, %get3A_540] {strides = array<i32>} : memref<16x128xf32, #tpu.memory_space<vmem>>, vector<1x16xf32>,
    %get3A_542 = vector.shape_cast %get3A_541 : vector<1x16xf32> to vector<16xf32>
    %add3A_543 = arith.addf %get3A_537, %get3A_542 : vector<16xf32>
    %mul3A_544 = arith.mulf %add3A_543, %add3A_424 : vector<16xf32>
    %swap3A_545 = arith.constant 2 : i32
    %swap3A_546 = arith.index_cast %swap3A_545 : i32 to index
    %swap3A_547 = arith.constant 96 : index
    %swap3A_548 = tpu.vector_load %arg14[%swap3A_546, %swap3A_547] {strides = array<i32>} : memref<16x128xf32, #tpu.memory_space<vmem>>, vector<1x16xf32>,
    %swap3A_549 = vector.shape_cast %swap3A_548 : vector<1x16xf32> to vector<16xf32>
    %swap3A_550 = vector.shape_cast %mul3A_544 : vector<16xf32> to vector<1x16xf32>
    tpu.vector_store %arg14[%swap3A_546, %swap3A_547], %swap3A_550 {strides = array<i32>} : memref<16x128xf32, #tpu.memory_space<vmem>>, vector<1x16xf32>,
    %get3A_551 = arith.constant 2 : i32
    %get3A_552 = arith.index_cast %get3A_551 : i32 to index
    %get3A_553 = arith.constant 112 : index
    %get3A_554 = tpu.vector_load %arg14[%get3A_552, %get3A_553] {strides = array<i32>} : memref<16x128xf32, #tpu.memory_space<vmem>>, vector<1x16xf32>,
    %get3A_555 = vector.shape_cast %get3A_554 : vector<1x16xf32> to vector<16xf32>
    %get3A_556 = arith.constant 2 : i32
    %get3A_557 = arith.index_cast %get3A_556 : i32 to index
    %get3A_558 = arith.constant 112 : index
    %get3A_559 = tpu.vector_load %arg15[%get3A_557, %get3A_558] {strides = array<i32>} : memref<16x128xf32, #tpu.memory_space<vmem>>, vector<1x16xf32>,
    %get3A_560 = vector.shape_cast %get3A_559 : vector<1x16xf32> to vector<16xf32>
    %add3A_561 = arith.addf %get3A_555, %get3A_560 : vector<16xf32>
    %mul3A_562 = arith.mulf %add3A_561, %add3A_424 : vector<16xf32>
    %swap3A_563 = arith.constant 2 : i32
    %swap3A_564 = arith.index_cast %swap3A_563 : i32 to index
    %swap3A_565 = arith.constant 112 : index
    %swap3A_566 = tpu.vector_load %arg14[%swap3A_564, %swap3A_565] {strides = array<i32>} : memref<16x128xf32, #tpu.memory_space<vmem>>, vector<1x16xf32>,
    %swap3A_567 = vector.shape_cast %swap3A_566 : vector<1x16xf32> to vector<16xf32>
    %swap3A_568 = vector.shape_cast %mul3A_562 : vector<16xf32> to vector<1x16xf32>
    tpu.vector_store %arg14[%swap3A_564, %swap3A_565], %swap3A_568 {strides = array<i32>} : memref<16x128xf32, #tpu.memory_space<vmem>>, vector<1x16xf32>,
    %broadcast_in_dim3A_569 = arith.constant 0.000000e+00 : f32
    %broadcast_in_dim3A_570 = vector.broadcast %broadcast_in_dim3A_569 : f32 to vector<16xf32>
    %slice3A_571 = vector.extract_strided_slice %div3A_111 {offsets = [3], sizes = [1], strides = [1]} : vector<16xf32> to vector<1xf32>
    %squeeze3A_572 = vector.extract %slice3A_571[0] : f32 from vector<1xf32>
    %add3A_573 = vector.broadcast %squeeze3A_572 : f32 to vector<16xf32>
    %add3A_574 = arith.addf %broadcast_in_dim3A_570, %add3A_573 : vector<16xf32>
    %get3A_575 = arith.constant 3 : i32
    %get3A_576 = arith.index_cast %get3A_575 : i32 to index
    %get3A_577 = arith.constant 0 : index
    %get3A_578 = tpu.vector_load %arg14[%get3A_576, %get3A_577] {strides = array<i32>} : memref<16x128xf32, #tpu.memory_space<vmem>>, vector<1x16xf32>,
    %get3A_579 = vector.shape_cast %get3A_578 : vector<1x16xf32> to vector<16xf32>
    %get3A_580 = arith.constant 3 : i32
    %get3A_581 = arith.index_cast %get3A_580 : i32 to index
    %get3A_582 = arith.constant 0 : index
    %get3A_583 = tpu.vector_load %arg15[%get3A_581, %get3A_582] {strides = array<i32>} : memref<16x128xf32, #tpu.memory_space<vmem>>, vector<1x16xf32>,
    %get3A_584 = vector.shape_cast %get3A_583 : vector<1x16xf32> to vector<16xf32>
    %add3A_585 = arith.addf %get3A_579, %get3A_584 : vector<16xf32>
    %mul3A_586 = arith.mulf %add3A_585, %add3A_574 : vector<16xf32>
    %swap3A_587 = arith.constant 3 : i32
    %swap3A_588 = arith.index_cast %swap3A_587 : i32 to index
    %swap3A_589 = arith.constant 0 : index
    %swap3A_590 = tpu.vector_load %arg14[%swap3A_588, %swap3A_589] {strides = array<i32>} : memref<16x128xf32, #tpu.memory_space<vmem>>, vector<1x16xf32>,
    %swap3A_591 = vector.shape_cast %swap3A_590 : vector<1x16xf32> to vector<16xf32>
    %swap3A_592 = vector.shape_cast %mul3A_586 : vector<16xf32> to vector<1x16xf32>
    tpu.vector_store %arg14[%swap3A_588, %swap3A_589], %swap3A_592 {strides = array<i32>} : memref<16x128xf32, #tpu.memory_space<vmem>>, vector<1x16xf32>,
    %get3A_593 = arith.constant 3 : i32
    %get3A_594 = arith.index_cast %get3A_593 : i32 to index
    %get3A_595 = arith.constant 16 : index
    %get3A_596 = tpu.vector_load %arg14[%get3A_594, %get3A_595] {strides = array<i32>} : memref<16x128xf32, #tpu.memory_space<vmem>>, vector<1x16xf32>,
    %get3A_597 = vector.shape_cast %get3A_596 : vector<1x16xf32> to vector<16xf32>
    %get3A_598 = arith.constant 3 : i32
    %get3A_599 = arith.index_cast %get3A_598 : i32 to index
    %get3A_600 = arith.constant 16 : index
    %get3A_601 = tpu.vector_load %arg15[%get3A_599, %get3A_600] {strides = array<i32>} : memref<16x128xf32, #tpu.memory_space<vmem>>, vector<1x16xf32>,
    %get3A_602 = vector.shape_cast %get3A_601 : vector<1x16xf32> to vector<16xf32>
    %add3A_603 = arith.addf %get3A_597, %get3A_602 : vector<16xf32>
    %mul3A_604 = arith.mulf %add3A_603, %add3A_574 : vector<16xf32>
    %swap3A_605 = arith.constant 3 : i32
    %swap3A_606 = arith.index_cast %swap3A_605 : i32 to index
    %swap3A_607 = arith.constant 16 : index
    %swap3A_608 = tpu.vector_load %arg14[%swap3A_606, %swap3A_607] {strides = array<i32>} : memref<16x128xf32, #tpu.memory_space<vmem>>, vector<1x16xf32>,
    %swap3A_609 = vector.shape_cast %swap3A_608 : vector<1x16xf32> to vector<16xf32>
    %swap3A_610 = vector.shape_cast %mul3A_604 : vector<16xf32> to vector<1x16xf32>
    tpu.vector_store %arg14[%swap3A_606, %swap3A_607], %swap3A_610 {strides = array<i32>} : memref<16x128xf32, #tpu.memory_space<vmem>>, vector<1x16xf32>,
    %get3A_611 = arith.constant 3 : i32
    %get3A_612 = arith.index_cast %get3A_611 : i32 to index
    %get3A_613 = arith.constant 32 : index
    %get3A_614 = tpu.vector_load %arg14[%get3A_612, %get3A_613] {strides = array<i32>} : memref<16x128xf32, #tpu.memory_space<vmem>>, vector<1x16xf32>,
    %get3A_615 = vector.shape_cast %get3A_614 : vector<1x16xf32> to vector<16xf32>
    %get3A_616 = arith.constant 3 : i32
    %get3A_617 = arith.index_cast %get3A_616 : i32 to index
    %get3A_618 = arith.constant 32 : index
    %get3A_619 = tpu.vector_load %arg15[%get3A_617, %get3A_618] {strides = array<i32>} : memref<16x128xf32, #tpu.memory_space<vmem>>, vector<1x16xf32>,
    %get3A_620 = vector.shape_cast %get3A_619 : vector<1x16xf32> to vector<16xf32>
    %add3A_621 = arith.addf %get3A_615, %get3A_620 : vector<16xf32>
    %mul3A_622 = arith.mulf %add3A_621, %add3A_574 : vector<16xf32>
    %swap3A_623 = arith.constant 3 : i32
    %swap3A_624 = arith.index_cast %swap3A_623 : i32 to index
    %swap3A_625 = arith.constant 32 : index
    %swap3A_626 = tpu.vector_load %arg14[%swap3A_624, %swap3A_625] {strides = array<i32>} : memref<16x128xf32, #tpu.memory_space<vmem>>, vector<1x16xf32>,
    %swap3A_627 = vector.shape_cast %swap3A_626 : vector<1x16xf32> to vector<16xf32>
    %swap3A_628 = vector.shape_cast %mul3A_622 : vector<16xf32> to vector<1x16xf32>
    tpu.vector_store %arg14[%swap3A_624, %swap3A_625], %swap3A_628 {strides = array<i32>} : memref<16x128xf32, #tpu.memory_space<vmem>>, vector<1x16xf32>,
    %get3A_629 = arith.constant 3 : i32
    %get3A_630 = arith.index_cast %get3A_629 : i32 to index
    %get3A_631 = arith.constant 48 : index
    %get3A_632 = tpu.vector_load %arg14[%get3A_630, %get3A_631] {strides = array<i32>} : memref<16x128xf32, #tpu.memory_space<vmem>>, vector<1x16xf32>,
    %get3A_633 = vector.shape_cast %get3A_632 : vector<1x16xf32> to vector<16xf32>
    %get3A_634 = arith.constant 3 : i32
    %get3A_635 = arith.index_cast %get3A_634 : i32 to index
    %get3A_636 = arith.constant 48 : index
    %get3A_637 = tpu.vector_load %arg15[%get3A_635, %get3A_636] {strides = array<i32>} : memref<16x128xf32, #tpu.memory_space<vmem>>, vector<1x16xf32>,
    %get3A_638 = vector.shape_cast %get3A_637 : vector<1x16xf32> to vector<16xf32>
    %add3A_639 = arith.addf %get3A_633, %get3A_638 : vector<16xf32>
    %mul3A_640 = arith.mulf %add3A_639, %add3A_574 : vector<16xf32>
    %swap3A_641 = arith.constant 3 : i32
    %swap3A_642 = arith.index_cast %swap3A_641 : i32 to index
    %swap3A_643 = arith.constant 48 : index
    %swap3A_644 = tpu.vector_load %arg14[%swap3A_642, %swap3A_643] {strides = array<i32>} : memref<16x128xf32, #tpu.memory_space<vmem>>, vector<1x16xf32>,
    %swap3A_645 = vector.shape_cast %swap3A_644 : vector<1x16xf32> to vector<16xf32>
    %swap3A_646 = vector.shape_cast %mul3A_640 : vector<16xf32> to vector<1x16xf32>
    tpu.vector_store %arg14[%swap3A_642, %swap3A_643], %swap3A_646 {strides = array<i32>} : memref<16x128xf32, #tpu.memory_space<vmem>>, vector<1x16xf32>,
    %get3A_647 = arith.constant 3 : i32
    %get3A_648 = arith.index_cast %get3A_647 : i32 to index
    %get3A_649 = arith.constant 64 : index
    %get3A_650 = tpu.vector_load %arg14[%get3A_648, %get3A_649] {strides = array<i32>} : memref<16x128xf32, #tpu.memory_space<vmem>>, vector<1x16xf32>,
    %get3A_651 = vector.shape_cast %get3A_650 : vector<1x16xf32> to vector<16xf32>
    %get3A_652 = arith.constant 3 : i32
    %get3A_653 = arith.index_cast %get3A_652 : i32 to index
    %get3A_654 = arith.constant 64 : index
    %get3A_655 = tpu.vector_load %arg15[%get3A_653, %get3A_654] {strides = array<i32>} : memref<16x128xf32, #tpu.memory_space<vmem>>, vector<1x16xf32>,
    %get3A_656 = vector.shape_cast %get3A_655 : vector<1x16xf32> to vector<16xf32>
    %add3A_657 = arith.addf %get3A_651, %get3A_656 : vector<16xf32>
    %mul3A_658 = arith.mulf %add3A_657, %add3A_574 : vector<16xf32>
    %swap3A_659 = arith.constant 3 : i32
    %swap3A_660 = arith.index_cast %swap3A_659 : i32 to index
    %swap3A_661 = arith.constant 64 : index
    %swap3A_662 = tpu.vector_load %arg14[%swap3A_660, %swap3A_661] {strides = array<i32>} : memref<16x128xf32, #tpu.memory_space<vmem>>, vector<1x16xf32>,
    %swap3A_663 = vector.shape_cast %swap3A_662 : vector<1x16xf32> to vector<16xf32>
    %swap3A_664 = vector.shape_cast %mul3A_658 : vector<16xf32> to vector<1x16xf32>
    tpu.vector_store %arg14[%swap3A_660, %swap3A_661], %swap3A_664 {strides = array<i32>} : memref<16x128xf32, #tpu.memory_space<vmem>>, vector<1x16xf32>,
    %get3A_665 = arith.constant 3 : i32
    %get3A_666 = arith.index_cast %get3A_665 : i32 to index
    %get3A_667 = arith.constant 80 : index
    %get3A_668 = tpu.vector_load %arg14[%get3A_666, %get3A_667] {strides = array<i32>} : memref<16x128xf32, #tpu.memory_space<vmem>>, vector<1x16xf32>,
    %get3A_669 = vector.shape_cast %get3A_668 : vector<1x16xf32> to vector<16xf32>
    %get3A_670 = arith.constant 3 : i32
    %get3A_671 = arith.index_cast %get3A_670 : i32 to index
    %get3A_672 = arith.constant 80 : index
    %get3A_673 = tpu.vector_load %arg15[%get3A_671, %get3A_672] {strides = array<i32>} : memref<16x128xf32, #tpu.memory_space<vmem>>, vector<1x16xf32>,
    %get3A_674 = vector.shape_cast %get3A_673 : vector<1x16xf32> to vector<16xf32>
    %add3A_675 = arith.addf %get3A_669, %get3A_674 : vector<16xf32>
    %mul3A_676 = arith.mulf %add3A_675, %add3A_574 : vector<16xf32>
    %swap3A_677 = arith.constant 3 : i32
    %swap3A_678 = arith.index_cast %swap3A_677 : i32 to index
    %swap3A_679 = arith.constant 80 : index
    %swap3A_680 = tpu.vector_load %arg14[%swap3A_678, %swap3A_679] {strides = array<i32>} : memref<16x128xf32, #tpu.memory_space<vmem>>, vector<1x16xf32>,
    %swap3A_681 = vector.shape_cast %swap3A_680 : vector<1x16xf32> to vector<16xf32>
    %swap3A_682 = vector.shape_cast %mul3A_676 : vector<16xf32> to vector<1x16xf32>
    tpu.vector_store %arg14[%swap3A_678, %swap3A_679], %swap3A_682 {strides = array<i32>} : memref<16x128xf32, #tpu.memory_space<vmem>>, vector<1x16xf32>,
    %get3A_683 = arith.constant 3 : i32
    %get3A_684 = arith.index_cast %get3A_683 : i32 to index
    %get3A_685 = arith.constant 96 : index
    %get3A_686 = tpu.vector_load %arg14[%get3A_684, %get3A_685] {strides = array<i32>} : memref<16x128xf32, #tpu.memory_space<vmem>>, vector<1x16xf32>,
    %get3A_687 = vector.shape_cast %get3A_686 : vector<1x16xf32> to vector<16xf32>
    %get3A_688 = arith.constant 3 : i32
    %get3A_689 = arith.index_cast %get3A_688 : i32 to index
    %get3A_690 = arith.constant 96 : index
    %get3A_691 = tpu.vector_load %arg15[%get3A_689, %get3A_690] {strides = array<i32>} : memref<16x128xf32, #tpu.memory_space<vmem>>, vector<1x16xf32>,
    %get3A_692 = vector.shape_cast %get3A_691 : vector<1x16xf32> to vector<16xf32>
    %add3A_693 = arith.addf %get3A_687, %get3A_692 : vector<16xf32>
    %mul3A_694 = arith.mulf %add3A_693, %add3A_574 : vector<16xf32>
    %swap3A_695 = arith.constant 3 : i32
    %swap3A_696 = arith.index_cast %swap3A_695 : i32 to index
    %swap3A_697 = arith.constant 96 : index
    %swap3A_698 = tpu.vector_load %arg14[%swap3A_696, %swap3A_697] {strides = array<i32>} : memref<16x128xf32, #tpu.memory_space<vmem>>, vector<1x16xf32>,
    %swap3A_699 = vector.shape_cast %swap3A_698 : vector<1x16xf32> to vector<16xf32>
    %swap3A_700 = vector.shape_cast %mul3A_694 : vector<16xf32> to vector<1x16xf32>
    tpu.vector_store %arg14[%swap3A_696, %swap3A_697], %swap3A_700 {strides = array<i32>} : memref<16x128xf32, #tpu.memory_space<vmem>>, vector<1x16xf32>,
    %get3A_701 = arith.constant 3 : i32
    %get3A_702 = arith.index_cast %get3A_701 : i32 to index
    %get3A_703 = arith.constant 112 : index
    %get3A_704 = tpu.vector_load %arg14[%get3A_702, %get3A_703] {strides = array<i32>} : memref<16x128xf32, #tpu.memory_space<vmem>>, vector<1x16xf32>,
    %get3A_705 = vector.shape_cast %get3A_704 : vector<1x16xf32> to vector<16xf32>
    %get3A_706 = arith.constant 3 : i32
    %get3A_707 = arith.index_cast %get3A_706 : i32 to index
    %get3A_708 = arith.constant 112 : index
    %get3A_709 = tpu.vector_load %arg15[%get3A_707, %get3A_708] {strides = array<i32>} : memref<16x128xf32, #tpu.memory_space<vmem>>, vector<1x16xf32>,
    %get3A_710 = vector.shape_cast %get3A_709 : vector<1x16xf32> to vector<16xf32>
    %add3A_711 = arith.addf %get3A_705, %get3A_710 : vector<16xf32>
    %mul3A_712 = arith.mulf %add3A_711, %add3A_574 : vector<16xf32>
    %swap3A_713 = arith.constant 3 : i32
    %swap3A_714 = arith.index_cast %swap3A_713 : i32 to index
    %swap3A_715 = arith.constant 112 : index
    %swap3A_716 = tpu.vector_load %arg14[%swap3A_714, %swap3A_715] {strides = array<i32>} : memref<16x128xf32, #tpu.memory_space<vmem>>, vector<1x16xf32>,
    %swap3A_717 = vector.shape_cast %swap3A_716 : vector<1x16xf32> to vector<16xf32>
    %swap3A_718 = vector.shape_cast %mul3A_712 : vector<16xf32> to vector<1x16xf32>
    tpu.vector_store %arg14[%swap3A_714, %swap3A_715], %swap3A_718 {strides = array<i32>} : memref<16x128xf32, #tpu.memory_space<vmem>>, vector<1x16xf32>,
    %broadcast_in_dim3A_719 = arith.constant 0.000000e+00 : f32
    %broadcast_in_dim3A_720 = vector.broadcast %broadcast_in_dim3A_719 : f32 to vector<16xf32>
    %slice3A_721 = vector.extract_strided_slice %div3A_111 {offsets = [4], sizes = [1], strides = [1]} : vector<16xf32> to vector<1xf32>
    %squeeze3A_722 = vector.extract %slice3A_721[0] : f32 from vector<1xf32>
    %add3A_723 = vector.broadcast %squeeze3A_722 : f32 to vector<16xf32>
    %add3A_724 = arith.addf %broadcast_in_dim3A_720, %add3A_723 : vector<16xf32>
    %get3A_725 = arith.constant 4 : i32
    %get3A_726 = arith.index_cast %get3A_725 : i32 to index
    %get3A_727 = arith.constant 0 : index
    %get3A_728 = tpu.vector_load %arg14[%get3A_726, %get3A_727] {strides = array<i32>} : memref<16x128xf32, #tpu.memory_space<vmem>>, vector<1x16xf32>,
    %get3A_729 = vector.shape_cast %get3A_728 : vector<1x16xf32> to vector<16xf32>
    %get3A_730 = arith.constant 4 : i32
    %get3A_731 = arith.index_cast %get3A_730 : i32 to index
    %get3A_732 = arith.constant 0 : index
    %get3A_733 = tpu.vector_load %arg15[%get3A_731, %get3A_732] {strides = array<i32>} : memref<16x128xf32, #tpu.memory_space<vmem>>, vector<1x16xf32>,
    %get3A_734 = vector.shape_cast %get3A_733 : vector<1x16xf32> to vector<16xf32>
    %add3A_735 = arith.addf %get3A_729, %get3A_734 : vector<16xf32>
    %mul3A_736 = arith.mulf %add3A_735, %add3A_724 : vector<16xf32>
    %swap3A_737 = arith.constant 4 : i32
    %swap3A_738 = arith.index_cast %swap3A_737 : i32 to index
    %swap3A_739 = arith.constant 0 : index
    %swap3A_740 = tpu.vector_load %arg14[%swap3A_738, %swap3A_739] {strides = array<i32>} : memref<16x128xf32, #tpu.memory_space<vmem>>, vector<1x16xf32>,
    %swap3A_741 = vector.shape_cast %swap3A_740 : vector<1x16xf32> to vector<16xf32>
    %swap3A_742 = vector.shape_cast %mul3A_736 : vector<16xf32> to vector<1x16xf32>
    tpu.vector_store %arg14[%swap3A_738, %swap3A_739], %swap3A_742 {strides = array<i32>} : memref<16x128xf32, #tpu.memory_space<vmem>>, vector<1x16xf32>,
    %get3A_743 = arith.constant 4 : i32
    %get3A_744 = arith.index_cast %get3A_743 : i32 to index
    %get3A_745 = arith.constant 16 : index
    %get3A_746 = tpu.vector_load %arg14[%get3A_744, %get3A_745] {strides = array<i32>} : memref<16x128xf32, #tpu.memory_space<vmem>>, vector<1x16xf32>,
    %get3A_747 = vector.shape_cast %get3A_746 : vector<1x16xf32> to vector<16xf32>
    %get3A_748 = arith.constant 4 : i32
    %get3A_749 = arith.index_cast %get3A_748 : i32 to index
    %get3A_750 = arith.constant 16 : index
    %get3A_751 = tpu.vector_load %arg15[%get3A_749, %get3A_750] {strides = array<i32>} : memref<16x128xf32, #tpu.memory_space<vmem>>, vector<1x16xf32>,
    %get3A_752 = vector.shape_cast %get3A_751 : vector<1x16xf32> to vector<16xf32>
    %add3A_753 = arith.addf %get3A_747, %get3A_752 : vector<16xf32>
    %mul3A_754 = arith.mulf %add3A_753, %add3A_724 : vector<16xf32>
    %swap3A_755 = arith.constant 4 : i32
    %swap3A_756 = arith.index_cast %swap3A_755 : i32 to index
    %swap3A_757 = arith.constant 16 : index
    %swap3A_758 = tpu.vector_load %arg14[%swap3A_756, %swap3A_757] {strides = array<i32>} : memref<16x128xf32, #tpu.memory_space<vmem>>, vector<1x16xf32>,
    %swap3A_759 = vector.shape_cast %swap3A_758 : vector<1x16xf32> to vector<16xf32>
    %swap3A_760 = vector.shape_cast %mul3A_754 : vector<16xf32> to vector<1x16xf32>
    tpu.vector_store %arg14[%swap3A_756, %swap3A_757], %swap3A_760 {strides = array<i32>} : memref<16x128xf32, #tpu.memory_space<vmem>>, vector<1x16xf32>,
    %get3A_761 = arith.constant 4 : i32
    %get3A_762 = arith.index_cast %get3A_761 : i32 to index
    %get3A_763 = arith.constant 32 : index
    %get3A_764 = tpu.vector_load %arg14[%get3A_762, %get3A_763] {strides = array<i32>} : memref<16x128xf32, #tpu.memory_space<vmem>>, vector<1x16xf32>,
    %get3A_765 = vector.shape_cast %get3A_764 : vector<1x16xf32> to vector<16xf32>
    %get3A_766 = arith.constant 4 : i32
    %get3A_767 = arith.index_cast %get3A_766 : i32 to index
    %get3A_768 = arith.constant 32 : index
    %get3A_769 = tpu.vector_load %arg15[%get3A_767, %get3A_768] {strides = array<i32>} : memref<16x128xf32, #tpu.memory_space<vmem>>, vector<1x16xf32>,
    %get3A_770 = vector.shape_cast %get3A_769 : vector<1x16xf32> to vector<16xf32>
    %add3A_771 = arith.addf %get3A_765, %get3A_770 : vector<16xf32>
    %mul3A_772 = arith.mulf %add3A_771, %add3A_724 : vector<16xf32>
    %swap3A_773 = arith.constant 4 : i32
    %swap3A_774 = arith.index_cast %swap3A_773 : i32 to index
    %swap3A_775 = arith.constant 32 : index
    %swap3A_776 = tpu.vector_load %arg14[%swap3A_774, %swap3A_775] {strides = array<i32>} : memref<16x128xf32, #tpu.memory_space<vmem>>, vector<1x16xf32>,
    %swap3A_777 = vector.shape_cast %swap3A_776 : vector<1x16xf32> to vector<16xf32>
    %swap3A_778 = vector.shape_cast %mul3A_772 : vector<16xf32> to vector<1x16xf32>
    tpu.vector_store %arg14[%swap3A_774, %swap3A_775], %swap3A_778 {strides = array<i32>} : memref<16x128xf32, #tpu.memory_space<vmem>>, vector<1x16xf32>,
    %get3A_779 = arith.constant 4 : i32
    %get3A_780 = arith.index_cast %get3A_779 : i32 to index
    %get3A_781 = arith.constant 48 : index
    %get3A_782 = tpu.vector_load %arg14[%get3A_780, %get3A_781] {strides = array<i32>} : memref<16x128xf32, #tpu.memory_space<vmem>>, vector<1x16xf32>,
    %get3A_783 = vector.shape_cast %get3A_782 : vector<1x16xf32> to vector<16xf32>
    %get3A_784 = arith.constant 4 : i32
    %get3A_785 = arith.index_cast %get3A_784 : i32 to index
    %get3A_786 = arith.constant 48 : index
    %get3A_787 = tpu.vector_load %arg15[%get3A_785, %get3A_786] {strides = array<i32>} : memref<16x128xf32, #tpu.memory_space<vmem>>, vector<1x16xf32>,
    %get3A_788 = vector.shape_cast %get3A_787 : vector<1x16xf32> to vector<16xf32>
    %add3A_789 = arith.addf %get3A_783, %get3A_788 : vector<16xf32>
    %mul3A_790 = arith.mulf %add3A_789, %add3A_724 : vector<16xf32>
    %swap3A_791 = arith.constant 4 : i32
    %swap3A_792 = arith.index_cast %swap3A_791 : i32 to index
    %swap3A_793 = arith.constant 48 : index
    %swap3A_794 = tpu.vector_load %arg14[%swap3A_792, %swap3A_793] {strides = array<i32>} : memref<16x128xf32, #tpu.memory_space<vmem>>, vector<1x16xf32>,
    %swap3A_795 = vector.shape_cast %swap3A_794 : vector<1x16xf32> to vector<16xf32>
    %swap3A_796 = vector.shape_cast %mul3A_790 : vector<16xf32> to vector<1x16xf32>
    tpu.vector_store %arg14[%swap3A_792, %swap3A_793], %swap3A_796 {strides = array<i32>} : memref<16x128xf32, #tpu.memory_space<vmem>>, vector<1x16xf32>,
    %get3A_797 = arith.constant 4 : i32
    %get3A_798 = arith.index_cast %get3A_797 : i32 to index
    %get3A_799 = arith.constant 64 : index
    %get3A_800 = tpu.vector_load %arg14[%get3A_798, %get3A_799] {strides = array<i32>} : memref<16x128xf32, #tpu.memory_space<vmem>>, vector<1x16xf32>,
    %get3A_801 = vector.shape_cast %get3A_800 : vector<1x16xf32> to vector<16xf32>
    %get3A_802 = arith.constant 4 : i32
    %get3A_803 = arith.index_cast %get3A_802 : i32 to index
    %get3A_804 = arith.constant 64 : index
    %get3A_805 = tpu.vector_load %arg15[%get3A_803, %get3A_804] {strides = array<i32>} : memref<16x128xf32, #tpu.memory_space<vmem>>, vector<1x16xf32>,
    %get3A_806 = vector.shape_cast %get3A_805 : vector<1x16xf32> to vector<16xf32>
    %add3A_807 = arith.addf %get3A_801, %get3A_806 : vector<16xf32>
    %mul3A_808 = arith.mulf %add3A_807, %add3A_724 : vector<16xf32>
    %swap3A_809 = arith.constant 4 : i32
    %swap3A_810 = arith.index_cast %swap3A_809 : i32 to index
    %swap3A_811 = arith.constant 64 : index
    %swap3A_812 = tpu.vector_load %arg14[%swap3A_810, %swap3A_811] {strides = array<i32>} : memref<16x128xf32, #tpu.memory_space<vmem>>, vector<1x16xf32>,
    %swap3A_813 = vector.shape_cast %swap3A_812 : vector<1x16xf32> to vector<16xf32>
    %swap3A_814 = vector.shape_cast %mul3A_808 : vector<16xf32> to vector<1x16xf32>
    tpu.vector_store %arg14[%swap3A_810, %swap3A_811], %swap3A_814 {strides = array<i32>} : memref<16x128xf32, #tpu.memory_space<vmem>>, vector<1x16xf32>,
    %get3A_815 = arith.constant 4 : i32
    %get3A_816 = arith.index_cast %get3A_815 : i32 to index
    %get3A_817 = arith.constant 80 : index
    %get3A_818 = tpu.vector_load %arg14[%get3A_816, %get3A_817] {strides = array<i32>} : memref<16x128xf32, #tpu.memory_space<vmem>>, vector<1x16xf32>,
    %get3A_819 = vector.shape_cast %get3A_818 : vector<1x16xf32> to vector<16xf32>
    %get3A_820 = arith.constant 4 : i32
    %get3A_821 = arith.index_cast %get3A_820 : i32 to index
    %get3A_822 = arith.constant 80 : index
    %get3A_823 = tpu.vector_load %arg15[%get3A_821, %get3A_822] {strides = array<i32>} : memref<16x128xf32, #tpu.memory_space<vmem>>, vector<1x16xf32>,
    %get3A_824 = vector.shape_cast %get3A_823 : vector<1x16xf32> to vector<16xf32>
    %add3A_825 = arith.addf %get3A_819, %get3A_824 : vector<16xf32>
    %mul3A_826 = arith.mulf %add3A_825, %add3A_724 : vector<16xf32>
    %swap3A_827 = arith.constant 4 : i32
    %swap3A_828 = arith.index_cast %swap3A_827 : i32 to index
    %swap3A_829 = arith.constant 80 : index
    %swap3A_830 = tpu.vector_load %arg14[%swap3A_828, %swap3A_829] {strides = array<i32>} : memref<16x128xf32, #tpu.memory_space<vmem>>, vector<1x16xf32>,
    %swap3A_831 = vector.shape_cast %swap3A_830 : vector<1x16xf32> to vector<16xf32>
    %swap3A_832 = vector.shape_cast %mul3A_826 : vector<16xf32> to vector<1x16xf32>
    tpu.vector_store %arg14[%swap3A_828, %swap3A_829], %swap3A_832 {strides = array<i32>} : memref<16x128xf32, #tpu.memory_space<vmem>>, vector<1x16xf32>,
    %get3A_833 = arith.constant 4 : i32
    %get3A_834 = arith.index_cast %get3A_833 : i32 to index
    %get3A_835 = arith.constant 96 : index
    %get3A_836 = tpu.vector_load %arg14[%get3A_834, %get3A_835] {strides = array<i32>} : memref<16x128xf32, #tpu.memory_space<vmem>>, vector<1x16xf32>,
    %get3A_837 = vector.shape_cast %get3A_836 : vector<1x16xf32> to vector<16xf32>
    %get3A_838 = arith.constant 4 : i32
    %get3A_839 = arith.index_cast %get3A_838 : i32 to index
    %get3A_840 = arith.constant 96 : index
    %get3A_841 = tpu.vector_load %arg15[%get3A_839, %get3A_840] {strides = array<i32>} : memref<16x128xf32, #tpu.memory_space<vmem>>, vector<1x16xf32>,
    %get3A_842 = vector.shape_cast %get3A_841 : vector<1x16xf32> to vector<16xf32>
    %add3A_843 = arith.addf %get3A_837, %get3A_842 : vector<16xf32>
    %mul3A_844 = arith.mulf %add3A_843, %add3A_724 : vector<16xf32>
    %swap3A_845 = arith.constant 4 : i32
    %swap3A_846 = arith.index_cast %swap3A_845 : i32 to index
    %swap3A_847 = arith.constant 96 : index
    %swap3A_848 = tpu.vector_load %arg14[%swap3A_846, %swap3A_847] {strides = array<i32>} : memref<16x128xf32, #tpu.memory_space<vmem>>, vector<1x16xf32>,
    %swap3A_849 = vector.shape_cast %swap3A_848 : vector<1x16xf32> to vector<16xf32>
    %swap3A_850 = vector.shape_cast %mul3A_844 : vector<16xf32> to vector<1x16xf32>
    tpu.vector_store %arg14[%swap3A_846, %swap3A_847], %swap3A_850 {strides = array<i32>} : memref<16x128xf32, #tpu.memory_space<vmem>>, vector<1x16xf32>,
    %get3A_851 = arith.constant 4 : i32
    %get3A_852 = arith.index_cast %get3A_851 : i32 to index
    %get3A_853 = arith.constant 112 : index
    %get3A_854 = tpu.vector_load %arg14[%get3A_852, %get3A_853] {strides = array<i32>} : memref<16x128xf32, #tpu.memory_space<vmem>>, vector<1x16xf32>,
    %get3A_855 = vector.shape_cast %get3A_854 : vector<1x16xf32> to vector<16xf32>
    %get3A_856 = arith.constant 4 : i32
    %get3A_857 = arith.index_cast %get3A_856 : i32 to index
    %get3A_858 = arith.constant 112 : index
    %get3A_859 = tpu.vector_load %arg15[%get3A_857, %get3A_858] {strides = array<i32>} : memref<16x128xf32, #tpu.memory_space<vmem>>, vector<1x16xf32>,
    %get3A_860 = vector.shape_cast %get3A_859 : vector<1x16xf32> to vector<16xf32>
    %add3A_861 = arith.addf %get3A_855, %get3A_860 : vector<16xf32>
    %mul3A_862 = arith.mulf %add3A_861, %add3A_724 : vector<16xf32>
    %swap3A_863 = arith.constant 4 : i32
    %swap3A_864 = arith.index_cast %swap3A_863 : i32 to index
    %swap3A_865 = arith.constant 112 : index
    %swap3A_866 = tpu.vector_load %arg14[%swap3A_864, %swap3A_865] {strides = array<i32>} : memref<16x128xf32, #tpu.memory_space<vmem>>, vector<1x16xf32>,
    %swap3A_867 = vector.shape_cast %swap3A_866 : vector<1x16xf32> to vector<16xf32>
    %swap3A_868 = vector.shape_cast %mul3A_862 : vector<16xf32> to vector<1x16xf32>
    tpu.vector_store %arg14[%swap3A_864, %swap3A_865], %swap3A_868 {strides = array<i32>} : memref<16x128xf32, #tpu.memory_space<vmem>>, vector<1x16xf32>,
    %broadcast_in_dim3A_869 = arith.constant 0.000000e+00 : f32
    %broadcast_in_dim3A_870 = vector.broadcast %broadcast_in_dim3A_869 : f32 to vector<16xf32>
    %slice3A_871 = vector.extract_strided_slice %div3A_111 {offsets = [5], sizes = [1], strides = [1]} : vector<16xf32> to vector<1xf32>
    %squeeze3A_872 = vector.extract %slice3A_871[0] : f32 from vector<1xf32>
    %add3A_873 = vector.broadcast %squeeze3A_872 : f32 to vector<16xf32>
    %add3A_874 = arith.addf %broadcast_in_dim3A_870, %add3A_873 : vector<16xf32>
    %get3A_875 = arith.constant 5 : i32
    %get3A_876 = arith.index_cast %get3A_875 : i32 to index
    %get3A_877 = arith.constant 0 : index
    %get3A_878 = tpu.vector_load %arg14[%get3A_876, %get3A_877] {strides = array<i32>} : memref<16x128xf32, #tpu.memory_space<vmem>>, vector<1x16xf32>,
    %get3A_879 = vector.shape_cast %get3A_878 : vector<1x16xf32> to vector<16xf32>
    %get3A_880 = arith.constant 5 : i32
    %get3A_881 = arith.index_cast %get3A_880 : i32 to index
    %get3A_882 = arith.constant 0 : index
    %get3A_883 = tpu.vector_load %arg15[%get3A_881, %get3A_882] {strides = array<i32>} : memref<16x128xf32, #tpu.memory_space<vmem>>, vector<1x16xf32>,
    %get3A_884 = vector.shape_cast %get3A_883 : vector<1x16xf32> to vector<16xf32>
    %add3A_885 = arith.addf %get3A_879, %get3A_884 : vector<16xf32>
    %mul3A_886 = arith.mulf %add3A_885, %add3A_874 : vector<16xf32>
    %swap3A_887 = arith.constant 5 : i32
    %swap3A_888 = arith.index_cast %swap3A_887 : i32 to index
    %swap3A_889 = arith.constant 0 : index
    %swap3A_890 = tpu.vector_load %arg14[%swap3A_888, %swap3A_889] {strides = array<i32>} : memref<16x128xf32, #tpu.memory_space<vmem>>, vector<1x16xf32>,
    %swap3A_891 = vector.shape_cast %swap3A_890 : vector<1x16xf32> to vector<16xf32>
    %swap3A_892 = vector.shape_cast %mul3A_886 : vector<16xf32> to vector<1x16xf32>
    tpu.vector_store %arg14[%swap3A_888, %swap3A_889], %swap3A_892 {strides = array<i32>} : memref<16x128xf32, #tpu.memory_space<vmem>>, vector<1x16xf32>,
    %get3A_893 = arith.constant 5 : i32
    %get3A_894 = arith.index_cast %get3A_893 : i32 to index
    %get3A_895 = arith.constant 16 : index
    %get3A_896 = tpu.vector_load %arg14[%get3A_894, %get3A_895] {strides = array<i32>} : memref<16x128xf32, #tpu.memory_space<vmem>>, vector<1x16xf32>,
    %get3A_897 = vector.shape_cast %get3A_896 : vector<1x16xf32> to vector<16xf32>
    %get3A_898 = arith.constant 5 : i32
    %get3A_899 = arith.index_cast %get3A_898 : i32 to index
    %get3A_900 = arith.constant 16 : index
    %get3A_901 = tpu.vector_load %arg15[%get3A_899, %get3A_900] {strides = array<i32>} : memref<16x128xf32, #tpu.memory_space<vmem>>, vector<1x16xf32>,
    %get3A_902 = vector.shape_cast %get3A_901 : vector<1x16xf32> to vector<16xf32>
    %add3A_903 = arith.addf %get3A_897, %get3A_902 : vector<16xf32>
    %mul3A_904 = arith.mulf %add3A_903, %add3A_874 : vector<16xf32>
    %swap3A_905 = arith.constant 5 : i32
    %swap3A_906 = arith.index_cast %swap3A_905 : i32 to index
    %swap3A_907 = arith.constant 16 : index
    %swap3A_908 = tpu.vector_load %arg14[%swap3A_906, %swap3A_907] {strides = array<i32>} : memref<16x128xf32, #tpu.memory_space<vmem>>, vector<1x16xf32>,
    %swap3A_909 = vector.shape_cast %swap3A_908 : vector<1x16xf32> to vector<16xf32>
    %swap3A_910 = vector.shape_cast %mul3A_904 : vector<16xf32> to vector<1x16xf32>
    tpu.vector_store %arg14[%swap3A_906, %swap3A_907], %swap3A_910 {strides = array<i32>} : memref<16x128xf32, #tpu.memory_space<vmem>>, vector<1x16xf32>,
    %get3A_911 = arith.constant 5 : i32
    %get3A_912 = arith.index_cast %get3A_911 : i32 to index
    %get3A_913 = arith.constant 32 : index
    %get3A_914 = tpu.vector_load %arg14[%get3A_912, %get3A_913] {strides = array<i32>} : memref<16x128xf32, #tpu.memory_space<vmem>>, vector<1x16xf32>,
    %get3A_915 = vector.shape_cast %get3A_914 : vector<1x16xf32> to vector<16xf32>
    %get3A_916 = arith.constant 5 : i32
    %get3A_917 = arith.index_cast %get3A_916 : i32 to index
    %get3A_918 = arith.constant 32 : index
    %get3A_919 = tpu.vector_load %arg15[%get3A_917, %get3A_918] {strides = array<i32>} : memref<16x128xf32, #tpu.memory_space<vmem>>, vector<1x16xf32>,
    %get3A_920 = vector.shape_cast %get3A_919 : vector<1x16xf32> to vector<16xf32>
    %add3A_921 = arith.addf %get3A_915, %get3A_920 : vector<16xf32>
    %mul3A_922 = arith.mulf %add3A_921, %add3A_874 : vector<16xf32>
    %swap3A_923 = arith.constant 5 : i32
    %swap3A_924 = arith.index_cast %swap3A_923 : i32 to index
    %swap3A_925 = arith.constant 32 : index
    %swap3A_926 = tpu.vector_load %arg14[%swap3A_924, %swap3A_925] {strides = array<i32>} : memref<16x128xf32, #tpu.memory_space<vmem>>, vector<1x16xf32>,
    %swap3A_927 = vector.shape_cast %swap3A_926 : vector<1x16xf32> to vector<16xf32>
    %swap3A_928 = vector.shape_cast %mul3A_922 : vector<16xf32> to vector<1x16xf32>
    tpu.vector_store %arg14[%swap3A_924, %swap3A_925], %swap3A_928 {strides = array<i32>} : memref<16x128xf32, #tpu.memory_space<vmem>>, vector<1x16xf32>,
    %get3A_929 = arith.constant 5 : i32
    %get3A_930 = arith.index_cast %get3A_929 : i32 to index
    %get3A_931 = arith.constant 48 : index
    %get3A_932 = tpu.vector_load %arg14[%get3A_930, %get3A_931] {strides = array<i32>} : memref<16x128xf32, #tpu.memory_space<vmem>>, vector<1x16xf32>,
    %get3A_933 = vector.shape_cast %get3A_932 : vector<1x16xf32> to vector<16xf32>
    %get3A_934 = arith.constant 5 : i32
    %get3A_935 = arith.index_cast %get3A_934 : i32 to index
    %get3A_936 = arith.constant 48 : index
    %get3A_937 = tpu.vector_load %arg15[%get3A_935, %get3A_936] {strides = array<i32>} : memref<16x128xf32, #tpu.memory_space<vmem>>, vector<1x16xf32>,
    %get3A_938 = vector.shape_cast %get3A_937 : vector<1x16xf32> to vector<16xf32>
    %add3A_939 = arith.addf %get3A_933, %get3A_938 : vector<16xf32>
    %mul3A_940 = arith.mulf %add3A_939, %add3A_874 : vector<16xf32>
    %swap3A_941 = arith.constant 5 : i32
    %swap3A_942 = arith.index_cast %swap3A_941 : i32 to index
    %swap3A_943 = arith.constant 48 : index
    %swap3A_944 = tpu.vector_load %arg14[%swap3A_942, %swap3A_943] {strides = array<i32>} : memref<16x128xf32, #tpu.memory_space<vmem>>, vector<1x16xf32>,
    %swap3A_945 = vector.shape_cast %swap3A_944 : vector<1x16xf32> to vector<16xf32>
    %swap3A_946 = vector.shape_cast %mul3A_940 : vector<16xf32> to vector<1x16xf32>
    tpu.vector_store %arg14[%swap3A_942, %swap3A_943], %swap3A_946 {strides = array<i32>} : memref<16x128xf32, #tpu.memory_space<vmem>>, vector<1x16xf32>,
    %get3A_947 = arith.constant 5 : i32
    %get3A_948 = arith.index_cast %get3A_947 : i32 to index
    %get3A_949 = arith.constant 64 : index
    %get3A_950 = tpu.vector_load %arg14[%get3A_948, %get3A_949] {strides = array<i32>} : memref<16x128xf32, #tpu.memory_space<vmem>>, vector<1x16xf32>,
    %get3A_951 = vector.shape_cast %get3A_950 : vector<1x16xf32> to vector<16xf32>
    %get3A_952 = arith.constant 5 : i32
    %get3A_953 = arith.index_cast %get3A_952 : i32 to index
    %get3A_954 = arith.constant 64 : index
    %get3A_955 = tpu.vector_load %arg15[%get3A_953, %get3A_954] {strides = array<i32>} : memref<16x128xf32, #tpu.memory_space<vmem>>, vector<1x16xf32>,
    %get3A_956 = vector.shape_cast %get3A_955 : vector<1x16xf32> to vector<16xf32>
    %add3A_957 = arith.addf %get3A_951, %get3A_956 : vector<16xf32>
    %mul3A_958 = arith.mulf %add3A_957, %add3A_874 : vector<16xf32>
    %swap3A_959 = arith.constant 5 : i32
    %swap3A_960 = arith.index_cast %swap3A_959 : i32 to index
    %swap3A_961 = arith.constant 64 : index
    %swap3A_962 = tpu.vector_load %arg14[%swap3A_960, %swap3A_961] {strides = array<i32>} : memref<16x128xf32, #tpu.memory_space<vmem>>, vector<1x16xf32>,
    %swap3A_963 = vector.shape_cast %swap3A_962 : vector<1x16xf32> to vector<16xf32>
    %swap3A_964 = vector.shape_cast %mul3A_958 : vector<16xf32> to vector<1x16xf32>
    tpu.vector_store %arg14[%swap3A_960, %swap3A_961], %swap3A_964 {strides = array<i32>} : memref<16x128xf32, #tpu.memory_space<vmem>>, vector<1x16xf32>,
    %get3A_965 = arith.constant 5 : i32
    %get3A_966 = arith.index_cast %get3A_965 : i32 to index
    %get3A_967 = arith.constant 80 : index
    %get3A_968 = tpu.vector_load %arg14[%get3A_966, %get3A_967] {strides = array<i32>} : memref<16x128xf32, #tpu.memory_space<vmem>>, vector<1x16xf32>,
    %get3A_969 = vector.shape_cast %get3A_968 : vector<1x16xf32> to vector<16xf32>
    %get3A_970 = arith.constant 5 : i32
    %get3A_971 = arith.index_cast %get3A_970 : i32 to index
    %get3A_972 = arith.constant 80 : index
    %get3A_973 = tpu.vector_load %arg15[%get3A_971, %get3A_972] {strides = array<i32>} : memref<16x128xf32, #tpu.memory_space<vmem>>, vector<1x16xf32>,
    %get3A_974 = vector.shape_cast %get3A_973 : vector<1x16xf32> to vector<16xf32>
    %add3A_975 = arith.addf %get3A_969, %get3A_974 : vector<16xf32>
    %mul3A_976 = arith.mulf %add3A_975, %add3A_874 : vector<16xf32>
    %swap3A_977 = arith.constant 5 : i32
    %swap3A_978 = arith.index_cast %swap3A_977 : i32 to index
    %swap3A_979 = arith.constant 80 : index
    %swap3A_980 = tpu.vector_load %arg14[%swap3A_978, %swap3A_979] {strides = array<i32>} : memref<16x128xf32, #tpu.memory_space<vmem>>, vector<1x16xf32>,
    %swap3A_981 = vector.shape_cast %swap3A_980 : vector<1x16xf32> to vector<16xf32>
    %swap3A_982 = vector.shape_cast %mul3A_976 : vector<16xf32> to vector<1x16xf32>
    tpu.vector_store %arg14[%swap3A_978, %swap3A_979], %swap3A_982 {strides = array<i32>} : memref<16x128xf32, #tpu.memory_space<vmem>>, vector<1x16xf32>,
    %get3A_983 = arith.constant 5 : i32
    %get3A_984 = arith.index_cast %get3A_983 : i32 to index
    %get3A_985 = arith.constant 96 : index
    %get3A_986 = tpu.vector_load %arg14[%get3A_984, %get3A_985] {strides = array<i32>} : memref<16x128xf32, #tpu.memory_space<vmem>>, vector<1x16xf32>,
    %get3A_987 = vector.shape_cast %get3A_986 : vector<1x16xf32> to vector<16xf32>
    %get3A_988 = arith.constant 5 : i32
    %get3A_989 = arith.index_cast %get3A_988 : i32 to index
    %get3A_990 = arith.constant 96 : index
    %get3A_991 = tpu.vector_load %arg15[%get3A_989, %get3A_990] {strides = array<i32>} : memref<16x128xf32, #tpu.memory_space<vmem>>, vector<1x16xf32>,
    %get3A_992 = vector.shape_cast %get3A_991 : vector<1x16xf32> to vector<16xf32>
    %add3A_993 = arith.addf %get3A_987, %get3A_992 : vector<16xf32>
    %mul3A_994 = arith.mulf %add3A_993, %add3A_874 : vector<16xf32>
    %swap3A_995 = arith.constant 5 : i32
    %swap3A_996 = arith.index_cast %swap3A_995 : i32 to index
    %swap3A_997 = arith.constant 96 : index
    %swap3A_998 = tpu.vector_load %arg14[%swap3A_996, %swap3A_997] {strides = array<i32>} : memref<16x128xf32, #tpu.memory_space<vmem>>, vector<1x16xf32>,
    %swap3A_999 = vector.shape_cast %swap3A_998 : vector<1x16xf32> to vector<16xf32>
    %swap3A_1000 = vector.shape_cast %mul3A_994 : vector<16xf32> to vector<1x16xf32>
    tpu.vector_store %arg14[%swap3A_996, %swap3A_997], %swap3A_1000 {strides = array<i32>} : memref<16x128xf32, #tpu.memory_space<vmem>>, vector<1x16xf32>,
    %get3A_1001 = arith.constant 5 : i32
    %get3A_1002 = arith.index_cast %get3A_1001 : i32 to index
    %get3A_1003 = arith.constant 112 : index
    %get3A_1004 = tpu.vector_load %arg14[%get3A_1002, %get3A_1003] {strides = array<i32>} : memref<16x128xf32, #tpu.memory_space<vmem>>, vector<1x16xf32>,
    %get3A_1005 = vector.shape_cast %get3A_1004 : vector<1x16xf32> to vector<16xf32>
    %get3A_1006 = arith.constant 5 : i32
    %get3A_1007 = arith.index_cast %get3A_1006 : i32 to index
    %get3A_1008 = arith.constant 112 : index
    %get3A_1009 = tpu.vector_load %arg15[%get3A_1007, %get3A_1008] {strides = array<i32>} : memref<16x128xf32, #tpu.memory_space<vmem>>, vector<1x16xf32>,
    %get3A_1010 = vector.shape_cast %get3A_1009 : vector<1x16xf32> to vector<16xf32>
    %add3A_1011 = arith.addf %get3A_1005, %get3A_1010 : vector<16xf32>
    %mul3A_1012 = arith.mulf %add3A_1011, %add3A_874 : vector<16xf32>
    %swap3A_1013 = arith.constant 5 : i32
    %swap3A_1014 = arith.index_cast %swap3A_1013 : i32 to index
    %swap3A_1015 = arith.constant 112 : index
    %swap3A_1016 = tpu.vector_load %arg14[%swap3A_1014, %swap3A_1015] {strides = array<i32>} : memref<16x128xf32, #tpu.memory_space<vmem>>, vector<1x16xf32>,
    %swap3A_1017 = vector.shape_cast %swap3A_1016 : vector<1x16xf32> to vector<16xf32>
    %swap3A_1018 = vector.shape_cast %mul3A_1012 : vector<16xf32> to vector<1x16xf32>
    tpu.vector_store %arg14[%swap3A_1014, %swap3A_1015], %swap3A_1018 {strides = array<i32>} : memref<16x128xf32, #tpu.memory_space<vmem>>, vector<1x16xf32>,
    %broadcast_in_dim3A_1019 = arith.constant 0.000000e+00 : f32
    %broadcast_in_dim3A_1020 = vector.broadcast %broadcast_in_dim3A_1019 : f32 to vector<16xf32>
    %slice3A_1021 = vector.extract_strided_slice %div3A_111 {offsets = [6], sizes = [1], strides = [1]} : vector<16xf32> to vector<1xf32>
    %squeeze3A_1022 = vector.extract %slice3A_1021[0] : f32 from vector<1xf32>
    %add3A_1023 = vector.broadcast %squeeze3A_1022 : f32 to vector<16xf32>
    %add3A_1024 = arith.addf %broadcast_in_dim3A_1020, %add3A_1023 : vector<16xf32>
    %get3A_1025 = arith.constant 6 : i32
    %get3A_1026 = arith.index_cast %get3A_1025 : i32 to index
    %get3A_1027 = arith.constant 0 : index
    %get3A_1028 = tpu.vector_load %arg14[%get3A_1026, %get3A_1027] {strides = array<i32>} : memref<16x128xf32, #tpu.memory_space<vmem>>, vector<1x16xf32>,
    %get3A_1029 = vector.shape_cast %get3A_1028 : vector<1x16xf32> to vector<16xf32>
    %get3A_1030 = arith.constant 6 : i32
    %get3A_1031 = arith.index_cast %get3A_1030 : i32 to index
    %get3A_1032 = arith.constant 0 : index
    %get3A_1033 = tpu.vector_load %arg15[%get3A_1031, %get3A_1032] {strides = array<i32>} : memref<16x128xf32, #tpu.memory_space<vmem>>, vector<1x16xf32>,
    %get3A_1034 = vector.shape_cast %get3A_1033 : vector<1x16xf32> to vector<16xf32>
    %add3A_1035 = arith.addf %get3A_1029, %get3A_1034 : vector<16xf32>
    %mul3A_1036 = arith.mulf %add3A_1035, %add3A_1024 : vector<16xf32>
    %swap3A_1037 = arith.constant 6 : i32
    %swap3A_1038 = arith.index_cast %swap3A_1037 : i32 to index
    %swap3A_1039 = arith.constant 0 : index
    %swap3A_1040 = tpu.vector_load %arg14[%swap3A_1038, %swap3A_1039] {strides = array<i32>} : memref<16x128xf32, #tpu.memory_space<vmem>>, vector<1x16xf32>,
    %swap3A_1041 = vector.shape_cast %swap3A_1040 : vector<1x16xf32> to vector<16xf32>
    %swap3A_1042 = vector.shape_cast %mul3A_1036 : vector<16xf32> to vector<1x16xf32>
    tpu.vector_store %arg14[%swap3A_1038, %swap3A_1039], %swap3A_1042 {strides = array<i32>} : memref<16x128xf32, #tpu.memory_space<vmem>>, vector<1x16xf32>,
    %get3A_1043 = arith.constant 6 : i32
    %get3A_1044 = arith.index_cast %get3A_1043 : i32 to index
    %get3A_1045 = arith.constant 16 : index
    %get3A_1046 = tpu.vector_load %arg14[%get3A_1044, %get3A_1045] {strides = array<i32>} : memref<16x128xf32, #tpu.memory_space<vmem>>, vector<1x16xf32>,
    %get3A_1047 = vector.shape_cast %get3A_1046 : vector<1x16xf32> to vector<16xf32>
    %get3A_1048 = arith.constant 6 : i32
    %get3A_1049 = arith.index_cast %get3A_1048 : i32 to index
    %get3A_1050 = arith.constant 16 : index
    %get3A_1051 = tpu.vector_load %arg15[%get3A_1049, %get3A_1050] {strides = array<i32>} : memref<16x128xf32, #tpu.memory_space<vmem>>, vector<1x16xf32>,
    %get3A_1052 = vector.shape_cast %get3A_1051 : vector<1x16xf32> to vector<16xf32>
    %add3A_1053 = arith.addf %get3A_1047, %get3A_1052 : vector<16xf32>
    %mul3A_1054 = arith.mulf %add3A_1053, %add3A_1024 : vector<16xf32>
    %swap3A_1055 = arith.constant 6 : i32
    %swap3A_1056 = arith.index_cast %swap3A_1055 : i32 to index
    %swap3A_1057 = arith.constant 16 : index
    %swap3A_1058 = tpu.vector_load %arg14[%swap3A_1056, %swap3A_1057] {strides = array<i32>} : memref<16x128xf32, #tpu.memory_space<vmem>>, vector<1x16xf32>,
    %swap3A_1059 = vector.shape_cast %swap3A_1058 : vector<1x16xf32> to vector<16xf32>
    %swap3A_1060 = vector.shape_cast %mul3A_1054 : vector<16xf32> to vector<1x16xf32>
    tpu.vector_store %arg14[%swap3A_1056, %swap3A_1057], %swap3A_1060 {strides = array<i32>} : memref<16x128xf32, #tpu.memory_space<vmem>>, vector<1x16xf32>,
    %get3A_1061 = arith.constant 6 : i32
    %get3A_1062 = arith.index_cast %get3A_1061 : i32 to index
    %get3A_1063 = arith.constant 32 : index
    %get3A_1064 = tpu.vector_load %arg14[%get3A_1062, %get3A_1063] {strides = array<i32>} : memref<16x128xf32, #tpu.memory_space<vmem>>, vector<1x16xf32>,
    %get3A_1065 = vector.shape_cast %get3A_1064 : vector<1x16xf32> to vector<16xf32>
    %get3A_1066 = arith.constant 6 : i32
    %get3A_1067 = arith.index_cast %get3A_1066 : i32 to index
    %get3A_1068 = arith.constant 32 : index
    %get3A_1069 = tpu.vector_load %arg15[%get3A_1067, %get3A_1068] {strides = array<i32>} : memref<16x128xf32, #tpu.memory_space<vmem>>, vector<1x16xf32>,
    %get3A_1070 = vector.shape_cast %get3A_1069 : vector<1x16xf32> to vector<16xf32>
    %add3A_1071 = arith.addf %get3A_1065, %get3A_1070 : vector<16xf32>
    %mul3A_1072 = arith.mulf %add3A_1071, %add3A_1024 : vector<16xf32>
    %swap3A_1073 = arith.constant 6 : i32
    %swap3A_1074 = arith.index_cast %swap3A_1073 : i32 to index
    %swap3A_1075 = arith.constant 32 : index
    %swap3A_1076 = tpu.vector_load %arg14[%swap3A_1074, %swap3A_1075] {strides = array<i32>} : memref<16x128xf32, #tpu.memory_space<vmem>>, vector<1x16xf32>,
    %swap3A_1077 = vector.shape_cast %swap3A_1076 : vector<1x16xf32> to vector<16xf32>
    %swap3A_1078 = vector.shape_cast %mul3A_1072 : vector<16xf32> to vector<1x16xf32>
    tpu.vector_store %arg14[%swap3A_1074, %swap3A_1075], %swap3A_1078 {strides = array<i32>} : memref<16x128xf32, #tpu.memory_space<vmem>>, vector<1x16xf32>,
    %get3A_1079 = arith.constant 6 : i32
    %get3A_1080 = arith.index_cast %get3A_1079 : i32 to index
    %get3A_1081 = arith.constant 48 : index
    %get3A_1082 = tpu.vector_load %arg14[%get3A_1080, %get3A_1081] {strides = array<i32>} : memref<16x128xf32, #tpu.memory_space<vmem>>, vector<1x16xf32>,
    %get3A_1083 = vector.shape_cast %get3A_1082 : vector<1x16xf32> to vector<16xf32>
    %get3A_1084 = arith.constant 6 : i32
    %get3A_1085 = arith.index_cast %get3A_1084 : i32 to index
    %get3A_1086 = arith.constant 48 : index
    %get3A_1087 = tpu.vector_load %arg15[%get3A_1085, %get3A_1086] {strides = array<i32>} : memref<16x128xf32, #tpu.memory_space<vmem>>, vector<1x16xf32>,
    %get3A_1088 = vector.shape_cast %get3A_1087 : vector<1x16xf32> to vector<16xf32>
    %add3A_1089 = arith.addf %get3A_1083, %get3A_1088 : vector<16xf32>
    %mul3A_1090 = arith.mulf %add3A_1089, %add3A_1024 : vector<16xf32>
    %swap3A_1091 = arith.constant 6 : i32
    %swap3A_1092 = arith.index_cast %swap3A_1091 : i32 to index
    %swap3A_1093 = arith.constant 48 : index
    %swap3A_1094 = tpu.vector_load %arg14[%swap3A_1092, %swap3A_1093] {strides = array<i32>} : memref<16x128xf32, #tpu.memory_space<vmem>>, vector<1x16xf32>,
    %swap3A_1095 = vector.shape_cast %swap3A_1094 : vector<1x16xf32> to vector<16xf32>
    %swap3A_1096 = vector.shape_cast %mul3A_1090 : vector<16xf32> to vector<1x16xf32>
    tpu.vector_store %arg14[%swap3A_1092, %swap3A_1093], %swap3A_1096 {strides = array<i32>} : memref<16x128xf32, #tpu.memory_space<vmem>>, vector<1x16xf32>,
    %get3A_1097 = arith.constant 6 : i32
    %get3A_1098 = arith.index_cast %get3A_1097 : i32 to index
    %get3A_1099 = arith.constant 64 : index
    %get3A_1100 = tpu.vector_load %arg14[%get3A_1098, %get3A_1099] {strides = array<i32>} : memref<16x128xf32, #tpu.memory_space<vmem>>, vector<1x16xf32>,
    %get3A_1101 = vector.shape_cast %get3A_1100 : vector<1x16xf32> to vector<16xf32>
    %get3A_1102 = arith.constant 6 : i32
    %get3A_1103 = arith.index_cast %get3A_1102 : i32 to index
    %get3A_1104 = arith.constant 64 : index
    %get3A_1105 = tpu.vector_load %arg15[%get3A_1103, %get3A_1104] {strides = array<i32>} : memref<16x128xf32, #tpu.memory_space<vmem>>, vector<1x16xf32>,
    %get3A_1106 = vector.shape_cast %get3A_1105 : vector<1x16xf32> to vector<16xf32>
    %add3A_1107 = arith.addf %get3A_1101, %get3A_1106 : vector<16xf32>
    %mul3A_1108 = arith.mulf %add3A_1107, %add3A_1024 : vector<16xf32>
    %swap3A_1109 = arith.constant 6 : i32
    %swap3A_1110 = arith.index_cast %swap3A_1109 : i32 to index
    %swap3A_1111 = arith.constant 64 : index
    %swap3A_1112 = tpu.vector_load %arg14[%swap3A_1110, %swap3A_1111] {strides = array<i32>} : memref<16x128xf32, #tpu.memory_space<vmem>>, vector<1x16xf32>,
    %swap3A_1113 = vector.shape_cast %swap3A_1112 : vector<1x16xf32> to vector<16xf32>
    %swap3A_1114 = vector.shape_cast %mul3A_1108 : vector<16xf32> to vector<1x16xf32>
    tpu.vector_store %arg14[%swap3A_1110, %swap3A_1111], %swap3A_1114 {strides = array<i32>} : memref<16x128xf32, #tpu.memory_space<vmem>>, vector<1x16xf32>,
    %get3A_1115 = arith.constant 6 : i32
    %get3A_1116 = arith.index_cast %get3A_1115 : i32 to index
    %get3A_1117 = arith.constant 80 : index
    %get3A_1118 = tpu.vector_load %arg14[%get3A_1116, %get3A_1117] {strides = array<i32>} : memref<16x128xf32, #tpu.memory_space<vmem>>, vector<1x16xf32>,
    %get3A_1119 = vector.shape_cast %get3A_1118 : vector<1x16xf32> to vector<16xf32>
    %get3A_1120 = arith.constant 6 : i32
    %get3A_1121 = arith.index_cast %get3A_1120 : i32 to index
    %get3A_1122 = arith.constant 80 : index
    %get3A_1123 = tpu.vector_load %arg15[%get3A_1121, %get3A_1122] {strides = array<i32>} : memref<16x128xf32, #tpu.memory_space<vmem>>, vector<1x16xf32>,
    %get3A_1124 = vector.shape_cast %get3A_1123 : vector<1x16xf32> to vector<16xf32>
    %add3A_1125 = arith.addf %get3A_1119, %get3A_1124 : vector<16xf32>
    %mul3A_1126 = arith.mulf %add3A_1125, %add3A_1024 : vector<16xf32>
    %swap3A_1127 = arith.constant 6 : i32
    %swap3A_1128 = arith.index_cast %swap3A_1127 : i32 to index
    %swap3A_1129 = arith.constant 80 : index
    %swap3A_1130 = tpu.vector_load %arg14[%swap3A_1128, %swap3A_1129] {strides = array<i32>} : memref<16x128xf32, #tpu.memory_space<vmem>>, vector<1x16xf32>,
    %swap3A_1131 = vector.shape_cast %swap3A_1130 : vector<1x16xf32> to vector<16xf32>
    %swap3A_1132 = vector.shape_cast %mul3A_1126 : vector<16xf32> to vector<1x16xf32>
    tpu.vector_store %arg14[%swap3A_1128, %swap3A_1129], %swap3A_1132 {strides = array<i32>} : memref<16x128xf32, #tpu.memory_space<vmem>>, vector<1x16xf32>,
    %get3A_1133 = arith.constant 6 : i32
    %get3A_1134 = arith.index_cast %get3A_1133 : i32 to index
    %get3A_1135 = arith.constant 96 : index
    %get3A_1136 = tpu.vector_load %arg14[%get3A_1134, %get3A_1135] {strides = array<i32>} : memref<16x128xf32, #tpu.memory_space<vmem>>, vector<1x16xf32>,
    %get3A_1137 = vector.shape_cast %get3A_1136 : vector<1x16xf32> to vector<16xf32>
    %get3A_1138 = arith.constant 6 : i32
    %get3A_1139 = arith.index_cast %get3A_1138 : i32 to index
    %get3A_1140 = arith.constant 96 : index
    %get3A_1141 = tpu.vector_load %arg15[%get3A_1139, %get3A_1140] {strides = array<i32>} : memref<16x128xf32, #tpu.memory_space<vmem>>, vector<1x16xf32>,
    %get3A_1142 = vector.shape_cast %get3A_1141 : vector<1x16xf32> to vector<16xf32>
    %add3A_1143 = arith.addf %get3A_1137, %get3A_1142 : vector<16xf32>
    %mul3A_1144 = arith.mulf %add3A_1143, %add3A_1024 : vector<16xf32>
    %swap3A_1145 = arith.constant 6 : i32
    %swap3A_1146 = arith.index_cast %swap3A_1145 : i32 to index
    %swap3A_1147 = arith.constant 96 : index
    %swap3A_1148 = tpu.vector_load %arg14[%swap3A_1146, %swap3A_1147] {strides = array<i32>} : memref<16x128xf32, #tpu.memory_space<vmem>>, vector<1x16xf32>,
    %swap3A_1149 = vector.shape_cast %swap3A_1148 : vector<1x16xf32> to vector<16xf32>
    %swap3A_1150 = vector.shape_cast %mul3A_1144 : vector<16xf32> to vector<1x16xf32>
    tpu.vector_store %arg14[%swap3A_1146, %swap3A_1147], %swap3A_1150 {strides = array<i32>} : memref<16x128xf32, #tpu.memory_space<vmem>>, vector<1x16xf32>,
    %get3A_1151 = arith.constant 6 : i32
    %get3A_1152 = arith.index_cast %get3A_1151 : i32 to index
    %get3A_1153 = arith.constant 112 : index
    %get3A_1154 = tpu.vector_load %arg14[%get3A_1152, %get3A_1153] {strides = array<i32>} : memref<16x128xf32, #tpu.memory_space<vmem>>, vector<1x16xf32>,
    %get3A_1155 = vector.shape_cast %get3A_1154 : vector<1x16xf32> to vector<16xf32>
    %get3A_1156 = arith.constant 6 : i32
    %get3A_1157 = arith.index_cast %get3A_1156 : i32 to index
    %get3A_1158 = arith.constant 112 : index
    %get3A_1159 = tpu.vector_load %arg15[%get3A_1157, %get3A_1158] {strides = array<i32>} : memref<16x128xf32, #tpu.memory_space<vmem>>, vector<1x16xf32>,
    %get3A_1160 = vector.shape_cast %get3A_1159 : vector<1x16xf32> to vector<16xf32>
    %add3A_1161 = arith.addf %get3A_1155, %get3A_1160 : vector<16xf32>
    %mul3A_1162 = arith.mulf %add3A_1161, %add3A_1024 : vector<16xf32>
    %swap3A_1163 = arith.constant 6 : i32
    %swap3A_1164 = arith.index_cast %swap3A_1163 : i32 to index
    %swap3A_1165 = arith.constant 112 : index
    %swap3A_1166 = tpu.vector_load %arg14[%swap3A_1164, %swap3A_1165] {strides = array<i32>} : memref<16x128xf32, #tpu.memory_space<vmem>>, vector<1x16xf32>,
    %swap3A_1167 = vector.shape_cast %swap3A_1166 : vector<1x16xf32> to vector<16xf32>
    %swap3A_1168 = vector.shape_cast %mul3A_1162 : vector<16xf32> to vector<1x16xf32>
    tpu.vector_store %arg14[%swap3A_1164, %swap3A_1165], %swap3A_1168 {strides = array<i32>} : memref<16x128xf32, #tpu.memory_space<vmem>>, vector<1x16xf32>,
    %broadcast_in_dim3A_1169 = arith.constant 0.000000e+00 : f32
    %broadcast_in_dim3A_1170 = vector.broadcast %broadcast_in_dim3A_1169 : f32 to vector<16xf32>
    %slice3A_1171 = vector.extract_strided_slice %div3A_111 {offsets = [7], sizes = [1], strides = [1]} : vector<16xf32> to vector<1xf32>
    %squeeze3A_1172 = vector.extract %slice3A_1171[0] : f32 from vector<1xf32>
    %add3A_1173 = vector.broadcast %squeeze3A_1172 : f32 to vector<16xf32>
    %add3A_1174 = arith.addf %broadcast_in_dim3A_1170, %add3A_1173 : vector<16xf32>
    %get3A_1175 = arith.constant 7 : i32
    %get3A_1176 = arith.index_cast %get3A_1175 : i32 to index
    %get3A_1177 = arith.constant 0 : index
    %get3A_1178 = tpu.vector_load %arg14[%get3A_1176, %get3A_1177] {strides = array<i32>} : memref<16x128xf32, #tpu.memory_space<vmem>>, vector<1x16xf32>,
    %get3A_1179 = vector.shape_cast %get3A_1178 : vector<1x16xf32> to vector<16xf32>
    %get3A_1180 = arith.constant 7 : i32
    %get3A_1181 = arith.index_cast %get3A_1180 : i32 to index
    %get3A_1182 = arith.constant 0 : index
    %get3A_1183 = tpu.vector_load %arg15[%get3A_1181, %get3A_1182] {strides = array<i32>} : memref<16x128xf32, #tpu.memory_space<vmem>>, vector<1x16xf32>,
    %get3A_1184 = vector.shape_cast %get3A_1183 : vector<1x16xf32> to vector<16xf32>
    %add3A_1185 = arith.addf %get3A_1179, %get3A_1184 : vector<16xf32>
    %mul3A_1186 = arith.mulf %add3A_1185, %add3A_1174 : vector<16xf32>
    %swap3A_1187 = arith.constant 7 : i32
    %swap3A_1188 = arith.index_cast %swap3A_1187 : i32 to index
    %swap3A_1189 = arith.constant 0 : index
    %swap3A_1190 = tpu.vector_load %arg14[%swap3A_1188, %swap3A_1189] {strides = array<i32>} : memref<16x128xf32, #tpu.memory_space<vmem>>, vector<1x16xf32>,
    %swap3A_1191 = vector.shape_cast %swap3A_1190 : vector<1x16xf32> to vector<16xf32>
    %swap3A_1192 = vector.shape_cast %mul3A_1186 : vector<16xf32> to vector<1x16xf32>
    tpu.vector_store %arg14[%swap3A_1188, %swap3A_1189], %swap3A_1192 {strides = array<i32>} : memref<16x128xf32, #tpu.memory_space<vmem>>, vector<1x16xf32>,
    %get3A_1193 = arith.constant 7 : i32
    %get3A_1194 = arith.index_cast %get3A_1193 : i32 to index
    %get3A_1195 = arith.constant 16 : index
    %get3A_1196 = tpu.vector_load %arg14[%get3A_1194, %get3A_1195] {strides = array<i32>} : memref<16x128xf32, #tpu.memory_space<vmem>>, vector<1x16xf32>,
    %get3A_1197 = vector.shape_cast %get3A_1196 : vector<1x16xf32> to vector<16xf32>
    %get3A_1198 = arith.constant 7 : i32
    %get3A_1199 = arith.index_cast %get3A_1198 : i32 to index
    %get3A_1200 = arith.constant 16 : index
    %get3A_1201 = tpu.vector_load %arg15[%get3A_1199, %get3A_1200] {strides = array<i32>} : memref<16x128xf32, #tpu.memory_space<vmem>>, vector<1x16xf32>,
    %get3A_1202 = vector.shape_cast %get3A_1201 : vector<1x16xf32> to vector<16xf32>
    %add3A_1203 = arith.addf %get3A_1197, %get3A_1202 : vector<16xf32>
    %mul3A_1204 = arith.mulf %add3A_1203, %add3A_1174 : vector<16xf32>
    %swap3A_1205 = arith.constant 7 : i32
    %swap3A_1206 = arith.index_cast %swap3A_1205 : i32 to index
    %swap3A_1207 = arith.constant 16 : index
    %swap3A_1208 = tpu.vector_load %arg14[%swap3A_1206, %swap3A_1207] {strides = array<i32>} : memref<16x128xf32, #tpu.memory_space<vmem>>, vector<1x16xf32>,
    %swap3A_1209 = vector.shape_cast %swap3A_1208 : vector<1x16xf32> to vector<16xf32>
    %swap3A_1210 = vector.shape_cast %mul3A_1204 : vector<16xf32> to vector<1x16xf32>
    tpu.vector_store %arg14[%swap3A_1206, %swap3A_1207], %swap3A_1210 {strides = array<i32>} : memref<16x128xf32, #tpu.memory_space<vmem>>, vector<1x16xf32>,
    %get3A_1211 = arith.constant 7 : i32
    %get3A_1212 = arith.index_cast %get3A_1211 : i32 to index
    %get3A_1213 = arith.constant 32 : index
    %get3A_1214 = tpu.vector_load %arg14[%get3A_1212, %get3A_1213] {strides = array<i32>} : memref<16x128xf32, #tpu.memory_space<vmem>>, vector<1x16xf32>,
    %get3A_1215 = vector.shape_cast %get3A_1214 : vector<1x16xf32> to vector<16xf32>
    %get3A_1216 = arith.constant 7 : i32
    %get3A_1217 = arith.index_cast %get3A_1216 : i32 to index
    %get3A_1218 = arith.constant 32 : index
    %get3A_1219 = tpu.vector_load %arg15[%get3A_1217, %get3A_1218] {strides = array<i32>} : memref<16x128xf32, #tpu.memory_space<vmem>>, vector<1x16xf32>,
    %get3A_1220 = vector.shape_cast %get3A_1219 : vector<1x16xf32> to vector<16xf32>
    %add3A_1221 = arith.addf %get3A_1215, %get3A_1220 : vector<16xf32>
    %mul3A_1222 = arith.mulf %add3A_1221, %add3A_1174 : vector<16xf32>
    %swap3A_1223 = arith.constant 7 : i32
    %swap3A_1224 = arith.index_cast %swap3A_1223 : i32 to index
    %swap3A_1225 = arith.constant 32 : index
    %swap3A_1226 = tpu.vector_load %arg14[%swap3A_1224, %swap3A_1225] {strides = array<i32>} : memref<16x128xf32, #tpu.memory_space<vmem>>, vector<1x16xf32>,
    %swap3A_1227 = vector.shape_cast %swap3A_1226 : vector<1x16xf32> to vector<16xf32>
    %swap3A_1228 = vector.shape_cast %mul3A_1222 : vector<16xf32> to vector<1x16xf32>
    tpu.vector_store %arg14[%swap3A_1224, %swap3A_1225], %swap3A_1228 {strides = array<i32>} : memref<16x128xf32, #tpu.memory_space<vmem>>, vector<1x16xf32>,
    %get3A_1229 = arith.constant 7 : i32
    %get3A_1230 = arith.index_cast %get3A_1229 : i32 to index
    %get3A_1231 = arith.constant 48 : index
    %get3A_1232 = tpu.vector_load %arg14[%get3A_1230, %get3A_1231] {strides = array<i32>} : memref<16x128xf32, #tpu.memory_space<vmem>>, vector<1x16xf32>,
    %get3A_1233 = vector.shape_cast %get3A_1232 : vector<1x16xf32> to vector<16xf32>
    %get3A_1234 = arith.constant 7 : i32
    %get3A_1235 = arith.index_cast %get3A_1234 : i32 to index
    %get3A_1236 = arith.constant 48 : index
    %get3A_1237 = tpu.vector_load %arg15[%get3A_1235, %get3A_1236] {strides = array<i32>} : memref<16x128xf32, #tpu.memory_space<vmem>>, vector<1x16xf32>,
    %get3A_1238 = vector.shape_cast %get3A_1237 : vector<1x16xf32> to vector<16xf32>
    %add3A_1239 = arith.addf %get3A_1233, %get3A_1238 : vector<16xf32>
    %mul3A_1240 = arith.mulf %add3A_1239, %add3A_1174 : vector<16xf32>
    %swap3A_1241 = arith.constant 7 : i32
    %swap3A_1242 = arith.index_cast %swap3A_1241 : i32 to index
    %swap3A_1243 = arith.constant 48 : index
    %swap3A_1244 = tpu.vector_load %arg14[%swap3A_1242, %swap3A_1243] {strides = array<i32>} : memref<16x128xf32, #tpu.memory_space<vmem>>, vector<1x16xf32>,
    %swap3A_1245 = vector.shape_cast %swap3A_1244 : vector<1x16xf32> to vector<16xf32>
    %swap3A_1246 = vector.shape_cast %mul3A_1240 : vector<16xf32> to vector<1x16xf32>
    tpu.vector_store %arg14[%swap3A_1242, %swap3A_1243], %swap3A_1246 {strides = array<i32>} : memref<16x128xf32, #tpu.memory_space<vmem>>, vector<1x16xf32>,
    %get3A_1247 = arith.constant 7 : i32
    %get3A_1248 = arith.index_cast %get3A_1247 : i32 to index
    %get3A_1249 = arith.constant 64 : index
    %get3A_1250 = tpu.vector_load %arg14[%get3A_1248, %get3A_1249] {strides = array<i32>} : memref<16x128xf32, #tpu.memory_space<vmem>>, vector<1x16xf32>,
    %get3A_1251 = vector.shape_cast %get3A_1250 : vector<1x16xf32> to vector<16xf32>
    %get3A_1252 = arith.constant 7 : i32
    %get3A_1253 = arith.index_cast %get3A_1252 : i32 to index
    %get3A_1254 = arith.constant 64 : index
    %get3A_1255 = tpu.vector_load %arg15[%get3A_1253, %get3A_1254] {strides = array<i32>} : memref<16x128xf32, #tpu.memory_space<vmem>>, vector<1x16xf32>,
    %get3A_1256 = vector.shape_cast %get3A_1255 : vector<1x16xf32> to vector<16xf32>
    %add3A_1257 = arith.addf %get3A_1251, %get3A_1256 : vector<16xf32>
    %mul3A_1258 = arith.mulf %add3A_1257, %add3A_1174 : vector<16xf32>
    %swap3A_1259 = arith.constant 7 : i32
    %swap3A_1260 = arith.index_cast %swap3A_1259 : i32 to index
    %swap3A_1261 = arith.constant 64 : index
    %swap3A_1262 = tpu.vector_load %arg14[%swap3A_1260, %swap3A_1261] {strides = array<i32>} : memref<16x128xf32, #tpu.memory_space<vmem>>, vector<1x16xf32>,
    %swap3A_1263 = vector.shape_cast %swap3A_1262 : vector<1x16xf32> to vector<16xf32>
    %swap3A_1264 = vector.shape_cast %mul3A_1258 : vector<16xf32> to vector<1x16xf32>
    tpu.vector_store %arg14[%swap3A_1260, %swap3A_1261], %swap3A_1264 {strides = array<i32>} : memref<16x128xf32, #tpu.memory_space<vmem>>, vector<1x16xf32>,
    %get3A_1265 = arith.constant 7 : i32
    %get3A_1266 = arith.index_cast %get3A_1265 : i32 to index
    %get3A_1267 = arith.constant 80 : index
    %get3A_1268 = tpu.vector_load %arg14[%get3A_1266, %get3A_1267] {strides = array<i32>} : memref<16x128xf32, #tpu.memory_space<vmem>>, vector<1x16xf32>,
    %get3A_1269 = vector.shape_cast %get3A_1268 : vector<1x16xf32> to vector<16xf32>
    %get3A_1270 = arith.constant 7 : i32
    %get3A_1271 = arith.index_cast %get3A_1270 : i32 to index
    %get3A_1272 = arith.constant 80 : index
    %get3A_1273 = tpu.vector_load %arg15[%get3A_1271, %get3A_1272] {strides = array<i32>} : memref<16x128xf32, #tpu.memory_space<vmem>>, vector<1x16xf32>,
    %get3A_1274 = vector.shape_cast %get3A_1273 : vector<1x16xf32> to vector<16xf32>
    %add3A_1275 = arith.addf %get3A_1269, %get3A_1274 : vector<16xf32>
    %mul3A_1276 = arith.mulf %add3A_1275, %add3A_1174 : vector<16xf32>
    %swap3A_1277 = arith.constant 7 : i32
    %swap3A_1278 = arith.index_cast %swap3A_1277 : i32 to index
    %swap3A_1279 = arith.constant 80 : index
    %swap3A_1280 = tpu.vector_load %arg14[%swap3A_1278, %swap3A_1279] {strides = array<i32>} : memref<16x128xf32, #tpu.memory_space<vmem>>, vector<1x16xf32>,
    %swap3A_1281 = vector.shape_cast %swap3A_1280 : vector<1x16xf32> to vector<16xf32>
    %swap3A_1282 = vector.shape_cast %mul3A_1276 : vector<16xf32> to vector<1x16xf32>
    tpu.vector_store %arg14[%swap3A_1278, %swap3A_1279], %swap3A_1282 {strides = array<i32>} : memref<16x128xf32, #tpu.memory_space<vmem>>, vector<1x16xf32>,
    %get3A_1283 = arith.constant 7 : i32
    %get3A_1284 = arith.index_cast %get3A_1283 : i32 to index
    %get3A_1285 = arith.constant 96 : index
    %get3A_1286 = tpu.vector_load %arg14[%get3A_1284, %get3A_1285] {strides = array<i32>} : memref<16x128xf32, #tpu.memory_space<vmem>>, vector<1x16xf32>,
    %get3A_1287 = vector.shape_cast %get3A_1286 : vector<1x16xf32> to vector<16xf32>
    %get3A_1288 = arith.constant 7 : i32
    %get3A_1289 = arith.index_cast %get3A_1288 : i32 to index
    %get3A_1290 = arith.constant 96 : index
    %get3A_1291 = tpu.vector_load %arg15[%get3A_1289, %get3A_1290] {strides = array<i32>} : memref<16x128xf32, #tpu.memory_space<vmem>>, vector<1x16xf32>,
    %get3A_1292 = vector.shape_cast %get3A_1291 : vector<1x16xf32> to vector<16xf32>
    %add3A_1293 = arith.addf %get3A_1287, %get3A_1292 : vector<16xf32>
    %mul3A_1294 = arith.mulf %add3A_1293, %add3A_1174 : vector<16xf32>
    %swap3A_1295 = arith.constant 7 : i32
    %swap3A_1296 = arith.index_cast %swap3A_1295 : i32 to index
    %swap3A_1297 = arith.constant 96 : index
    %swap3A_1298 = tpu.vector_load %arg14[%swap3A_1296, %swap3A_1297] {strides = array<i32>} : memref<16x128xf32, #tpu.memory_space<vmem>>, vector<1x16xf32>,
    %swap3A_1299 = vector.shape_cast %swap3A_1298 : vector<1x16xf32> to vector<16xf32>
    %swap3A_1300 = vector.shape_cast %mul3A_1294 : vector<16xf32> to vector<1x16xf32>
    tpu.vector_store %arg14[%swap3A_1296, %swap3A_1297], %swap3A_1300 {strides = array<i32>} : memref<16x128xf32, #tpu.memory_space<vmem>>, vector<1x16xf32>,
    %get3A_1301 = arith.constant 7 : i32
    %get3A_1302 = arith.index_cast %get3A_1301 : i32 to index
    %get3A_1303 = arith.constant 112 : index
    %get3A_1304 = tpu.vector_load %arg14[%get3A_1302, %get3A_1303] {strides = array<i32>} : memref<16x128xf32, #tpu.memory_space<vmem>>, vector<1x16xf32>,
    %get3A_1305 = vector.shape_cast %get3A_1304 : vector<1x16xf32> to vector<16xf32>
    %get3A_1306 = arith.constant 7 : i32
    %get3A_1307 = arith.index_cast %get3A_1306 : i32 to index
    %get3A_1308 = arith.constant 112 : index
    %get3A_1309 = tpu.vector_load %arg15[%get3A_1307, %get3A_1308] {strides = array<i32>} : memref<16x128xf32, #tpu.memory_space<vmem>>, vector<1x16xf32>,
    %get3A_1310 = vector.shape_cast %get3A_1309 : vector<1x16xf32> to vector<16xf32>
    %add3A_1311 = arith.addf %get3A_1305, %get3A_1310 : vector<16xf32>
    %mul3A_1312 = arith.mulf %add3A_1311, %add3A_1174 : vector<16xf32>
    %swap3A_1313 = arith.constant 7 : i32
    %swap3A_1314 = arith.index_cast %swap3A_1313 : i32 to index
    %swap3A_1315 = arith.constant 112 : index
    %swap3A_1316 = tpu.vector_load %arg14[%swap3A_1314, %swap3A_1315] {strides = array<i32>} : memref<16x128xf32, #tpu.memory_space<vmem>>, vector<1x16xf32>,
    %swap3A_1317 = vector.shape_cast %swap3A_1316 : vector<1x16xf32> to vector<16xf32>
    %swap3A_1318 = vector.shape_cast %mul3A_1312 : vector<16xf32> to vector<1x16xf32>
    tpu.vector_store %arg14[%swap3A_1314, %swap3A_1315], %swap3A_1318 {strides = array<i32>} : memref<16x128xf32, #tpu.memory_space<vmem>>, vector<1x16xf32>,
    %broadcast_in_dim3A_1319 = arith.constant 0.000000e+00 : f32
    %broadcast_in_dim3A_1320 = vector.broadcast %broadcast_in_dim3A_1319 : f32 to vector<16xf32>
    %slice3A_1321 = vector.extract_strided_slice %div3A_111 {offsets = [8], sizes = [1], strides = [1]} : vector<16xf32> to vector<1xf32>
    %squeeze3A_1322 = vector.extract %slice3A_1321[0] : f32 from vector<1xf32>
    %add3A_1323 = vector.broadcast %squeeze3A_1322 : f32 to vector<16xf32>
    %add3A_1324 = arith.addf %broadcast_in_dim3A_1320, %add3A_1323 : vector<16xf32>
    %get3A_1325 = arith.constant 8 : i32
    %get3A_1326 = arith.index_cast %get3A_1325 : i32 to index
    %get3A_1327 = arith.constant 0 : index
    %get3A_1328 = tpu.vector_load %arg14[%get3A_1326, %get3A_1327] {strides = array<i32>} : memref<16x128xf32, #tpu.memory_space<vmem>>, vector<1x16xf32>,
    %get3A_1329 = vector.shape_cast %get3A_1328 : vector<1x16xf32> to vector<16xf32>
    %get3A_1330 = arith.constant 8 : i32
    %get3A_1331 = arith.index_cast %get3A_1330 : i32 to index
    %get3A_1332 = arith.constant 0 : index
    %get3A_1333 = tpu.vector_load %arg15[%get3A_1331, %get3A_1332] {strides = array<i32>} : memref<16x128xf32, #tpu.memory_space<vmem>>, vector<1x16xf32>,
    %get3A_1334 = vector.shape_cast %get3A_1333 : vector<1x16xf32> to vector<16xf32>
    %add3A_1335 = arith.addf %get3A_1329, %get3A_1334 : vector<16xf32>
    %mul3A_1336 = arith.mulf %add3A_1335, %add3A_1324 : vector<16xf32>
    %swap3A_1337 = arith.constant 8 : i32
    %swap3A_1338 = arith.index_cast %swap3A_1337 : i32 to index
    %swap3A_1339 = arith.constant 0 : index
    %swap3A_1340 = tpu.vector_load %arg14[%swap3A_1338, %swap3A_1339] {strides = array<i32>} : memref<16x128xf32, #tpu.memory_space<vmem>>, vector<1x16xf32>,
    %swap3A_1341 = vector.shape_cast %swap3A_1340 : vector<1x16xf32> to vector<16xf32>
    %swap3A_1342 = vector.shape_cast %mul3A_1336 : vector<16xf32> to vector<1x16xf32>
    tpu.vector_store %arg14[%swap3A_1338, %swap3A_1339], %swap3A_1342 {strides = array<i32>} : memref<16x128xf32, #tpu.memory_space<vmem>>, vector<1x16xf32>,
    %get3A_1343 = arith.constant 8 : i32
    %get3A_1344 = arith.index_cast %get3A_1343 : i32 to index
    %get3A_1345 = arith.constant 16 : index
    %get3A_1346 = tpu.vector_load %arg14[%get3A_1344, %get3A_1345] {strides = array<i32>} : memref<16x128xf32, #tpu.memory_space<vmem>>, vector<1x16xf32>,
    %get3A_1347 = vector.shape_cast %get3A_1346 : vector<1x16xf32> to vector<16xf32>
    %get3A_1348 = arith.constant 8 : i32
    %get3A_1349 = arith.index_cast %get3A_1348 : i32 to index
    %get3A_1350 = arith.constant 16 : index
    %get3A_1351 = tpu.vector_load %arg15[%get3A_1349, %get3A_1350] {strides = array<i32>} : memref<16x128xf32, #tpu.memory_space<vmem>>, vector<1x16xf32>,
    %get3A_1352 = vector.shape_cast %get3A_1351 : vector<1x16xf32> to vector<16xf32>
    %add3A_1353 = arith.addf %get3A_1347, %get3A_1352 : vector<16xf32>
    %mul3A_1354 = arith.mulf %add3A_1353, %add3A_1324 : vector<16xf32>
    %swap3A_1355 = arith.constant 8 : i32
    %swap3A_1356 = arith.index_cast %swap3A_1355 : i32 to index
    %swap3A_1357 = arith.constant 16 : index
    %swap3A_1358 = tpu.vector_load %arg14[%swap3A_1356, %swap3A_1357] {strides = array<i32>} : memref<16x128xf32, #tpu.memory_space<vmem>>, vector<1x16xf32>,
    %swap3A_1359 = vector.shape_cast %swap3A_1358 : vector<1x16xf32> to vector<16xf32>
    %swap3A_1360 = vector.shape_cast %mul3A_1354 : vector<16xf32> to vector<1x16xf32>
    tpu.vector_store %arg14[%swap3A_1356, %swap3A_1357], %swap3A_1360 {strides = array<i32>} : memref<16x128xf32, #tpu.memory_space<vmem>>, vector<1x16xf32>,
    %get3A_1361 = arith.constant 8 : i32
    %get3A_1362 = arith.index_cast %get3A_1361 : i32 to index
    %get3A_1363 = arith.constant 32 : index
    %get3A_1364 = tpu.vector_load %arg14[%get3A_1362, %get3A_1363] {strides = array<i32>} : memref<16x128xf32, #tpu.memory_space<vmem>>, vector<1x16xf32>,
    %get3A_1365 = vector.shape_cast %get3A_1364 : vector<1x16xf32> to vector<16xf32>
    %get3A_1366 = arith.constant 8 : i32
    %get3A_1367 = arith.index_cast %get3A_1366 : i32 to index
    %get3A_1368 = arith.constant 32 : index
    %get3A_1369 = tpu.vector_load %arg15[%get3A_1367, %get3A_1368] {strides = array<i32>} : memref<16x128xf32, #tpu.memory_space<vmem>>, vector<1x16xf32>,
    %get3A_1370 = vector.shape_cast %get3A_1369 : vector<1x16xf32> to vector<16xf32>
    %add3A_1371 = arith.addf %get3A_1365, %get3A_1370 : vector<16xf32>
    %mul3A_1372 = arith.mulf %add3A_1371, %add3A_1324 : vector<16xf32>
    %swap3A_1373 = arith.constant 8 : i32
    %swap3A_1374 = arith.index_cast %swap3A_1373 : i32 to index
    %swap3A_1375 = arith.constant 32 : index
    %swap3A_1376 = tpu.vector_load %arg14[%swap3A_1374, %swap3A_1375] {strides = array<i32>} : memref<16x128xf32, #tpu.memory_space<vmem>>, vector<1x16xf32>,
    %swap3A_1377 = vector.shape_cast %swap3A_1376 : vector<1x16xf32> to vector<16xf32>
    %swap3A_1378 = vector.shape_cast %mul3A_1372 : vector<16xf32> to vector<1x16xf32>
    tpu.vector_store %arg14[%swap3A_1374, %swap3A_1375], %swap3A_1378 {strides = array<i32>} : memref<16x128xf32, #tpu.memory_space<vmem>>, vector<1x16xf32>,
    %get3A_1379 = arith.constant 8 : i32
    %get3A_1380 = arith.index_cast %get3A_1379 : i32 to index
    %get3A_1381 = arith.constant 48 : index
    %get3A_1382 = tpu.vector_load %arg14[%get3A_1380, %get3A_1381] {strides = array<i32>} : memref<16x128xf32, #tpu.memory_space<vmem>>, vector<1x16xf32>,
    %get3A_1383 = vector.shape_cast %get3A_1382 : vector<1x16xf32> to vector<16xf32>
    %get3A_1384 = arith.constant 8 : i32
    %get3A_1385 = arith.index_cast %get3A_1384 : i32 to index
    %get3A_1386 = arith.constant 48 : index
    %get3A_1387 = tpu.vector_load %arg15[%get3A_1385, %get3A_1386] {strides = array<i32>} : memref<16x128xf32, #tpu.memory_space<vmem>>, vector<1x16xf32>,
    %get3A_1388 = vector.shape_cast %get3A_1387 : vector<1x16xf32> to vector<16xf32>
    %add3A_1389 = arith.addf %get3A_1383, %get3A_1388 : vector<16xf32>
    %mul3A_1390 = arith.mulf %add3A_1389, %add3A_1324 : vector<16xf32>
    %swap3A_1391 = arith.constant 8 : i32
    %swap3A_1392 = arith.index_cast %swap3A_1391 : i32 to index
    %swap3A_1393 = arith.constant 48 : index
    %swap3A_1394 = tpu.vector_load %arg14[%swap3A_1392, %swap3A_1393] {strides = array<i32>} : memref<16x128xf32, #tpu.memory_space<vmem>>, vector<1x16xf32>,
    %swap3A_1395 = vector.shape_cast %swap3A_1394 : vector<1x16xf32> to vector<16xf32>
    %swap3A_1396 = vector.shape_cast %mul3A_1390 : vector<16xf32> to vector<1x16xf32>
    tpu.vector_store %arg14[%swap3A_1392, %swap3A_1393], %swap3A_1396 {strides = array<i32>} : memref<16x128xf32, #tpu.memory_space<vmem>>, vector<1x16xf32>,
    %get3A_1397 = arith.constant 8 : i32
    %get3A_1398 = arith.index_cast %get3A_1397 : i32 to index
    %get3A_1399 = arith.constant 64 : index
    %get3A_1400 = tpu.vector_load %arg14[%get3A_1398, %get3A_1399] {strides = array<i32>} : memref<16x128xf32, #tpu.memory_space<vmem>>, vector<1x16xf32>,
    %get3A_1401 = vector.shape_cast %get3A_1400 : vector<1x16xf32> to vector<16xf32>
    %get3A_1402 = arith.constant 8 : i32
    %get3A_1403 = arith.index_cast %get3A_1402 : i32 to index
    %get3A_1404 = arith.constant 64 : index
    %get3A_1405 = tpu.vector_load %arg15[%get3A_1403, %get3A_1404] {strides = array<i32>} : memref<16x128xf32, #tpu.memory_space<vmem>>, vector<1x16xf32>,
    %get3A_1406 = vector.shape_cast %get3A_1405 : vector<1x16xf32> to vector<16xf32>
    %add3A_1407 = arith.addf %get3A_1401, %get3A_1406 : vector<16xf32>
    %mul3A_1408 = arith.mulf %add3A_1407, %add3A_1324 : vector<16xf32>
    %swap3A_1409 = arith.constant 8 : i32
    %swap3A_1410 = arith.index_cast %swap3A_1409 : i32 to index
    %swap3A_1411 = arith.constant 64 : index
    %swap3A_1412 = tpu.vector_load %arg14[%swap3A_1410, %swap3A_1411] {strides = array<i32>} : memref<16x128xf32, #tpu.memory_space<vmem>>, vector<1x16xf32>,
    %swap3A_1413 = vector.shape_cast %swap3A_1412 : vector<1x16xf32> to vector<16xf32>
    %swap3A_1414 = vector.shape_cast %mul3A_1408 : vector<16xf32> to vector<1x16xf32>
    tpu.vector_store %arg14[%swap3A_1410, %swap3A_1411], %swap3A_1414 {strides = array<i32>} : memref<16x128xf32, #tpu.memory_space<vmem>>, vector<1x16xf32>,
    %get3A_1415 = arith.constant 8 : i32
    %get3A_1416 = arith.index_cast %get3A_1415 : i32 to index
    %get3A_1417 = arith.constant 80 : index
    %get3A_1418 = tpu.vector_load %arg14[%get3A_1416, %get3A_1417] {strides = array<i32>} : memref<16x128xf32, #tpu.memory_space<vmem>>, vector<1x16xf32>,
    %get3A_1419 = vector.shape_cast %get3A_1418 : vector<1x16xf32> to vector<16xf32>
    %get3A_1420 = arith.constant 8 : i32
    %get3A_1421 = arith.index_cast %get3A_1420 : i32 to index
    %get3A_1422 = arith.constant 80 : index
    %get3A_1423 = tpu.vector_load %arg15[%get3A_1421, %get3A_1422] {strides = array<i32>} : memref<16x128xf32, #tpu.memory_space<vmem>>, vector<1x16xf32>,
    %get3A_1424 = vector.shape_cast %get3A_1423 : vector<1x16xf32> to vector<16xf32>
    %add3A_1425 = arith.addf %get3A_1419, %get3A_1424 : vector<16xf32>
    %mul3A_1426 = arith.mulf %add3A_1425, %add3A_1324 : vector<16xf32>
    %swap3A_1427 = arith.constant 8 : i32
    %swap3A_1428 = arith.index_cast %swap3A_1427 : i32 to index
    %swap3A_1429 = arith.constant 80 : index
    %swap3A_1430 = tpu.vector_load %arg14[%swap3A_1428, %swap3A_1429] {strides = array<i32>} : memref<16x128xf32, #tpu.memory_space<vmem>>, vector<1x16xf32>,
    %swap3A_1431 = vector.shape_cast %swap3A_1430 : vector<1x16xf32> to vector<16xf32>
    %swap3A_1432 = vector.shape_cast %mul3A_1426 : vector<16xf32> to vector<1x16xf32>
    tpu.vector_store %arg14[%swap3A_1428, %swap3A_1429], %swap3A_1432 {strides = array<i32>} : memref<16x128xf32, #tpu.memory_space<vmem>>, vector<1x16xf32>,
    %get3A_1433 = arith.constant 8 : i32
    %get3A_1434 = arith.index_cast %get3A_1433 : i32 to index
    %get3A_1435 = arith.constant 96 : index
    %get3A_1436 = tpu.vector_load %arg14[%get3A_1434, %get3A_1435] {strides = array<i32>} : memref<16x128xf32, #tpu.memory_space<vmem>>, vector<1x16xf32>,
    %get3A_1437 = vector.shape_cast %get3A_1436 : vector<1x16xf32> to vector<16xf32>
    %get3A_1438 = arith.constant 8 : i32
    %get3A_1439 = arith.index_cast %get3A_1438 : i32 to index
    %get3A_1440 = arith.constant 96 : index
    %get3A_1441 = tpu.vector_load %arg15[%get3A_1439, %get3A_1440] {strides = array<i32>} : memref<16x128xf32, #tpu.memory_space<vmem>>, vector<1x16xf32>,
    %get3A_1442 = vector.shape_cast %get3A_1441 : vector<1x16xf32> to vector<16xf32>
    %add3A_1443 = arith.addf %get3A_1437, %get3A_1442 : vector<16xf32>
    %mul3A_1444 = arith.mulf %add3A_1443, %add3A_1324 : vector<16xf32>
    %swap3A_1445 = arith.constant 8 : i32
    %swap3A_1446 = arith.index_cast %swap3A_1445 : i32 to index
    %swap3A_1447 = arith.constant 96 : index
    %swap3A_1448 = tpu.vector_load %arg14[%swap3A_1446, %swap3A_1447] {strides = array<i32>} : memref<16x128xf32, #tpu.memory_space<vmem>>, vector<1x16xf32>,
    %swap3A_1449 = vector.shape_cast %swap3A_1448 : vector<1x16xf32> to vector<16xf32>
    %swap3A_1450 = vector.shape_cast %mul3A_1444 : vector<16xf32> to vector<1x16xf32>
    tpu.vector_store %arg14[%swap3A_1446, %swap3A_1447], %swap3A_1450 {strides = array<i32>} : memref<16x128xf32, #tpu.memory_space<vmem>>, vector<1x16xf32>,
    %get3A_1451 = arith.constant 8 : i32
    %get3A_1452 = arith.index_cast %get3A_1451 : i32 to index
    %get3A_1453 = arith.constant 112 : index
    %get3A_1454 = tpu.vector_load %arg14[%get3A_1452, %get3A_1453] {strides = array<i32>} : memref<16x128xf32, #tpu.memory_space<vmem>>, vector<1x16xf32>,
    %get3A_1455 = vector.shape_cast %get3A_1454 : vector<1x16xf32> to vector<16xf32>
    %get3A_1456 = arith.constant 8 : i32
    %get3A_1457 = arith.index_cast %get3A_1456 : i32 to index
    %get3A_1458 = arith.constant 112 : index
    %get3A_1459 = tpu.vector_load %arg15[%get3A_1457, %get3A_1458] {strides = array<i32>} : memref<16x128xf32, #tpu.memory_space<vmem>>, vector<1x16xf32>,
    %get3A_1460 = vector.shape_cast %get3A_1459 : vector<1x16xf32> to vector<16xf32>
    %add3A_1461 = arith.addf %get3A_1455, %get3A_1460 : vector<16xf32>
    %mul3A_1462 = arith.mulf %add3A_1461, %add3A_1324 : vector<16xf32>
    %swap3A_1463 = arith.constant 8 : i32
    %swap3A_1464 = arith.index_cast %swap3A_1463 : i32 to index
    %swap3A_1465 = arith.constant 112 : index
    %swap3A_1466 = tpu.vector_load %arg14[%swap3A_1464, %swap3A_1465] {strides = array<i32>} : memref<16x128xf32, #tpu.memory_space<vmem>>, vector<1x16xf32>,
    %swap3A_1467 = vector.shape_cast %swap3A_1466 : vector<1x16xf32> to vector<16xf32>
    %swap3A_1468 = vector.shape_cast %mul3A_1462 : vector<16xf32> to vector<1x16xf32>
    tpu.vector_store %arg14[%swap3A_1464, %swap3A_1465], %swap3A_1468 {strides = array<i32>} : memref<16x128xf32, #tpu.memory_space<vmem>>, vector<1x16xf32>,
    %broadcast_in_dim3A_1469 = arith.constant 0.000000e+00 : f32
    %broadcast_in_dim3A_1470 = vector.broadcast %broadcast_in_dim3A_1469 : f32 to vector<16xf32>
    %slice3A_1471 = vector.extract_strided_slice %div3A_111 {offsets = [9], sizes = [1], strides = [1]} : vector<16xf32> to vector<1xf32>
    %squeeze3A_1472 = vector.extract %slice3A_1471[0] : f32 from vector<1xf32>
    %add3A_1473 = vector.broadcast %squeeze3A_1472 : f32 to vector<16xf32>
    %add3A_1474 = arith.addf %broadcast_in_dim3A_1470, %add3A_1473 : vector<16xf32>
    %get3A_1475 = arith.constant 9 : i32
    %get3A_1476 = arith.index_cast %get3A_1475 : i32 to index
    %get3A_1477 = arith.constant 0 : index
    %get3A_1478 = tpu.vector_load %arg14[%get3A_1476, %get3A_1477] {strides = array<i32>} : memref<16x128xf32, #tpu.memory_space<vmem>>, vector<1x16xf32>,
    %get3A_1479 = vector.shape_cast %get3A_1478 : vector<1x16xf32> to vector<16xf32>
    %get3A_1480 = arith.constant 9 : i32
    %get3A_1481 = arith.index_cast %get3A_1480 : i32 to index
    %get3A_1482 = arith.constant 0 : index
    %get3A_1483 = tpu.vector_load %arg15[%get3A_1481, %get3A_1482] {strides = array<i32>} : memref<16x128xf32, #tpu.memory_space<vmem>>, vector<1x16xf32>,
    %get3A_1484 = vector.shape_cast %get3A_1483 : vector<1x16xf32> to vector<16xf32>
    %add3A_1485 = arith.addf %get3A_1479, %get3A_1484 : vector<16xf32>
    %mul3A_1486 = arith.mulf %add3A_1485, %add3A_1474 : vector<16xf32>
    %swap3A_1487 = arith.constant 9 : i32
    %swap3A_1488 = arith.index_cast %swap3A_1487 : i32 to index
    %swap3A_1489 = arith.constant 0 : index
    %swap3A_1490 = tpu.vector_load %arg14[%swap3A_1488, %swap3A_1489] {strides = array<i32>} : memref<16x128xf32, #tpu.memory_space<vmem>>, vector<1x16xf32>,
    %swap3A_1491 = vector.shape_cast %swap3A_1490 : vector<1x16xf32> to vector<16xf32>
    %swap3A_1492 = vector.shape_cast %mul3A_1486 : vector<16xf32> to vector<1x16xf32>
    tpu.vector_store %arg14[%swap3A_1488, %swap3A_1489], %swap3A_1492 {strides = array<i32>} : memref<16x128xf32, #tpu.memory_space<vmem>>, vector<1x16xf32>,
    %get3A_1493 = arith.constant 9 : i32
    %get3A_1494 = arith.index_cast %get3A_1493 : i32 to index
    %get3A_1495 = arith.constant 16 : index
    %get3A_1496 = tpu.vector_load %arg14[%get3A_1494, %get3A_1495] {strides = array<i32>} : memref<16x128xf32, #tpu.memory_space<vmem>>, vector<1x16xf32>,
    %get3A_1497 = vector.shape_cast %get3A_1496 : vector<1x16xf32> to vector<16xf32>
    %get3A_1498 = arith.constant 9 : i32
    %get3A_1499 = arith.index_cast %get3A_1498 : i32 to index
    %get3A_1500 = arith.constant 16 : index
    %get3A_1501 = tpu.vector_load %arg15[%get3A_1499, %get3A_1500] {strides = array<i32>} : memref<16x128xf32, #tpu.memory_space<vmem>>, vector<1x16xf32>,
    %get3A_1502 = vector.shape_cast %get3A_1501 : vector<1x16xf32> to vector<16xf32>
    %add3A_1503 = arith.addf %get3A_1497, %get3A_1502 : vector<16xf32>
    %mul3A_1504 = arith.mulf %add3A_1503, %add3A_1474 : vector<16xf32>
    %swap3A_1505 = arith.constant 9 : i32
    %swap3A_1506 = arith.index_cast %swap3A_1505 : i32 to index
    %swap3A_1507 = arith.constant 16 : index
    %swap3A_1508 = tpu.vector_load %arg14[%swap3A_1506, %swap3A_1507] {strides = array<i32>} : memref<16x128xf32, #tpu.memory_space<vmem>>, vector<1x16xf32>,
    %swap3A_1509 = vector.shape_cast %swap3A_1508 : vector<1x16xf32> to vector<16xf32>
    %swap3A_1510 = vector.shape_cast %mul3A_1504 : vector<16xf32> to vector<1x16xf32>
    tpu.vector_store %arg14[%swap3A_1506, %swap3A_1507], %swap3A_1510 {strides = array<i32>} : memref<16x128xf32, #tpu.memory_space<vmem>>, vector<1x16xf32>,
    %get3A_1511 = arith.constant 9 : i32
    %get3A_1512 = arith.index_cast %get3A_1511 : i32 to index
    %get3A_1513 = arith.constant 32 : index
    %get3A_1514 = tpu.vector_load %arg14[%get3A_1512, %get3A_1513] {strides = array<i32>} : memref<16x128xf32, #tpu.memory_space<vmem>>, vector<1x16xf32>,
    %get3A_1515 = vector.shape_cast %get3A_1514 : vector<1x16xf32> to vector<16xf32>
    %get3A_1516 = arith.constant 9 : i32
    %get3A_1517 = arith.index_cast %get3A_1516 : i32 to index
    %get3A_1518 = arith.constant 32 : index
    %get3A_1519 = tpu.vector_load %arg15[%get3A_1517, %get3A_1518] {strides = array<i32>} : memref<16x128xf32, #tpu.memory_space<vmem>>, vector<1x16xf32>,
    %get3A_1520 = vector.shape_cast %get3A_1519 : vector<1x16xf32> to vector<16xf32>
    %add3A_1521 = arith.addf %get3A_1515, %get3A_1520 : vector<16xf32>
    %mul3A_1522 = arith.mulf %add3A_1521, %add3A_1474 : vector<16xf32>
    %swap3A_1523 = arith.constant 9 : i32
    %swap3A_1524 = arith.index_cast %swap3A_1523 : i32 to index
    %swap3A_1525 = arith.constant 32 : index
    %swap3A_1526 = tpu.vector_load %arg14[%swap3A_1524, %swap3A_1525] {strides = array<i32>} : memref<16x128xf32, #tpu.memory_space<vmem>>, vector<1x16xf32>,
    %swap3A_1527 = vector.shape_cast %swap3A_1526 : vector<1x16xf32> to vector<16xf32>
    %swap3A_1528 = vector.shape_cast %mul3A_1522 : vector<16xf32> to vector<1x16xf32>
    tpu.vector_store %arg14[%swap3A_1524, %swap3A_1525], %swap3A_1528 {strides = array<i32>} : memref<16x128xf32, #tpu.memory_space<vmem>>, vector<1x16xf32>,
    %get3A_1529 = arith.constant 9 : i32
    %get3A_1530 = arith.index_cast %get3A_1529 : i32 to index
    %get3A_1531 = arith.constant 48 : index
    %get3A_1532 = tpu.vector_load %arg14[%get3A_1530, %get3A_1531] {strides = array<i32>} : memref<16x128xf32, #tpu.memory_space<vmem>>, vector<1x16xf32>,
    %get3A_1533 = vector.shape_cast %get3A_1532 : vector<1x16xf32> to vector<16xf32>
    %get3A_1534 = arith.constant 9 : i32
    %get3A_1535 = arith.index_cast %get3A_1534 : i32 to index
    %get3A_1536 = arith.constant 48 : index
    %get3A_1537 = tpu.vector_load %arg15[%get3A_1535, %get3A_1536] {strides = array<i32>} : memref<16x128xf32, #tpu.memory_space<vmem>>, vector<1x16xf32>,
    %get3A_1538 = vector.shape_cast %get3A_1537 : vector<1x16xf32> to vector<16xf32>
    %add3A_1539 = arith.addf %get3A_1533, %get3A_1538 : vector<16xf32>
    %mul3A_1540 = arith.mulf %add3A_1539, %add3A_1474 : vector<16xf32>
    %swap3A_1541 = arith.constant 9 : i32
    %swap3A_1542 = arith.index_cast %swap3A_1541 : i32 to index
    %swap3A_1543 = arith.constant 48 : index
    %swap3A_1544 = tpu.vector_load %arg14[%swap3A_1542, %swap3A_1543] {strides = array<i32>} : memref<16x128xf32, #tpu.memory_space<vmem>>, vector<1x16xf32>,
    %swap3A_1545 = vector.shape_cast %swap3A_1544 : vector<1x16xf32> to vector<16xf32>
    %swap3A_1546 = vector.shape_cast %mul3A_1540 : vector<16xf32> to vector<1x16xf32>
    tpu.vector_store %arg14[%swap3A_1542, %swap3A_1543], %swap3A_1546 {strides = array<i32>} : memref<16x128xf32, #tpu.memory_space<vmem>>, vector<1x16xf32>,
    %get3A_1547 = arith.constant 9 : i32
    %get3A_1548 = arith.index_cast %get3A_1547 : i32 to index
    %get3A_1549 = arith.constant 64 : index
    %get3A_1550 = tpu.vector_load %arg14[%get3A_1548, %get3A_1549] {strides = array<i32>} : memref<16x128xf32, #tpu.memory_space<vmem>>, vector<1x16xf32>,
    %get3A_1551 = vector.shape_cast %get3A_1550 : vector<1x16xf32> to vector<16xf32>
    %get3A_1552 = arith.constant 9 : i32
    %get3A_1553 = arith.index_cast %get3A_1552 : i32 to index
    %get3A_1554 = arith.constant 64 : index
    %get3A_1555 = tpu.vector_load %arg15[%get3A_1553, %get3A_1554] {strides = array<i32>} : memref<16x128xf32, #tpu.memory_space<vmem>>, vector<1x16xf32>,
    %get3A_1556 = vector.shape_cast %get3A_1555 : vector<1x16xf32> to vector<16xf32>
    %add3A_1557 = arith.addf %get3A_1551, %get3A_1556 : vector<16xf32>
    %mul3A_1558 = arith.mulf %add3A_1557, %add3A_1474 : vector<16xf32>
    %swap3A_1559 = arith.constant 9 : i32
    %swap3A_1560 = arith.index_cast %swap3A_1559 : i32 to index
    %swap3A_1561 = arith.constant 64 : index
    %swap3A_1562 = tpu.vector_load %arg14[%swap3A_1560, %swap3A_1561] {strides = array<i32>} : memref<16x128xf32, #tpu.memory_space<vmem>>, vector<1x16xf32>,
    %swap3A_1563 = vector.shape_cast %swap3A_1562 : vector<1x16xf32> to vector<16xf32>
    %swap3A_1564 = vector.shape_cast %mul3A_1558 : vector<16xf32> to vector<1x16xf32>
    tpu.vector_store %arg14[%swap3A_1560, %swap3A_1561], %swap3A_1564 {strides = array<i32>} : memref<16x128xf32, #tpu.memory_space<vmem>>, vector<1x16xf32>,
    %get3A_1565 = arith.constant 9 : i32
    %get3A_1566 = arith.index_cast %get3A_1565 : i32 to index
    %get3A_1567 = arith.constant 80 : index
    %get3A_1568 = tpu.vector_load %arg14[%get3A_1566, %get3A_1567] {strides = array<i32>} : memref<16x128xf32, #tpu.memory_space<vmem>>, vector<1x16xf32>,
    %get3A_1569 = vector.shape_cast %get3A_1568 : vector<1x16xf32> to vector<16xf32>
    %get3A_1570 = arith.constant 9 : i32
    %get3A_1571 = arith.index_cast %get3A_1570 : i32 to index
    %get3A_1572 = arith.constant 80 : index
    %get3A_1573 = tpu.vector_load %arg15[%get3A_1571, %get3A_1572] {strides = array<i32>} : memref<16x128xf32, #tpu.memory_space<vmem>>, vector<1x16xf32>,
    %get3A_1574 = vector.shape_cast %get3A_1573 : vector<1x16xf32> to vector<16xf32>
    %add3A_1575 = arith.addf %get3A_1569, %get3A_1574 : vector<16xf32>
    %mul3A_1576 = arith.mulf %add3A_1575, %add3A_1474 : vector<16xf32>
    %swap3A_1577 = arith.constant 9 : i32
    %swap3A_1578 = arith.index_cast %swap3A_1577 : i32 to index
    %swap3A_1579 = arith.constant 80 : index
    %swap3A_1580 = tpu.vector_load %arg14[%swap3A_1578, %swap3A_1579] {strides = array<i32>} : memref<16x128xf32, #tpu.memory_space<vmem>>, vector<1x16xf32>,
    %swap3A_1581 = vector.shape_cast %swap3A_1580 : vector<1x16xf32> to vector<16xf32>
    %swap3A_1582 = vector.shape_cast %mul3A_1576 : vector<16xf32> to vector<1x16xf32>
    tpu.vector_store %arg14[%swap3A_1578, %swap3A_1579], %swap3A_1582 {strides = array<i32>} : memref<16x128xf32, #tpu.memory_space<vmem>>, vector<1x16xf32>,
    %get3A_1583 = arith.constant 9 : i32
    %get3A_1584 = arith.index_cast %get3A_1583 : i32 to index
    %get3A_1585 = arith.constant 96 : index
    %get3A_1586 = tpu.vector_load %arg14[%get3A_1584, %get3A_1585] {strides = array<i32>} : memref<16x128xf32, #tpu.memory_space<vmem>>, vector<1x16xf32>,
    %get3A_1587 = vector.shape_cast %get3A_1586 : vector<1x16xf32> to vector<16xf32>
    %get3A_1588 = arith.constant 9 : i32
    %get3A_1589 = arith.index_cast %get3A_1588 : i32 to index
    %get3A_1590 = arith.constant 96 : index
    %get3A_1591 = tpu.vector_load %arg15[%get3A_1589, %get3A_1590] {strides = array<i32>} : memref<16x128xf32, #tpu.memory_space<vmem>>, vector<1x16xf32>,
    %get3A_1592 = vector.shape_cast %get3A_1591 : vector<1x16xf32> to vector<16xf32>
    %add3A_1593 = arith.addf %get3A_1587, %get3A_1592 : vector<16xf32>
    %mul3A_1594 = arith.mulf %add3A_1593, %add3A_1474 : vector<16xf32>
    %swap3A_1595 = arith.constant 9 : i32
    %swap3A_1596 = arith.index_cast %swap3A_1595 : i32 to index
    %swap3A_1597 = arith.constant 96 : index
    %swap3A_1598 = tpu.vector_load %arg14[%swap3A_1596, %swap3A_1597] {strides = array<i32>} : memref<16x128xf32, #tpu.memory_space<vmem>>, vector<1x16xf32>,
    %swap3A_1599 = vector.shape_cast %swap3A_1598 : vector<1x16xf32> to vector<16xf32>
    %swap3A_1600 = vector.shape_cast %mul3A_1594 : vector<16xf32> to vector<1x16xf32>
    tpu.vector_store %arg14[%swap3A_1596, %swap3A_1597], %swap3A_1600 {strides = array<i32>} : memref<16x128xf32, #tpu.memory_space<vmem>>, vector<1x16xf32>,
    %get3A_1601 = arith.constant 9 : i32
    %get3A_1602 = arith.index_cast %get3A_1601 : i32 to index
    %get3A_1603 = arith.constant 112 : index
    %get3A_1604 = tpu.vector_load %arg14[%get3A_1602, %get3A_1603] {strides = array<i32>} : memref<16x128xf32, #tpu.memory_space<vmem>>, vector<1x16xf32>,
    %get3A_1605 = vector.shape_cast %get3A_1604 : vector<1x16xf32> to vector<16xf32>
    %get3A_1606 = arith.constant 9 : i32
    %get3A_1607 = arith.index_cast %get3A_1606 : i32 to index
    %get3A_1608 = arith.constant 112 : index
    %get3A_1609 = tpu.vector_load %arg15[%get3A_1607, %get3A_1608] {strides = array<i32>} : memref<16x128xf32, #tpu.memory_space<vmem>>, vector<1x16xf32>,
    %get3A_1610 = vector.shape_cast %get3A_1609 : vector<1x16xf32> to vector<16xf32>
    %add3A_1611 = arith.addf %get3A_1605, %get3A_1610 : vector<16xf32>
    %mul3A_1612 = arith.mulf %add3A_1611, %add3A_1474 : vector<16xf32>
    %swap3A_1613 = arith.constant 9 : i32
    %swap3A_1614 = arith.index_cast %swap3A_1613 : i32 to index
    %swap3A_1615 = arith.constant 112 : index
    %swap3A_1616 = tpu.vector_load %arg14[%swap3A_1614, %swap3A_1615] {strides = array<i32>} : memref<16x128xf32, #tpu.memory_space<vmem>>, vector<1x16xf32>,
    %swap3A_1617 = vector.shape_cast %swap3A_1616 : vector<1x16xf32> to vector<16xf32>
    %swap3A_1618 = vector.shape_cast %mul3A_1612 : vector<16xf32> to vector<1x16xf32>
    tpu.vector_store %arg14[%swap3A_1614, %swap3A_1615], %swap3A_1618 {strides = array<i32>} : memref<16x128xf32, #tpu.memory_space<vmem>>, vector<1x16xf32>,
    %broadcast_in_dim3A_1619 = arith.constant 0.000000e+00 : f32
    %broadcast_in_dim3A_1620 = vector.broadcast %broadcast_in_dim3A_1619 : f32 to vector<16xf32>
    %slice3A_1621 = vector.extract_strided_slice %div3A_111 {offsets = [10], sizes = [1], strides = [1]} : vector<16xf32> to vector<1xf32>
    %squeeze3A_1622 = vector.extract %slice3A_1621[0] : f32 from vector<1xf32>
    %add3A_1623 = vector.broadcast %squeeze3A_1622 : f32 to vector<16xf32>
    %add3A_1624 = arith.addf %broadcast_in_dim3A_1620, %add3A_1623 : vector<16xf32>
    %get3A_1625 = arith.constant 10 : i32
    %get3A_1626 = arith.index_cast %get3A_1625 : i32 to index
    %get3A_1627 = arith.constant 0 : index
    %get3A_1628 = tpu.vector_load %arg14[%get3A_1626, %get3A_1627] {strides = array<i32>} : memref<16x128xf32, #tpu.memory_space<vmem>>, vector<1x16xf32>,
    %get3A_1629 = vector.shape_cast %get3A_1628 : vector<1x16xf32> to vector<16xf32>
    %get3A_1630 = arith.constant 10 : i32
    %get3A_1631 = arith.index_cast %get3A_1630 : i32 to index
    %get3A_1632 = arith.constant 0 : index
    %get3A_1633 = tpu.vector_load %arg15[%get3A_1631, %get3A_1632] {strides = array<i32>} : memref<16x128xf32, #tpu.memory_space<vmem>>, vector<1x16xf32>,
    %get3A_1634 = vector.shape_cast %get3A_1633 : vector<1x16xf32> to vector<16xf32>
    %add3A_1635 = arith.addf %get3A_1629, %get3A_1634 : vector<16xf32>
    %mul3A_1636 = arith.mulf %add3A_1635, %add3A_1624 : vector<16xf32>
    %swap3A_1637 = arith.constant 10 : i32
    %swap3A_1638 = arith.index_cast %swap3A_1637 : i32 to index
    %swap3A_1639 = arith.constant 0 : index
    %swap3A_1640 = tpu.vector_load %arg14[%swap3A_1638, %swap3A_1639] {strides = array<i32>} : memref<16x128xf32, #tpu.memory_space<vmem>>, vector<1x16xf32>,
    %swap3A_1641 = vector.shape_cast %swap3A_1640 : vector<1x16xf32> to vector<16xf32>
    %swap3A_1642 = vector.shape_cast %mul3A_1636 : vector<16xf32> to vector<1x16xf32>
    tpu.vector_store %arg14[%swap3A_1638, %swap3A_1639], %swap3A_1642 {strides = array<i32>} : memref<16x128xf32, #tpu.memory_space<vmem>>, vector<1x16xf32>,
    %get3A_1643 = arith.constant 10 : i32
    %get3A_1644 = arith.index_cast %get3A_1643 : i32 to index
    %get3A_1645 = arith.constant 16 : index
    %get3A_1646 = tpu.vector_load %arg14[%get3A_1644, %get3A_1645] {strides = array<i32>} : memref<16x128xf32, #tpu.memory_space<vmem>>, vector<1x16xf32>,
    %get3A_1647 = vector.shape_cast %get3A_1646 : vector<1x16xf32> to vector<16xf32>
    %get3A_1648 = arith.constant 10 : i32
    %get3A_1649 = arith.index_cast %get3A_1648 : i32 to index
    %get3A_1650 = arith.constant 16 : index
    %get3A_1651 = tpu.vector_load %arg15[%get3A_1649, %get3A_1650] {strides = array<i32>} : memref<16x128xf32, #tpu.memory_space<vmem>>, vector<1x16xf32>,
    %get3A_1652 = vector.shape_cast %get3A_1651 : vector<1x16xf32> to vector<16xf32>
    %add3A_1653 = arith.addf %get3A_1647, %get3A_1652 : vector<16xf32>
    %mul3A_1654 = arith.mulf %add3A_1653, %add3A_1624 : vector<16xf32>
    %swap3A_1655 = arith.constant 10 : i32
    %swap3A_1656 = arith.index_cast %swap3A_1655 : i32 to index
    %swap3A_1657 = arith.constant 16 : index
    %swap3A_1658 = tpu.vector_load %arg14[%swap3A_1656, %swap3A_1657] {strides = array<i32>} : memref<16x128xf32, #tpu.memory_space<vmem>>, vector<1x16xf32>,
    %swap3A_1659 = vector.shape_cast %swap3A_1658 : vector<1x16xf32> to vector<16xf32>
    %swap3A_1660 = vector.shape_cast %mul3A_1654 : vector<16xf32> to vector<1x16xf32>
    tpu.vector_store %arg14[%swap3A_1656, %swap3A_1657], %swap3A_1660 {strides = array<i32>} : memref<16x128xf32, #tpu.memory_space<vmem>>, vector<1x16xf32>,
    %get3A_1661 = arith.constant 10 : i32
    %get3A_1662 = arith.index_cast %get3A_1661 : i32 to index
    %get3A_1663 = arith.constant 32 : index
    %get3A_1664 = tpu.vector_load %arg14[%get3A_1662, %get3A_1663] {strides = array<i32>} : memref<16x128xf32, #tpu.memory_space<vmem>>, vector<1x16xf32>,
    %get3A_1665 = vector.shape_cast %get3A_1664 : vector<1x16xf32> to vector<16xf32>
    %get3A_1666 = arith.constant 10 : i32
    %get3A_1667 = arith.index_cast %get3A_1666 : i32 to index
    %get3A_1668 = arith.constant 32 : index
    %get3A_1669 = tpu.vector_load %arg15[%get3A_1667, %get3A_1668] {strides = array<i32>} : memref<16x128xf32, #tpu.memory_space<vmem>>, vector<1x16xf32>,
    %get3A_1670 = vector.shape_cast %get3A_1669 : vector<1x16xf32> to vector<16xf32>
    %add3A_1671 = arith.addf %get3A_1665, %get3A_1670 : vector<16xf32>
    %mul3A_1672 = arith.mulf %add3A_1671, %add3A_1624 : vector<16xf32>
    %swap3A_1673 = arith.constant 10 : i32
    %swap3A_1674 = arith.index_cast %swap3A_1673 : i32 to index
    %swap3A_1675 = arith.constant 32 : index
    %swap3A_1676 = tpu.vector_load %arg14[%swap3A_1674, %swap3A_1675] {strides = array<i32>} : memref<16x128xf32, #tpu.memory_space<vmem>>, vector<1x16xf32>,
    %swap3A_1677 = vector.shape_cast %swap3A_1676 : vector<1x16xf32> to vector<16xf32>
    %swap3A_1678 = vector.shape_cast %mul3A_1672 : vector<16xf32> to vector<1x16xf32>
    tpu.vector_store %arg14[%swap3A_1674, %swap3A_1675], %swap3A_1678 {strides = array<i32>} : memref<16x128xf32, #tpu.memory_space<vmem>>, vector<1x16xf32>,
    %get3A_1679 = arith.constant 10 : i32
    %get3A_1680 = arith.index_cast %get3A_1679 : i32 to index
    %get3A_1681 = arith.constant 48 : index
    %get3A_1682 = tpu.vector_load %arg14[%get3A_1680, %get3A_1681] {strides = array<i32>} : memref<16x128xf32, #tpu.memory_space<vmem>>, vector<1x16xf32>,
    %get3A_1683 = vector.shape_cast %get3A_1682 : vector<1x16xf32> to vector<16xf32>
    %get3A_1684 = arith.constant 10 : i32
    %get3A_1685 = arith.index_cast %get3A_1684 : i32 to index
    %get3A_1686 = arith.constant 48 : index
    %get3A_1687 = tpu.vector_load %arg15[%get3A_1685, %get3A_1686] {strides = array<i32>} : memref<16x128xf32, #tpu.memory_space<vmem>>, vector<1x16xf32>,
    %get3A_1688 = vector.shape_cast %get3A_1687 : vector<1x16xf32> to vector<16xf32>
    %add3A_1689 = arith.addf %get3A_1683, %get3A_1688 : vector<16xf32>
    %mul3A_1690 = arith.mulf %add3A_1689, %add3A_1624 : vector<16xf32>
    %swap3A_1691 = arith.constant 10 : i32
    %swap3A_1692 = arith.index_cast %swap3A_1691 : i32 to index
    %swap3A_1693 = arith.constant 48 : index
    %swap3A_1694 = tpu.vector_load %arg14[%swap3A_1692, %swap3A_1693] {strides = array<i32>} : memref<16x128xf32, #tpu.memory_space<vmem>>, vector<1x16xf32>,
    %swap3A_1695 = vector.shape_cast %swap3A_1694 : vector<1x16xf32> to vector<16xf32>
    %swap3A_1696 = vector.shape_cast %mul3A_1690 : vector<16xf32> to vector<1x16xf32>
    tpu.vector_store %arg14[%swap3A_1692, %swap3A_1693], %swap3A_1696 {strides = array<i32>} : memref<16x128xf32, #tpu.memory_space<vmem>>, vector<1x16xf32>,
    %get3A_1697 = arith.constant 10 : i32
    %get3A_1698 = arith.index_cast %get3A_1697 : i32 to index
    %get3A_1699 = arith.constant 64 : index
    %get3A_1700 = tpu.vector_load %arg14[%get3A_1698, %get3A_1699] {strides = array<i32>} : memref<16x128xf32, #tpu.memory_space<vmem>>, vector<1x16xf32>,
    %get3A_1701 = vector.shape_cast %get3A_1700 : vector<1x16xf32> to vector<16xf32>
    %get3A_1702 = arith.constant 10 : i32
    %get3A_1703 = arith.index_cast %get3A_1702 : i32 to index
    %get3A_1704 = arith.constant 64 : index
    %get3A_1705 = tpu.vector_load %arg15[%get3A_1703, %get3A_1704] {strides = array<i32>} : memref<16x128xf32, #tpu.memory_space<vmem>>, vector<1x16xf32>,
    %get3A_1706 = vector.shape_cast %get3A_1705 : vector<1x16xf32> to vector<16xf32>
    %add3A_1707 = arith.addf %get3A_1701, %get3A_1706 : vector<16xf32>
    %mul3A_1708 = arith.mulf %add3A_1707, %add3A_1624 : vector<16xf32>
    %swap3A_1709 = arith.constant 10 : i32
    %swap3A_1710 = arith.index_cast %swap3A_1709 : i32 to index
    %swap3A_1711 = arith.constant 64 : index
    %swap3A_1712 = tpu.vector_load %arg14[%swap3A_1710, %swap3A_1711] {strides = array<i32>} : memref<16x128xf32, #tpu.memory_space<vmem>>, vector<1x16xf32>,
    %swap3A_1713 = vector.shape_cast %swap3A_1712 : vector<1x16xf32> to vector<16xf32>
    %swap3A_1714 = vector.shape_cast %mul3A_1708 : vector<16xf32> to vector<1x16xf32>
    tpu.vector_store %arg14[%swap3A_1710, %swap3A_1711], %swap3A_1714 {strides = array<i32>} : memref<16x128xf32, #tpu.memory_space<vmem>>, vector<1x16xf32>,
    %get3A_1715 = arith.constant 10 : i32
    %get3A_1716 = arith.index_cast %get3A_1715 : i32 to index
    %get3A_1717 = arith.constant 80 : index
    %get3A_1718 = tpu.vector_load %arg14[%get3A_1716, %get3A_1717] {strides = array<i32>} : memref<16x128xf32, #tpu.memory_space<vmem>>, vector<1x16xf32>,
    %get3A_1719 = vector.shape_cast %get3A_1718 : vector<1x16xf32> to vector<16xf32>
    %get3A_1720 = arith.constant 10 : i32
    %get3A_1721 = arith.index_cast %get3A_1720 : i32 to index
    %get3A_1722 = arith.constant 80 : index
    %get3A_1723 = tpu.vector_load %arg15[%get3A_1721, %get3A_1722] {strides = array<i32>} : memref<16x128xf32, #tpu.memory_space<vmem>>, vector<1x16xf32>,
    %get3A_1724 = vector.shape_cast %get3A_1723 : vector<1x16xf32> to vector<16xf32>
    %add3A_1725 = arith.addf %get3A_1719, %get3A_1724 : vector<16xf32>
    %mul3A_1726 = arith.mulf %add3A_1725, %add3A_1624 : vector<16xf32>
    %swap3A_1727 = arith.constant 10 : i32
    %swap3A_1728 = arith.index_cast %swap3A_1727 : i32 to index
    %swap3A_1729 = arith.constant 80 : index
    %swap3A_1730 = tpu.vector_load %arg14[%swap3A_1728, %swap3A_1729] {strides = array<i32>} : memref<16x128xf32, #tpu.memory_space<vmem>>, vector<1x16xf32>,
    %swap3A_1731 = vector.shape_cast %swap3A_1730 : vector<1x16xf32> to vector<16xf32>
    %swap3A_1732 = vector.shape_cast %mul3A_1726 : vector<16xf32> to vector<1x16xf32>
    tpu.vector_store %arg14[%swap3A_1728, %swap3A_1729], %swap3A_1732 {strides = array<i32>} : memref<16x128xf32, #tpu.memory_space<vmem>>, vector<1x16xf32>,
    %get3A_1733 = arith.constant 10 : i32
    %get3A_1734 = arith.index_cast %get3A_1733 : i32 to index
    %get3A_1735 = arith.constant 96 : index
    %get3A_1736 = tpu.vector_load %arg14[%get3A_1734, %get3A_1735] {strides = array<i32>} : memref<16x128xf32, #tpu.memory_space<vmem>>, vector<1x16xf32>,
    %get3A_1737 = vector.shape_cast %get3A_1736 : vector<1x16xf32> to vector<16xf32>
    %get3A_1738 = arith.constant 10 : i32
    %get3A_1739 = arith.index_cast %get3A_1738 : i32 to index
    %get3A_1740 = arith.constant 96 : index
    %get3A_1741 = tpu.vector_load %arg15[%get3A_1739, %get3A_1740] {strides = array<i32>} : memref<16x128xf32, #tpu.memory_space<vmem>>, vector<1x16xf32>,
    %get3A_1742 = vector.shape_cast %get3A_1741 : vector<1x16xf32> to vector<16xf32>
    %add3A_1743 = arith.addf %get3A_1737, %get3A_1742 : vector<16xf32>
    %mul3A_1744 = arith.mulf %add3A_1743, %add3A_1624 : vector<16xf32>
    %swap3A_1745 = arith.constant 10 : i32
    %swap3A_1746 = arith.index_cast %swap3A_1745 : i32 to index
    %swap3A_1747 = arith.constant 96 : index
    %swap3A_1748 = tpu.vector_load %arg14[%swap3A_1746, %swap3A_1747] {strides = array<i32>} : memref<16x128xf32, #tpu.memory_space<vmem>>, vector<1x16xf32>,
    %swap3A_1749 = vector.shape_cast %swap3A_1748 : vector<1x16xf32> to vector<16xf32>
    %swap3A_1750 = vector.shape_cast %mul3A_1744 : vector<16xf32> to vector<1x16xf32>
    tpu.vector_store %arg14[%swap3A_1746, %swap3A_1747], %swap3A_1750 {strides = array<i32>} : memref<16x128xf32, #tpu.memory_space<vmem>>, vector<1x16xf32>,
    %get3A_1751 = arith.constant 10 : i32
    %get3A_1752 = arith.index_cast %get3A_1751 : i32 to index
    %get3A_1753 = arith.constant 112 : index
    %get3A_1754 = tpu.vector_load %arg14[%get3A_1752, %get3A_1753] {strides = array<i32>} : memref<16x128xf32, #tpu.memory_space<vmem>>, vector<1x16xf32>,
    %get3A_1755 = vector.shape_cast %get3A_1754 : vector<1x16xf32> to vector<16xf32>
    %get3A_1756 = arith.constant 10 : i32
    %get3A_1757 = arith.index_cast %get3A_1756 : i32 to index
    %get3A_1758 = arith.constant 112 : index
    %get3A_1759 = tpu.vector_load %arg15[%get3A_1757, %get3A_1758] {strides = array<i32>} : memref<16x128xf32, #tpu.memory_space<vmem>>, vector<1x16xf32>,
    %get3A_1760 = vector.shape_cast %get3A_1759 : vector<1x16xf32> to vector<16xf32>
    %add3A_1761 = arith.addf %get3A_1755, %get3A_1760 : vector<16xf32>
    %mul3A_1762 = arith.mulf %add3A_1761, %add3A_1624 : vector<16xf32>
    %swap3A_1763 = arith.constant 10 : i32
    %swap3A_1764 = arith.index_cast %swap3A_1763 : i32 to index
    %swap3A_1765 = arith.constant 112 : index
    %swap3A_1766 = tpu.vector_load %arg14[%swap3A_1764, %swap3A_1765] {strides = array<i32>} : memref<16x128xf32, #tpu.memory_space<vmem>>, vector<1x16xf32>,
    %swap3A_1767 = vector.shape_cast %swap3A_1766 : vector<1x16xf32> to vector<16xf32>
    %swap3A_1768 = vector.shape_cast %mul3A_1762 : vector<16xf32> to vector<1x16xf32>
    tpu.vector_store %arg14[%swap3A_1764, %swap3A_1765], %swap3A_1768 {strides = array<i32>} : memref<16x128xf32, #tpu.memory_space<vmem>>, vector<1x16xf32>,
    %broadcast_in_dim3A_1769 = arith.constant 0.000000e+00 : f32
    %broadcast_in_dim3A_1770 = vector.broadcast %broadcast_in_dim3A_1769 : f32 to vector<16xf32>
    %slice3A_1771 = vector.extract_strided_slice %div3A_111 {offsets = [11], sizes = [1], strides = [1]} : vector<16xf32> to vector<1xf32>
    %squeeze3A_1772 = vector.extract %slice3A_1771[0] : f32 from vector<1xf32>
    %add3A_1773 = vector.broadcast %squeeze3A_1772 : f32 to vector<16xf32>
    %add3A_1774 = arith.addf %broadcast_in_dim3A_1770, %add3A_1773 : vector<16xf32>
    %get3A_1775 = arith.constant 11 : i32
    %get3A_1776 = arith.index_cast %get3A_1775 : i32 to index
    %get3A_1777 = arith.constant 0 : index
    %get3A_1778 = tpu.vector_load %arg14[%get3A_1776, %get3A_1777] {strides = array<i32>} : memref<16x128xf32, #tpu.memory_space<vmem>>, vector<1x16xf32>,
    %get3A_1779 = vector.shape_cast %get3A_1778 : vector<1x16xf32> to vector<16xf32>
    %get3A_1780 = arith.constant 11 : i32
    %get3A_1781 = arith.index_cast %get3A_1780 : i32 to index
    %get3A_1782 = arith.constant 0 : index
    %get3A_1783 = tpu.vector_load %arg15[%get3A_1781, %get3A_1782] {strides = array<i32>} : memref<16x128xf32, #tpu.memory_space<vmem>>, vector<1x16xf32>,
    %get3A_1784 = vector.shape_cast %get3A_1783 : vector<1x16xf32> to vector<16xf32>
    %add3A_1785 = arith.addf %get3A_1779, %get3A_1784 : vector<16xf32>
    %mul3A_1786 = arith.mulf %add3A_1785, %add3A_1774 : vector<16xf32>
    %swap3A_1787 = arith.constant 11 : i32
    %swap3A_1788 = arith.index_cast %swap3A_1787 : i32 to index
    %swap3A_1789 = arith.constant 0 : index
    %swap3A_1790 = tpu.vector_load %arg14[%swap3A_1788, %swap3A_1789] {strides = array<i32>} : memref<16x128xf32, #tpu.memory_space<vmem>>, vector<1x16xf32>,
    %swap3A_1791 = vector.shape_cast %swap3A_1790 : vector<1x16xf32> to vector<16xf32>
    %swap3A_1792 = vector.shape_cast %mul3A_1786 : vector<16xf32> to vector<1x16xf32>
    tpu.vector_store %arg14[%swap3A_1788, %swap3A_1789], %swap3A_1792 {strides = array<i32>} : memref<16x128xf32, #tpu.memory_space<vmem>>, vector<1x16xf32>,
    %get3A_1793 = arith.constant 11 : i32
    %get3A_1794 = arith.index_cast %get3A_1793 : i32 to index
    %get3A_1795 = arith.constant 16 : index
    %get3A_1796 = tpu.vector_load %arg14[%get3A_1794, %get3A_1795] {strides = array<i32>} : memref<16x128xf32, #tpu.memory_space<vmem>>, vector<1x16xf32>,
    %get3A_1797 = vector.shape_cast %get3A_1796 : vector<1x16xf32> to vector<16xf32>
    %get3A_1798 = arith.constant 11 : i32
    %get3A_1799 = arith.index_cast %get3A_1798 : i32 to index
    %get3A_1800 = arith.constant 16 : index
    %get3A_1801 = tpu.vector_load %arg15[%get3A_1799, %get3A_1800] {strides = array<i32>} : memref<16x128xf32, #tpu.memory_space<vmem>>, vector<1x16xf32>,
    %get3A_1802 = vector.shape_cast %get3A_1801 : vector<1x16xf32> to vector<16xf32>
    %add3A_1803 = arith.addf %get3A_1797, %get3A_1802 : vector<16xf32>
    %mul3A_1804 = arith.mulf %add3A_1803, %add3A_1774 : vector<16xf32>
    %swap3A_1805 = arith.constant 11 : i32
    %swap3A_1806 = arith.index_cast %swap3A_1805 : i32 to index
    %swap3A_1807 = arith.constant 16 : index
    %swap3A_1808 = tpu.vector_load %arg14[%swap3A_1806, %swap3A_1807] {strides = array<i32>} : memref<16x128xf32, #tpu.memory_space<vmem>>, vector<1x16xf32>,
    %swap3A_1809 = vector.shape_cast %swap3A_1808 : vector<1x16xf32> to vector<16xf32>
    %swap3A_1810 = vector.shape_cast %mul3A_1804 : vector<16xf32> to vector<1x16xf32>
    tpu.vector_store %arg14[%swap3A_1806, %swap3A_1807], %swap3A_1810 {strides = array<i32>} : memref<16x128xf32, #tpu.memory_space<vmem>>, vector<1x16xf32>,
    %get3A_1811 = arith.constant 11 : i32
    %get3A_1812 = arith.index_cast %get3A_1811 : i32 to index
    %get3A_1813 = arith.constant 32 : index
    %get3A_1814 = tpu.vector_load %arg14[%get3A_1812, %get3A_1813] {strides = array<i32>} : memref<16x128xf32, #tpu.memory_space<vmem>>, vector<1x16xf32>,
    %get3A_1815 = vector.shape_cast %get3A_1814 : vector<1x16xf32> to vector<16xf32>
    %get3A_1816 = arith.constant 11 : i32
    %get3A_1817 = arith.index_cast %get3A_1816 : i32 to index
    %get3A_1818 = arith.constant 32 : index
    %get3A_1819 = tpu.vector_load %arg15[%get3A_1817, %get3A_1818] {strides = array<i32>} : memref<16x128xf32, #tpu.memory_space<vmem>>, vector<1x16xf32>,
    %get3A_1820 = vector.shape_cast %get3A_1819 : vector<1x16xf32> to vector<16xf32>
    %add3A_1821 = arith.addf %get3A_1815, %get3A_1820 : vector<16xf32>
    %mul3A_1822 = arith.mulf %add3A_1821, %add3A_1774 : vector<16xf32>
    %swap3A_1823 = arith.constant 11 : i32
    %swap3A_1824 = arith.index_cast %swap3A_1823 : i32 to index
    %swap3A_1825 = arith.constant 32 : index
    %swap3A_1826 = tpu.vector_load %arg14[%swap3A_1824, %swap3A_1825] {strides = array<i32>} : memref<16x128xf32, #tpu.memory_space<vmem>>, vector<1x16xf32>,
    %swap3A_1827 = vector.shape_cast %swap3A_1826 : vector<1x16xf32> to vector<16xf32>
    %swap3A_1828 = vector.shape_cast %mul3A_1822 : vector<16xf32> to vector<1x16xf32>
    tpu.vector_store %arg14[%swap3A_1824, %swap3A_1825], %swap3A_1828 {strides = array<i32>} : memref<16x128xf32, #tpu.memory_space<vmem>>, vector<1x16xf32>,
    %get3A_1829 = arith.constant 11 : i32
    %get3A_1830 = arith.index_cast %get3A_1829 : i32 to index
    %get3A_1831 = arith.constant 48 : index
    %get3A_1832 = tpu.vector_load %arg14[%get3A_1830, %get3A_1831] {strides = array<i32>} : memref<16x128xf32, #tpu.memory_space<vmem>>, vector<1x16xf32>,
    %get3A_1833 = vector.shape_cast %get3A_1832 : vector<1x16xf32> to vector<16xf32>
    %get3A_1834 = arith.constant 11 : i32
    %get3A_1835 = arith.index_cast %get3A_1834 : i32 to index
    %get3A_1836 = arith.constant 48 : index
    %get3A_1837 = tpu.vector_load %arg15[%get3A_1835, %get3A_1836] {strides = array<i32>} : memref<16x128xf32, #tpu.memory_space<vmem>>, vector<1x16xf32>,
    %get3A_1838 = vector.shape_cast %get3A_1837 : vector<1x16xf32> to vector<16xf32>
    %add3A_1839 = arith.addf %get3A_1833, %get3A_1838 : vector<16xf32>
    %mul3A_1840 = arith.mulf %add3A_1839, %add3A_1774 : vector<16xf32>
    %swap3A_1841 = arith.constant 11 : i32
    %swap3A_1842 = arith.index_cast %swap3A_1841 : i32 to index
    %swap3A_1843 = arith.constant 48 : index
    %swap3A_1844 = tpu.vector_load %arg14[%swap3A_1842, %swap3A_1843] {strides = array<i32>} : memref<16x128xf32, #tpu.memory_space<vmem>>, vector<1x16xf32>,
    %swap3A_1845 = vector.shape_cast %swap3A_1844 : vector<1x16xf32> to vector<16xf32>
    %swap3A_1846 = vector.shape_cast %mul3A_1840 : vector<16xf32> to vector<1x16xf32>
    tpu.vector_store %arg14[%swap3A_1842, %swap3A_1843], %swap3A_1846 {strides = array<i32>} : memref<16x128xf32, #tpu.memory_space<vmem>>, vector<1x16xf32>,
    %get3A_1847 = arith.constant 11 : i32
    %get3A_1848 = arith.index_cast %get3A_1847 : i32 to index
    %get3A_1849 = arith.constant 64 : index
    %get3A_1850 = tpu.vector_load %arg14[%get3A_1848, %get3A_1849] {strides = array<i32>} : memref<16x128xf32, #tpu.memory_space<vmem>>, vector<1x16xf32>,
    %get3A_1851 = vector.shape_cast %get3A_1850 : vector<1x16xf32> to vector<16xf32>
    %get3A_1852 = arith.constant 11 : i32
    %get3A_1853 = arith.index_cast %get3A_1852 : i32 to index
    %get3A_1854 = arith.constant 64 : index
    %get3A_1855 = tpu.vector_load %arg15[%get3A_1853, %get3A_1854] {strides = array<i32>} : memref<16x128xf32, #tpu.memory_space<vmem>>, vector<1x16xf32>,
    %get3A_1856 = vector.shape_cast %get3A_1855 : vector<1x16xf32> to vector<16xf32>
    %add3A_1857 = arith.addf %get3A_1851, %get3A_1856 : vector<16xf32>
    %mul3A_1858 = arith.mulf %add3A_1857, %add3A_1774 : vector<16xf32>
    %swap3A_1859 = arith.constant 11 : i32
    %swap3A_1860 = arith.index_cast %swap3A_1859 : i32 to index
    %swap3A_1861 = arith.constant 64 : index
    %swap3A_1862 = tpu.vector_load %arg14[%swap3A_1860, %swap3A_1861] {strides = array<i32>} : memref<16x128xf32, #tpu.memory_space<vmem>>, vector<1x16xf32>,
    %swap3A_1863 = vector.shape_cast %swap3A_1862 : vector<1x16xf32> to vector<16xf32>
    %swap3A_1864 = vector.shape_cast %mul3A_1858 : vector<16xf32> to vector<1x16xf32>
    tpu.vector_store %arg14[%swap3A_1860, %swap3A_1861], %swap3A_1864 {strides = array<i32>} : memref<16x128xf32, #tpu.memory_space<vmem>>, vector<1x16xf32>,
    %get3A_1865 = arith.constant 11 : i32
    %get3A_1866 = arith.index_cast %get3A_1865 : i32 to index
    %get3A_1867 = arith.constant 80 : index
    %get3A_1868 = tpu.vector_load %arg14[%get3A_1866, %get3A_1867] {strides = array<i32>} : memref<16x128xf32, #tpu.memory_space<vmem>>, vector<1x16xf32>,
    %get3A_1869 = vector.shape_cast %get3A_1868 : vector<1x16xf32> to vector<16xf32>
    %get3A_1870 = arith.constant 11 : i32
    %get3A_1871 = arith.index_cast %get3A_1870 : i32 to index
    %get3A_1872 = arith.constant 80 : index
    %get3A_1873 = tpu.vector_load %arg15[%get3A_1871, %get3A_1872] {strides = array<i32>} : memref<16x128xf32, #tpu.memory_space<vmem>>, vector<1x16xf32>,
    %get3A_1874 = vector.shape_cast %get3A_1873 : vector<1x16xf32> to vector<16xf32>
    %add3A_1875 = arith.addf %get3A_1869, %get3A_1874 : vector<16xf32>
    %mul3A_1876 = arith.mulf %add3A_1875, %add3A_1774 : vector<16xf32>
    %swap3A_1877 = arith.constant 11 : i32
    %swap3A_1878 = arith.index_cast %swap3A_1877 : i32 to index
    %swap3A_1879 = arith.constant 80 : index
    %swap3A_1880 = tpu.vector_load %arg14[%swap3A_1878, %swap3A_1879] {strides = array<i32>} : memref<16x128xf32, #tpu.memory_space<vmem>>, vector<1x16xf32>,
    %swap3A_1881 = vector.shape_cast %swap3A_1880 : vector<1x16xf32> to vector<16xf32>
    %swap3A_1882 = vector.shape_cast %mul3A_1876 : vector<16xf32> to vector<1x16xf32>
    tpu.vector_store %arg14[%swap3A_1878, %swap3A_1879], %swap3A_1882 {strides = array<i32>} : memref<16x128xf32, #tpu.memory_space<vmem>>, vector<1x16xf32>,
    %get3A_1883 = arith.constant 11 : i32
    %get3A_1884 = arith.index_cast %get3A_1883 : i32 to index
    %get3A_1885 = arith.constant 96 : index
    %get3A_1886 = tpu.vector_load %arg14[%get3A_1884, %get3A_1885] {strides = array<i32>} : memref<16x128xf32, #tpu.memory_space<vmem>>, vector<1x16xf32>,
    %get3A_1887 = vector.shape_cast %get3A_1886 : vector<1x16xf32> to vector<16xf32>
    %get3A_1888 = arith.constant 11 : i32
    %get3A_1889 = arith.index_cast %get3A_1888 : i32 to index
    %get3A_1890 = arith.constant 96 : index
    %get3A_1891 = tpu.vector_load %arg15[%get3A_1889, %get3A_1890] {strides = array<i32>} : memref<16x128xf32, #tpu.memory_space<vmem>>, vector<1x16xf32>,
    %get3A_1892 = vector.shape_cast %get3A_1891 : vector<1x16xf32> to vector<16xf32>
    %add3A_1893 = arith.addf %get3A_1887, %get3A_1892 : vector<16xf32>
    %mul3A_1894 = arith.mulf %add3A_1893, %add3A_1774 : vector<16xf32>
    %swap3A_1895 = arith.constant 11 : i32
    %swap3A_1896 = arith.index_cast %swap3A_1895 : i32 to index
    %swap3A_1897 = arith.constant 96 : index
    %swap3A_1898 = tpu.vector_load %arg14[%swap3A_1896, %swap3A_1897] {strides = array<i32>} : memref<16x128xf32, #tpu.memory_space<vmem>>, vector<1x16xf32>,
    %swap3A_1899 = vector.shape_cast %swap3A_1898 : vector<1x16xf32> to vector<16xf32>
    %swap3A_1900 = vector.shape_cast %mul3A_1894 : vector<16xf32> to vector<1x16xf32>
    tpu.vector_store %arg14[%swap3A_1896, %swap3A_1897], %swap3A_1900 {strides = array<i32>} : memref<16x128xf32, #tpu.memory_space<vmem>>, vector<1x16xf32>,
    %get3A_1901 = arith.constant 11 : i32
    %get3A_1902 = arith.index_cast %get3A_1901 : i32 to index
    %get3A_1903 = arith.constant 112 : index
    %get3A_1904 = tpu.vector_load %arg14[%get3A_1902, %get3A_1903] {strides = array<i32>} : memref<16x128xf32, #tpu.memory_space<vmem>>, vector<1x16xf32>,
    %get3A_1905 = vector.shape_cast %get3A_1904 : vector<1x16xf32> to vector<16xf32>
    %get3A_1906 = arith.constant 11 : i32
    %get3A_1907 = arith.index_cast %get3A_1906 : i32 to index
    %get3A_1908 = arith.constant 112 : index
    %get3A_1909 = tpu.vector_load %arg15[%get3A_1907, %get3A_1908] {strides = array<i32>} : memref<16x128xf32, #tpu.memory_space<vmem>>, vector<1x16xf32>,
    %get3A_1910 = vector.shape_cast %get3A_1909 : vector<1x16xf32> to vector<16xf32>
    %add3A_1911 = arith.addf %get3A_1905, %get3A_1910 : vector<16xf32>
    %mul3A_1912 = arith.mulf %add3A_1911, %add3A_1774 : vector<16xf32>
    %swap3A_1913 = arith.constant 11 : i32
    %swap3A_1914 = arith.index_cast %swap3A_1913 : i32 to index
    %swap3A_1915 = arith.constant 112 : index
    %swap3A_1916 = tpu.vector_load %arg14[%swap3A_1914, %swap3A_1915] {strides = array<i32>} : memref<16x128xf32, #tpu.memory_space<vmem>>, vector<1x16xf32>,
    %swap3A_1917 = vector.shape_cast %swap3A_1916 : vector<1x16xf32> to vector<16xf32>
    %swap3A_1918 = vector.shape_cast %mul3A_1912 : vector<16xf32> to vector<1x16xf32>
    tpu.vector_store %arg14[%swap3A_1914, %swap3A_1915], %swap3A_1918 {strides = array<i32>} : memref<16x128xf32, #tpu.memory_space<vmem>>, vector<1x16xf32>,
    %broadcast_in_dim3A_1919 = arith.constant 0.000000e+00 : f32
    %broadcast_in_dim3A_1920 = vector.broadcast %broadcast_in_dim3A_1919 : f32 to vector<16xf32>
    %slice3A_1921 = vector.extract_strided_slice %div3A_111 {offsets = [12], sizes = [1], strides = [1]} : vector<16xf32> to vector<1xf32>
    %squeeze3A_1922 = vector.extract %slice3A_1921[0] : f32 from vector<1xf32>
    %add3A_1923 = vector.broadcast %squeeze3A_1922 : f32 to vector<16xf32>
    %add3A_1924 = arith.addf %broadcast_in_dim3A_1920, %add3A_1923 : vector<16xf32>
    %get3A_1925 = arith.constant 12 : i32
    %get3A_1926 = arith.index_cast %get3A_1925 : i32 to index
    %get3A_1927 = arith.constant 0 : index
    %get3A_1928 = tpu.vector_load %arg14[%get3A_1926, %get3A_1927] {strides = array<i32>} : memref<16x128xf32, #tpu.memory_space<vmem>>, vector<1x16xf32>,
    %get3A_1929 = vector.shape_cast %get3A_1928 : vector<1x16xf32> to vector<16xf32>
    %get3A_1930 = arith.constant 12 : i32
    %get3A_1931 = arith.index_cast %get3A_1930 : i32 to index
    %get3A_1932 = arith.constant 0 : index
    %get3A_1933 = tpu.vector_load %arg15[%get3A_1931, %get3A_1932] {strides = array<i32>} : memref<16x128xf32, #tpu.memory_space<vmem>>, vector<1x16xf32>,
    %get3A_1934 = vector.shape_cast %get3A_1933 : vector<1x16xf32> to vector<16xf32>
    %add3A_1935 = arith.addf %get3A_1929, %get3A_1934 : vector<16xf32>
    %mul3A_1936 = arith.mulf %add3A_1935, %add3A_1924 : vector<16xf32>
    %swap3A_1937 = arith.constant 12 : i32
    %swap3A_1938 = arith.index_cast %swap3A_1937 : i32 to index
    %swap3A_1939 = arith.constant 0 : index
    %swap3A_1940 = tpu.vector_load %arg14[%swap3A_1938, %swap3A_1939] {strides = array<i32>} : memref<16x128xf32, #tpu.memory_space<vmem>>, vector<1x16xf32>,
    %swap3A_1941 = vector.shape_cast %swap3A_1940 : vector<1x16xf32> to vector<16xf32>
    %swap3A_1942 = vector.shape_cast %mul3A_1936 : vector<16xf32> to vector<1x16xf32>
    tpu.vector_store %arg14[%swap3A_1938, %swap3A_1939], %swap3A_1942 {strides = array<i32>} : memref<16x128xf32, #tpu.memory_space<vmem>>, vector<1x16xf32>,
    %get3A_1943 = arith.constant 12 : i32
    %get3A_1944 = arith.index_cast %get3A_1943 : i32 to index
    %get3A_1945 = arith.constant 16 : index
    %get3A_1946 = tpu.vector_load %arg14[%get3A_1944, %get3A_1945] {strides = array<i32>} : memref<16x128xf32, #tpu.memory_space<vmem>>, vector<1x16xf32>,
    %get3A_1947 = vector.shape_cast %get3A_1946 : vector<1x16xf32> to vector<16xf32>
    %get3A_1948 = arith.constant 12 : i32
    %get3A_1949 = arith.index_cast %get3A_1948 : i32 to index
    %get3A_1950 = arith.constant 16 : index
    %get3A_1951 = tpu.vector_load %arg15[%get3A_1949, %get3A_1950] {strides = array<i32>} : memref<16x128xf32, #tpu.memory_space<vmem>>, vector<1x16xf32>,
    %get3A_1952 = vector.shape_cast %get3A_1951 : vector<1x16xf32> to vector<16xf32>
    %add3A_1953 = arith.addf %get3A_1947, %get3A_1952 : vector<16xf32>
    %mul3A_1954 = arith.mulf %add3A_1953, %add3A_1924 : vector<16xf32>
    %swap3A_1955 = arith.constant 12 : i32
    %swap3A_1956 = arith.index_cast %swap3A_1955 : i32 to index
    %swap3A_1957 = arith.constant 16 : index
    %swap3A_1958 = tpu.vector_load %arg14[%swap3A_1956, %swap3A_1957] {strides = array<i32>} : memref<16x128xf32, #tpu.memory_space<vmem>>, vector<1x16xf32>,
    %swap3A_1959 = vector.shape_cast %swap3A_1958 : vector<1x16xf32> to vector<16xf32>
    %swap3A_1960 = vector.shape_cast %mul3A_1954 : vector<16xf32> to vector<1x16xf32>
    tpu.vector_store %arg14[%swap3A_1956, %swap3A_1957], %swap3A_1960 {strides = array<i32>} : memref<16x128xf32, #tpu.memory_space<vmem>>, vector<1x16xf32>,
    %get3A_1961 = arith.constant 12 : i32
    %get3A_1962 = arith.index_cast %get3A_1961 : i32 to index
    %get3A_1963 = arith.constant 32 : index
    %get3A_1964 = tpu.vector_load %arg14[%get3A_1962, %get3A_1963] {strides = array<i32>} : memref<16x128xf32, #tpu.memory_space<vmem>>, vector<1x16xf32>,
    %get3A_1965 = vector.shape_cast %get3A_1964 : vector<1x16xf32> to vector<16xf32>
    %get3A_1966 = arith.constant 12 : i32
    %get3A_1967 = arith.index_cast %get3A_1966 : i32 to index
    %get3A_1968 = arith.constant 32 : index
    %get3A_1969 = tpu.vector_load %arg15[%get3A_1967, %get3A_1968] {strides = array<i32>} : memref<16x128xf32, #tpu.memory_space<vmem>>, vector<1x16xf32>,
    %get3A_1970 = vector.shape_cast %get3A_1969 : vector<1x16xf32> to vector<16xf32>
    %add3A_1971 = arith.addf %get3A_1965, %get3A_1970 : vector<16xf32>
    %mul3A_1972 = arith.mulf %add3A_1971, %add3A_1924 : vector<16xf32>
    %swap3A_1973 = arith.constant 12 : i32
    %swap3A_1974 = arith.index_cast %swap3A_1973 : i32 to index
    %swap3A_1975 = arith.constant 32 : index
    %swap3A_1976 = tpu.vector_load %arg14[%swap3A_1974, %swap3A_1975] {strides = array<i32>} : memref<16x128xf32, #tpu.memory_space<vmem>>, vector<1x16xf32>,
    %swap3A_1977 = vector.shape_cast %swap3A_1976 : vector<1x16xf32> to vector<16xf32>
    %swap3A_1978 = vector.shape_cast %mul3A_1972 : vector<16xf32> to vector<1x16xf32>
    tpu.vector_store %arg14[%swap3A_1974, %swap3A_1975], %swap3A_1978 {strides = array<i32>} : memref<16x128xf32, #tpu.memory_space<vmem>>, vector<1x16xf32>,
    %get3A_1979 = arith.constant 12 : i32
    %get3A_1980 = arith.index_cast %get3A_1979 : i32 to index
    %get3A_1981 = arith.constant 48 : index
    %get3A_1982 = tpu.vector_load %arg14[%get3A_1980, %get3A_1981] {strides = array<i32>} : memref<16x128xf32, #tpu.memory_space<vmem>>, vector<1x16xf32>,
    %get3A_1983 = vector.shape_cast %get3A_1982 : vector<1x16xf32> to vector<16xf32>
    %get3A_1984 = arith.constant 12 : i32
    %get3A_1985 = arith.index_cast %get3A_1984 : i32 to index
    %get3A_1986 = arith.constant 48 : index
    %get3A_1987 = tpu.vector_load %arg15[%get3A_1985, %get3A_1986] {strides = array<i32>} : memref<16x128xf32, #tpu.memory_space<vmem>>, vector<1x16xf32>,
    %get3A_1988 = vector.shape_cast %get3A_1987 : vector<1x16xf32> to vector<16xf32>
    %add3A_1989 = arith.addf %get3A_1983, %get3A_1988 : vector<16xf32>
    %mul3A_1990 = arith.mulf %add3A_1989, %add3A_1924 : vector<16xf32>
    %swap3A_1991 = arith.constant 12 : i32
    %swap3A_1992 = arith.index_cast %swap3A_1991 : i32 to index
    %swap3A_1993 = arith.constant 48 : index
    %swap3A_1994 = tpu.vector_load %arg14[%swap3A_1992, %swap3A_1993] {strides = array<i32>} : memref<16x128xf32, #tpu.memory_space<vmem>>, vector<1x16xf32>,
    %swap3A_1995 = vector.shape_cast %swap3A_1994 : vector<1x16xf32> to vector<16xf32>
    %swap3A_1996 = vector.shape_cast %mul3A_1990 : vector<16xf32> to vector<1x16xf32>
    tpu.vector_store %arg14[%swap3A_1992, %swap3A_1993], %swap3A_1996 {strides = array<i32>} : memref<16x128xf32, #tpu.memory_space<vmem>>, vector<1x16xf32>,
    %get3A_1997 = arith.constant 12 : i32
    %get3A_1998 = arith.index_cast %get3A_1997 : i32 to index
    %get3A_1999 = arith.constant 64 : index
    %get3A_2000 = tpu.vector_load %arg14[%get3A_1998, %get3A_1999] {strides = array<i32>} : memref<16x128xf32, #tpu.memory_space<vmem>>, vector<1x16xf32>,
    %get3A_2001 = vector.shape_cast %get3A_2000 : vector<1x16xf32> to vector<16xf32>
    %get3A_2002 = arith.constant 12 : i32
    %get3A_2003 = arith.index_cast %get3A_2002 : i32 to index
    %get3A_2004 = arith.constant 64 : index
    %get3A_2005 = tpu.vector_load %arg15[%get3A_2003, %get3A_2004] {strides = array<i32>} : memref<16x128xf32, #tpu.memory_space<vmem>>, vector<1x16xf32>,
    %get3A_2006 = vector.shape_cast %get3A_2005 : vector<1x16xf32> to vector<16xf32>
    %add3A_2007 = arith.addf %get3A_2001, %get3A_2006 : vector<16xf32>
    %mul3A_2008 = arith.mulf %add3A_2007, %add3A_1924 : vector<16xf32>
    %swap3A_2009 = arith.constant 12 : i32
    %swap3A_2010 = arith.index_cast %swap3A_2009 : i32 to index
    %swap3A_2011 = arith.constant 64 : index
    %swap3A_2012 = tpu.vector_load %arg14[%swap3A_2010, %swap3A_2011] {strides = array<i32>} : memref<16x128xf32, #tpu.memory_space<vmem>>, vector<1x16xf32>,
    %swap3A_2013 = vector.shape_cast %swap3A_2012 : vector<1x16xf32> to vector<16xf32>
    %swap3A_2014 = vector.shape_cast %mul3A_2008 : vector<16xf32> to vector<1x16xf32>
    tpu.vector_store %arg14[%swap3A_2010, %swap3A_2011], %swap3A_2014 {strides = array<i32>} : memref<16x128xf32, #tpu.memory_space<vmem>>, vector<1x16xf32>,
    %get3A_2015 = arith.constant 12 : i32
    %get3A_2016 = arith.index_cast %get3A_2015 : i32 to index
    %get3A_2017 = arith.constant 80 : index
    %get3A_2018 = tpu.vector_load %arg14[%get3A_2016, %get3A_2017] {strides = array<i32>} : memref<16x128xf32, #tpu.memory_space<vmem>>, vector<1x16xf32>,
    %get3A_2019 = vector.shape_cast %get3A_2018 : vector<1x16xf32> to vector<16xf32>
    %get3A_2020 = arith.constant 12 : i32
    %get3A_2021 = arith.index_cast %get3A_2020 : i32 to index
    %get3A_2022 = arith.constant 80 : index
    %get3A_2023 = tpu.vector_load %arg15[%get3A_2021, %get3A_2022] {strides = array<i32>} : memref<16x128xf32, #tpu.memory_space<vmem>>, vector<1x16xf32>,
    %get3A_2024 = vector.shape_cast %get3A_2023 : vector<1x16xf32> to vector<16xf32>
    %add3A_2025 = arith.addf %get3A_2019, %get3A_2024 : vector<16xf32>
    %mul3A_2026 = arith.mulf %add3A_2025, %add3A_1924 : vector<16xf32>
    %swap3A_2027 = arith.constant 12 : i32
    %swap3A_2028 = arith.index_cast %swap3A_2027 : i32 to index
    %swap3A_2029 = arith.constant 80 : index
    %swap3A_2030 = tpu.vector_load %arg14[%swap3A_2028, %swap3A_2029] {strides = array<i32>} : memref<16x128xf32, #tpu.memory_space<vmem>>, vector<1x16xf32>,
    %swap3A_2031 = vector.shape_cast %swap3A_2030 : vector<1x16xf32> to vector<16xf32>
    %swap3A_2032 = vector.shape_cast %mul3A_2026 : vector<16xf32> to vector<1x16xf32>
    tpu.vector_store %arg14[%swap3A_2028, %swap3A_2029], %swap3A_2032 {strides = array<i32>} : memref<16x128xf32, #tpu.memory_space<vmem>>, vector<1x16xf32>,
    %get3A_2033 = arith.constant 12 : i32
    %get3A_2034 = arith.index_cast %get3A_2033 : i32 to index
    %get3A_2035 = arith.constant 96 : index
    %get3A_2036 = tpu.vector_load %arg14[%get3A_2034, %get3A_2035] {strides = array<i32>} : memref<16x128xf32, #tpu.memory_space<vmem>>, vector<1x16xf32>,
    %get3A_2037 = vector.shape_cast %get3A_2036 : vector<1x16xf32> to vector<16xf32>
    %get3A_2038 = arith.constant 12 : i32
    %get3A_2039 = arith.index_cast %get3A_2038 : i32 to index
    %get3A_2040 = arith.constant 96 : index
    %get3A_2041 = tpu.vector_load %arg15[%get3A_2039, %get3A_2040] {strides = array<i32>} : memref<16x128xf32, #tpu.memory_space<vmem>>, vector<1x16xf32>,
    %get3A_2042 = vector.shape_cast %get3A_2041 : vector<1x16xf32> to vector<16xf32>
    %add3A_2043 = arith.addf %get3A_2037, %get3A_2042 : vector<16xf32>
    %mul3A_2044 = arith.mulf %add3A_2043, %add3A_1924 : vector<16xf32>
    %swap3A_2045 = arith.constant 12 : i32
    %swap3A_2046 = arith.index_cast %swap3A_2045 : i32 to index
    %swap3A_2047 = arith.constant 96 : index
    %swap3A_2048 = tpu.vector_load %arg14[%swap3A_2046, %swap3A_2047] {strides = array<i32>} : memref<16x128xf32, #tpu.memory_space<vmem>>, vector<1x16xf32>,
    %swap3A_2049 = vector.shape_cast %swap3A_2048 : vector<1x16xf32> to vector<16xf32>
    %swap3A_2050 = vector.shape_cast %mul3A_2044 : vector<16xf32> to vector<1x16xf32>
    tpu.vector_store %arg14[%swap3A_2046, %swap3A_2047], %swap3A_2050 {strides = array<i32>} : memref<16x128xf32, #tpu.memory_space<vmem>>, vector<1x16xf32>,
    %get3A_2051 = arith.constant 12 : i32
    %get3A_2052 = arith.index_cast %get3A_2051 : i32 to index
    %get3A_2053 = arith.constant 112 : index
    %get3A_2054 = tpu.vector_load %arg14[%get3A_2052, %get3A_2053] {strides = array<i32>} : memref<16x128xf32, #tpu.memory_space<vmem>>, vector<1x16xf32>,
    %get3A_2055 = vector.shape_cast %get3A_2054 : vector<1x16xf32> to vector<16xf32>
    %get3A_2056 = arith.constant 12 : i32
    %get3A_2057 = arith.index_cast %get3A_2056 : i32 to index
    %get3A_2058 = arith.constant 112 : index
    %get3A_2059 = tpu.vector_load %arg15[%get3A_2057, %get3A_2058] {strides = array<i32>} : memref<16x128xf32, #tpu.memory_space<vmem>>, vector<1x16xf32>,
    %get3A_2060 = vector.shape_cast %get3A_2059 : vector<1x16xf32> to vector<16xf32>
    %add3A_2061 = arith.addf %get3A_2055, %get3A_2060 : vector<16xf32>
    %mul3A_2062 = arith.mulf %add3A_2061, %add3A_1924 : vector<16xf32>
    %swap3A_2063 = arith.constant 12 : i32
    %swap3A_2064 = arith.index_cast %swap3A_2063 : i32 to index
    %swap3A_2065 = arith.constant 112 : index
    %swap3A_2066 = tpu.vector_load %arg14[%swap3A_2064, %swap3A_2065] {strides = array<i32>} : memref<16x128xf32, #tpu.memory_space<vmem>>, vector<1x16xf32>,
    %swap3A_2067 = vector.shape_cast %swap3A_2066 : vector<1x16xf32> to vector<16xf32>
    %swap3A_2068 = vector.shape_cast %mul3A_2062 : vector<16xf32> to vector<1x16xf32>
    tpu.vector_store %arg14[%swap3A_2064, %swap3A_2065], %swap3A_2068 {strides = array<i32>} : memref<16x128xf32, #tpu.memory_space<vmem>>, vector<1x16xf32>,
    %broadcast_in_dim3A_2069 = arith.constant 0.000000e+00 : f32
    %broadcast_in_dim3A_2070 = vector.broadcast %broadcast_in_dim3A_2069 : f32 to vector<16xf32>
    %slice3A_2071 = vector.extract_strided_slice %div3A_111 {offsets = [13], sizes = [1], strides = [1]} : vector<16xf32> to vector<1xf32>
    %squeeze3A_2072 = vector.extract %slice3A_2071[0] : f32 from vector<1xf32>
    %add3A_2073 = vector.broadcast %squeeze3A_2072 : f32 to vector<16xf32>
    %add3A_2074 = arith.addf %broadcast_in_dim3A_2070, %add3A_2073 : vector<16xf32>
    %get3A_2075 = arith.constant 13 : i32
    %get3A_2076 = arith.index_cast %get3A_2075 : i32 to index
    %get3A_2077 = arith.constant 0 : index
    %get3A_2078 = tpu.vector_load %arg14[%get3A_2076, %get3A_2077] {strides = array<i32>} : memref<16x128xf32, #tpu.memory_space<vmem>>, vector<1x16xf32>,
    %get3A_2079 = vector.shape_cast %get3A_2078 : vector<1x16xf32> to vector<16xf32>
    %get3A_2080 = arith.constant 13 : i32
    %get3A_2081 = arith.index_cast %get3A_2080 : i32 to index
    %get3A_2082 = arith.constant 0 : index
    %get3A_2083 = tpu.vector_load %arg15[%get3A_2081, %get3A_2082] {strides = array<i32>} : memref<16x128xf32, #tpu.memory_space<vmem>>, vector<1x16xf32>,
    %get3A_2084 = vector.shape_cast %get3A_2083 : vector<1x16xf32> to vector<16xf32>
    %add3A_2085 = arith.addf %get3A_2079, %get3A_2084 : vector<16xf32>
    %mul3A_2086 = arith.mulf %add3A_2085, %add3A_2074 : vector<16xf32>
    %swap3A_2087 = arith.constant 13 : i32
    %swap3A_2088 = arith.index_cast %swap3A_2087 : i32 to index
    %swap3A_2089 = arith.constant 0 : index
    %swap3A_2090 = tpu.vector_load %arg14[%swap3A_2088, %swap3A_2089] {strides = array<i32>} : memref<16x128xf32, #tpu.memory_space<vmem>>, vector<1x16xf32>,
    %swap3A_2091 = vector.shape_cast %swap3A_2090 : vector<1x16xf32> to vector<16xf32>
    %swap3A_2092 = vector.shape_cast %mul3A_2086 : vector<16xf32> to vector<1x16xf32>
    tpu.vector_store %arg14[%swap3A_2088, %swap3A_2089], %swap3A_2092 {strides = array<i32>} : memref<16x128xf32, #tpu.memory_space<vmem>>, vector<1x16xf32>,
    %get3A_2093 = arith.constant 13 : i32
    %get3A_2094 = arith.index_cast %get3A_2093 : i32 to index
    %get3A_2095 = arith.constant 16 : index
    %get3A_2096 = tpu.vector_load %arg14[%get3A_2094, %get3A_2095] {strides = array<i32>} : memref<16x128xf32, #tpu.memory_space<vmem>>, vector<1x16xf32>,
    %get3A_2097 = vector.shape_cast %get3A_2096 : vector<1x16xf32> to vector<16xf32>
    %get3A_2098 = arith.constant 13 : i32
    %get3A_2099 = arith.index_cast %get3A_2098 : i32 to index
    %get3A_2100 = arith.constant 16 : index
    %get3A_2101 = tpu.vector_load %arg15[%get3A_2099, %get3A_2100] {strides = array<i32>} : memref<16x128xf32, #tpu.memory_space<vmem>>, vector<1x16xf32>,
    %get3A_2102 = vector.shape_cast %get3A_2101 : vector<1x16xf32> to vector<16xf32>
    %add3A_2103 = arith.addf %get3A_2097, %get3A_2102 : vector<16xf32>
    %mul3A_2104 = arith.mulf %add3A_2103, %add3A_2074 : vector<16xf32>
    %swap3A_2105 = arith.constant 13 : i32
    %swap3A_2106 = arith.index_cast %swap3A_2105 : i32 to index
    %swap3A_2107 = arith.constant 16 : index
    %swap3A_2108 = tpu.vector_load %arg14[%swap3A_2106, %swap3A_2107] {strides = array<i32>} : memref<16x128xf32, #tpu.memory_space<vmem>>, vector<1x16xf32>,
    %swap3A_2109 = vector.shape_cast %swap3A_2108 : vector<1x16xf32> to vector<16xf32>
    %swap3A_2110 = vector.shape_cast %mul3A_2104 : vector<16xf32> to vector<1x16xf32>
    tpu.vector_store %arg14[%swap3A_2106, %swap3A_2107], %swap3A_2110 {strides = array<i32>} : memref<16x128xf32, #tpu.memory_space<vmem>>, vector<1x16xf32>,
    %get3A_2111 = arith.constant 13 : i32
    %get3A_2112 = arith.index_cast %get3A_2111 : i32 to index
    %get3A_2113 = arith.constant 32 : index
    %get3A_2114 = tpu.vector_load %arg14[%get3A_2112, %get3A_2113] {strides = array<i32>} : memref<16x128xf32, #tpu.memory_space<vmem>>, vector<1x16xf32>,
    %get3A_2115 = vector.shape_cast %get3A_2114 : vector<1x16xf32> to vector<16xf32>
    %get3A_2116 = arith.constant 13 : i32
    %get3A_2117 = arith.index_cast %get3A_2116 : i32 to index
    %get3A_2118 = arith.constant 32 : index
    %get3A_2119 = tpu.vector_load %arg15[%get3A_2117, %get3A_2118] {strides = array<i32>} : memref<16x128xf32, #tpu.memory_space<vmem>>, vector<1x16xf32>,
    %get3A_2120 = vector.shape_cast %get3A_2119 : vector<1x16xf32> to vector<16xf32>
    %add3A_2121 = arith.addf %get3A_2115, %get3A_2120 : vector<16xf32>
    %mul3A_2122 = arith.mulf %add3A_2121, %add3A_2074 : vector<16xf32>
    %swap3A_2123 = arith.constant 13 : i32
    %swap3A_2124 = arith.index_cast %swap3A_2123 : i32 to index
    %swap3A_2125 = arith.constant 32 : index
    %swap3A_2126 = tpu.vector_load %arg14[%swap3A_2124, %swap3A_2125] {strides = array<i32>} : memref<16x128xf32, #tpu.memory_space<vmem>>, vector<1x16xf32>,
    %swap3A_2127 = vector.shape_cast %swap3A_2126 : vector<1x16xf32> to vector<16xf32>
    %swap3A_2128 = vector.shape_cast %mul3A_2122 : vector<16xf32> to vector<1x16xf32>
    tpu.vector_store %arg14[%swap3A_2124, %swap3A_2125], %swap3A_2128 {strides = array<i32>} : memref<16x128xf32, #tpu.memory_space<vmem>>, vector<1x16xf32>,
    %get3A_2129 = arith.constant 13 : i32
    %get3A_2130 = arith.index_cast %get3A_2129 : i32 to index
    %get3A_2131 = arith.constant 48 : index
    %get3A_2132 = tpu.vector_load %arg14[%get3A_2130, %get3A_2131] {strides = array<i32>} : memref<16x128xf32, #tpu.memory_space<vmem>>, vector<1x16xf32>,
    %get3A_2133 = vector.shape_cast %get3A_2132 : vector<1x16xf32> to vector<16xf32>
    %get3A_2134 = arith.constant 13 : i32
    %get3A_2135 = arith.index_cast %get3A_2134 : i32 to index
    %get3A_2136 = arith.constant 48 : index
    %get3A_2137 = tpu.vector_load %arg15[%get3A_2135, %get3A_2136] {strides = array<i32>} : memref<16x128xf32, #tpu.memory_space<vmem>>, vector<1x16xf32>,
    %get3A_2138 = vector.shape_cast %get3A_2137 : vector<1x16xf32> to vector<16xf32>
    %add3A_2139 = arith.addf %get3A_2133, %get3A_2138 : vector<16xf32>
    %mul3A_2140 = arith.mulf %add3A_2139, %add3A_2074 : vector<16xf32>
    %swap3A_2141 = arith.constant 13 : i32
    %swap3A_2142 = arith.index_cast %swap3A_2141 : i32 to index
    %swap3A_2143 = arith.constant 48 : index
    %swap3A_2144 = tpu.vector_load %arg14[%swap3A_2142, %swap3A_2143] {strides = array<i32>} : memref<16x128xf32, #tpu.memory_space<vmem>>, vector<1x16xf32>,
    %swap3A_2145 = vector.shape_cast %swap3A_2144 : vector<1x16xf32> to vector<16xf32>
    %swap3A_2146 = vector.shape_cast %mul3A_2140 : vector<16xf32> to vector<1x16xf32>
    tpu.vector_store %arg14[%swap3A_2142, %swap3A_2143], %swap3A_2146 {strides = array<i32>} : memref<16x128xf32, #tpu.memory_space<vmem>>, vector<1x16xf32>,
    %get3A_2147 = arith.constant 13 : i32
    %get3A_2148 = arith.index_cast %get3A_2147 : i32 to index
    %get3A_2149 = arith.constant 64 : index
    %get3A_2150 = tpu.vector_load %arg14[%get3A_2148, %get3A_2149] {strides = array<i32>} : memref<16x128xf32, #tpu.memory_space<vmem>>, vector<1x16xf32>,
    %get3A_2151 = vector.shape_cast %get3A_2150 : vector<1x16xf32> to vector<16xf32>
    %get3A_2152 = arith.constant 13 : i32
    %get3A_2153 = arith.index_cast %get3A_2152 : i32 to index
    %get3A_2154 = arith.constant 64 : index
    %get3A_2155 = tpu.vector_load %arg15[%get3A_2153, %get3A_2154] {strides = array<i32>} : memref<16x128xf32, #tpu.memory_space<vmem>>, vector<1x16xf32>,
    %get3A_2156 = vector.shape_cast %get3A_2155 : vector<1x16xf32> to vector<16xf32>
    %add3A_2157 = arith.addf %get3A_2151, %get3A_2156 : vector<16xf32>
    %mul3A_2158 = arith.mulf %add3A_2157, %add3A_2074 : vector<16xf32>
    %swap3A_2159 = arith.constant 13 : i32
    %swap3A_2160 = arith.index_cast %swap3A_2159 : i32 to index
    %swap3A_2161 = arith.constant 64 : index
    %swap3A_2162 = tpu.vector_load %arg14[%swap3A_2160, %swap3A_2161] {strides = array<i32>} : memref<16x128xf32, #tpu.memory_space<vmem>>, vector<1x16xf32>,
    %swap3A_2163 = vector.shape_cast %swap3A_2162 : vector<1x16xf32> to vector<16xf32>
    %swap3A_2164 = vector.shape_cast %mul3A_2158 : vector<16xf32> to vector<1x16xf32>
    tpu.vector_store %arg14[%swap3A_2160, %swap3A_2161], %swap3A_2164 {strides = array<i32>} : memref<16x128xf32, #tpu.memory_space<vmem>>, vector<1x16xf32>,
    %get3A_2165 = arith.constant 13 : i32
    %get3A_2166 = arith.index_cast %get3A_2165 : i32 to index
    %get3A_2167 = arith.constant 80 : index
    %get3A_2168 = tpu.vector_load %arg14[%get3A_2166, %get3A_2167] {strides = array<i32>} : memref<16x128xf32, #tpu.memory_space<vmem>>, vector<1x16xf32>,
    %get3A_2169 = vector.shape_cast %get3A_2168 : vector<1x16xf32> to vector<16xf32>
    %get3A_2170 = arith.constant 13 : i32
    %get3A_2171 = arith.index_cast %get3A_2170 : i32 to index
    %get3A_2172 = arith.constant 80 : index
    %get3A_2173 = tpu.vector_load %arg15[%get3A_2171, %get3A_2172] {strides = array<i32>} : memref<16x128xf32, #tpu.memory_space<vmem>>, vector<1x16xf32>,
    %get3A_2174 = vector.shape_cast %get3A_2173 : vector<1x16xf32> to vector<16xf32>
    %add3A_2175 = arith.addf %get3A_2169, %get3A_2174 : vector<16xf32>
    %mul3A_2176 = arith.mulf %add3A_2175, %add3A_2074 : vector<16xf32>
    %swap3A_2177 = arith.constant 13 : i32
    %swap3A_2178 = arith.index_cast %swap3A_2177 : i32 to index
    %swap3A_2179 = arith.constant 80 : index
    %swap3A_2180 = tpu.vector_load %arg14[%swap3A_2178, %swap3A_2179] {strides = array<i32>} : memref<16x128xf32, #tpu.memory_space<vmem>>, vector<1x16xf32>,
    %swap3A_2181 = vector.shape_cast %swap3A_2180 : vector<1x16xf32> to vector<16xf32>
    %swap3A_2182 = vector.shape_cast %mul3A_2176 : vector<16xf32> to vector<1x16xf32>
    tpu.vector_store %arg14[%swap3A_2178, %swap3A_2179], %swap3A_2182 {strides = array<i32>} : memref<16x128xf32, #tpu.memory_space<vmem>>, vector<1x16xf32>,
    %get3A_2183 = arith.constant 13 : i32
    %get3A_2184 = arith.index_cast %get3A_2183 : i32 to index
    %get3A_2185 = arith.constant 96 : index
    %get3A_2186 = tpu.vector_load %arg14[%get3A_2184, %get3A_2185] {strides = array<i32>} : memref<16x128xf32, #tpu.memory_space<vmem>>, vector<1x16xf32>,
    %get3A_2187 = vector.shape_cast %get3A_2186 : vector<1x16xf32> to vector<16xf32>
    %get3A_2188 = arith.constant 13 : i32
    %get3A_2189 = arith.index_cast %get3A_2188 : i32 to index
    %get3A_2190 = arith.constant 96 : index
    %get3A_2191 = tpu.vector_load %arg15[%get3A_2189, %get3A_2190] {strides = array<i32>} : memref<16x128xf32, #tpu.memory_space<vmem>>, vector<1x16xf32>,
    %get3A_2192 = vector.shape_cast %get3A_2191 : vector<1x16xf32> to vector<16xf32>
    %add3A_2193 = arith.addf %get3A_2187, %get3A_2192 : vector<16xf32>
    %mul3A_2194 = arith.mulf %add3A_2193, %add3A_2074 : vector<16xf32>
    %swap3A_2195 = arith.constant 13 : i32
    %swap3A_2196 = arith.index_cast %swap3A_2195 : i32 to index
    %swap3A_2197 = arith.constant 96 : index
    %swap3A_2198 = tpu.vector_load %arg14[%swap3A_2196, %swap3A_2197] {strides = array<i32>} : memref<16x128xf32, #tpu.memory_space<vmem>>, vector<1x16xf32>,
    %swap3A_2199 = vector.shape_cast %swap3A_2198 : vector<1x16xf32> to vector<16xf32>
    %swap3A_2200 = vector.shape_cast %mul3A_2194 : vector<16xf32> to vector<1x16xf32>
    tpu.vector_store %arg14[%swap3A_2196, %swap3A_2197], %swap3A_2200 {strides = array<i32>} : memref<16x128xf32, #tpu.memory_space<vmem>>, vector<1x16xf32>,
    %get3A_2201 = arith.constant 13 : i32
    %get3A_2202 = arith.index_cast %get3A_2201 : i32 to index
    %get3A_2203 = arith.constant 112 : index
    %get3A_2204 = tpu.vector_load %arg14[%get3A_2202, %get3A_2203] {strides = array<i32>} : memref<16x128xf32, #tpu.memory_space<vmem>>, vector<1x16xf32>,
    %get3A_2205 = vector.shape_cast %get3A_2204 : vector<1x16xf32> to vector<16xf32>
    %get3A_2206 = arith.constant 13 : i32
    %get3A_2207 = arith.index_cast %get3A_2206 : i32 to index
    %get3A_2208 = arith.constant 112 : index
    %get3A_2209 = tpu.vector_load %arg15[%get3A_2207, %get3A_2208] {strides = array<i32>} : memref<16x128xf32, #tpu.memory_space<vmem>>, vector<1x16xf32>,
    %get3A_2210 = vector.shape_cast %get3A_2209 : vector<1x16xf32> to vector<16xf32>
    %add3A_2211 = arith.addf %get3A_2205, %get3A_2210 : vector<16xf32>
    %mul3A_2212 = arith.mulf %add3A_2211, %add3A_2074 : vector<16xf32>
    %swap3A_2213 = arith.constant 13 : i32
    %swap3A_2214 = arith.index_cast %swap3A_2213 : i32 to index
    %swap3A_2215 = arith.constant 112 : index
    %swap3A_2216 = tpu.vector_load %arg14[%swap3A_2214, %swap3A_2215] {strides = array<i32>} : memref<16x128xf32, #tpu.memory_space<vmem>>, vector<1x16xf32>,
    %swap3A_2217 = vector.shape_cast %swap3A_2216 : vector<1x16xf32> to vector<16xf32>
    %swap3A_2218 = vector.shape_cast %mul3A_2212 : vector<16xf32> to vector<1x16xf32>
    tpu.vector_store %arg14[%swap3A_2214, %swap3A_2215], %swap3A_2218 {strides = array<i32>} : memref<16x128xf32, #tpu.memory_space<vmem>>, vector<1x16xf32>,
    %broadcast_in_dim3A_2219 = arith.constant 0.000000e+00 : f32
    %broadcast_in_dim3A_2220 = vector.broadcast %broadcast_in_dim3A_2219 : f32 to vector<16xf32>
    %slice3A_2221 = vector.extract_strided_slice %div3A_111 {offsets = [14], sizes = [1], strides = [1]} : vector<16xf32> to vector<1xf32>
    %squeeze3A_2222 = vector.extract %slice3A_2221[0] : f32 from vector<1xf32>
    %add3A_2223 = vector.broadcast %squeeze3A_2222 : f32 to vector<16xf32>
    %add3A_2224 = arith.addf %broadcast_in_dim3A_2220, %add3A_2223 : vector<16xf32>
    %get3A_2225 = arith.constant 14 : i32
    %get3A_2226 = arith.index_cast %get3A_2225 : i32 to index
    %get3A_2227 = arith.constant 0 : index
    %get3A_2228 = tpu.vector_load %arg14[%get3A_2226, %get3A_2227] {strides = array<i32>} : memref<16x128xf32, #tpu.memory_space<vmem>>, vector<1x16xf32>,
    %get3A_2229 = vector.shape_cast %get3A_2228 : vector<1x16xf32> to vector<16xf32>
    %get3A_2230 = arith.constant 14 : i32
    %get3A_2231 = arith.index_cast %get3A_2230 : i32 to index
    %get3A_2232 = arith.constant 0 : index
    %get3A_2233 = tpu.vector_load %arg15[%get3A_2231, %get3A_2232] {strides = array<i32>} : memref<16x128xf32, #tpu.memory_space<vmem>>, vector<1x16xf32>,
    %get3A_2234 = vector.shape_cast %get3A_2233 : vector<1x16xf32> to vector<16xf32>
    %add3A_2235 = arith.addf %get3A_2229, %get3A_2234 : vector<16xf32>
    %mul3A_2236 = arith.mulf %add3A_2235, %add3A_2224 : vector<16xf32>
    %swap3A_2237 = arith.constant 14 : i32
    %swap3A_2238 = arith.index_cast %swap3A_2237 : i32 to index
    %swap3A_2239 = arith.constant 0 : index
    %swap3A_2240 = tpu.vector_load %arg14[%swap3A_2238, %swap3A_2239] {strides = array<i32>} : memref<16x128xf32, #tpu.memory_space<vmem>>, vector<1x16xf32>,
    %swap3A_2241 = vector.shape_cast %swap3A_2240 : vector<1x16xf32> to vector<16xf32>
    %swap3A_2242 = vector.shape_cast %mul3A_2236 : vector<16xf32> to vector<1x16xf32>
    tpu.vector_store %arg14[%swap3A_2238, %swap3A_2239], %swap3A_2242 {strides = array<i32>} : memref<16x128xf32, #tpu.memory_space<vmem>>, vector<1x16xf32>,
    %get3A_2243 = arith.constant 14 : i32
    %get3A_2244 = arith.index_cast %get3A_2243 : i32 to index
    %get3A_2245 = arith.constant 16 : index
    %get3A_2246 = tpu.vector_load %arg14[%get3A_2244, %get3A_2245] {strides = array<i32>} : memref<16x128xf32, #tpu.memory_space<vmem>>, vector<1x16xf32>,
    %get3A_2247 = vector.shape_cast %get3A_2246 : vector<1x16xf32> to vector<16xf32>
    %get3A_2248 = arith.constant 14 : i32
    %get3A_2249 = arith.index_cast %get3A_2248 : i32 to index
    %get3A_2250 = arith.constant 16 : index
    %get3A_2251 = tpu.vector_load %arg15[%get3A_2249, %get3A_2250] {strides = array<i32>} : memref<16x128xf32, #tpu.memory_space<vmem>>, vector<1x16xf32>,
    %get3A_2252 = vector.shape_cast %get3A_2251 : vector<1x16xf32> to vector<16xf32>
    %add3A_2253 = arith.addf %get3A_2247, %get3A_2252 : vector<16xf32>
    %mul3A_2254 = arith.mulf %add3A_2253, %add3A_2224 : vector<16xf32>
    %swap3A_2255 = arith.constant 14 : i32
    %swap3A_2256 = arith.index_cast %swap3A_2255 : i32 to index
    %swap3A_2257 = arith.constant 16 : index
    %swap3A_2258 = tpu.vector_load %arg14[%swap3A_2256, %swap3A_2257] {strides = array<i32>} : memref<16x128xf32, #tpu.memory_space<vmem>>, vector<1x16xf32>,
    %swap3A_2259 = vector.shape_cast %swap3A_2258 : vector<1x16xf32> to vector<16xf32>
    %swap3A_2260 = vector.shape_cast %mul3A_2254 : vector<16xf32> to vector<1x16xf32>
    tpu.vector_store %arg14[%swap3A_2256, %swap3A_2257], %swap3A_2260 {strides = array<i32>} : memref<16x128xf32, #tpu.memory_space<vmem>>, vector<1x16xf32>,
    %get3A_2261 = arith.constant 14 : i32
    %get3A_2262 = arith.index_cast %get3A_2261 : i32 to index
    %get3A_2263 = arith.constant 32 : index
    %get3A_2264 = tpu.vector_load %arg14[%get3A_2262, %get3A_2263] {strides = array<i32>} : memref<16x128xf32, #tpu.memory_space<vmem>>, vector<1x16xf32>,
    %get3A_2265 = vector.shape_cast %get3A_2264 : vector<1x16xf32> to vector<16xf32>
    %get3A_2266 = arith.constant 14 : i32
    %get3A_2267 = arith.index_cast %get3A_2266 : i32 to index
    %get3A_2268 = arith.constant 32 : index
    %get3A_2269 = tpu.vector_load %arg15[%get3A_2267, %get3A_2268] {strides = array<i32>} : memref<16x128xf32, #tpu.memory_space<vmem>>, vector<1x16xf32>,
    %get3A_2270 = vector.shape_cast %get3A_2269 : vector<1x16xf32> to vector<16xf32>
    %add3A_2271 = arith.addf %get3A_2265, %get3A_2270 : vector<16xf32>
    %mul3A_2272 = arith.mulf %add3A_2271, %add3A_2224 : vector<16xf32>
    %swap3A_2273 = arith.constant 14 : i32
    %swap3A_2274 = arith.index_cast %swap3A_2273 : i32 to index
    %swap3A_2275 = arith.constant 32 : index
    %swap3A_2276 = tpu.vector_load %arg14[%swap3A_2274, %swap3A_2275] {strides = array<i32>} : memref<16x128xf32, #tpu.memory_space<vmem>>, vector<1x16xf32>,
    %swap3A_2277 = vector.shape_cast %swap3A_2276 : vector<1x16xf32> to vector<16xf32>
    %swap3A_2278 = vector.shape_cast %mul3A_2272 : vector<16xf32> to vector<1x16xf32>
    tpu.vector_store %arg14[%swap3A_2274, %swap3A_2275], %swap3A_2278 {strides = array<i32>} : memref<16x128xf32, #tpu.memory_space<vmem>>, vector<1x16xf32>,
    %get3A_2279 = arith.constant 14 : i32
    %get3A_2280 = arith.index_cast %get3A_2279 : i32 to index
    %get3A_2281 = arith.constant 48 : index
    %get3A_2282 = tpu.vector_load %arg14[%get3A_2280, %get3A_2281] {strides = array<i32>} : memref<16x128xf32, #tpu.memory_space<vmem>>, vector<1x16xf32>,
    %get3A_2283 = vector.shape_cast %get3A_2282 : vector<1x16xf32> to vector<16xf32>
    %get3A_2284 = arith.constant 14 : i32
    %get3A_2285 = arith.index_cast %get3A_2284 : i32 to index
    %get3A_2286 = arith.constant 48 : index
    %get3A_2287 = tpu.vector_load %arg15[%get3A_2285, %get3A_2286] {strides = array<i32>} : memref<16x128xf32, #tpu.memory_space<vmem>>, vector<1x16xf32>,
    %get3A_2288 = vector.shape_cast %get3A_2287 : vector<1x16xf32> to vector<16xf32>
    %add3A_2289 = arith.addf %get3A_2283, %get3A_2288 : vector<16xf32>
    %mul3A_2290 = arith.mulf %add3A_2289, %add3A_2224 : vector<16xf32>
    %swap3A_2291 = arith.constant 14 : i32
    %swap3A_2292 = arith.index_cast %swap3A_2291 : i32 to index
    %swap3A_2293 = arith.constant 48 : index
    %swap3A_2294 = tpu.vector_load %arg14[%swap3A_2292, %swap3A_2293] {strides = array<i32>} : memref<16x128xf32, #tpu.memory_space<vmem>>, vector<1x16xf32>,
    %swap3A_2295 = vector.shape_cast %swap3A_2294 : vector<1x16xf32> to vector<16xf32>
    %swap3A_2296 = vector.shape_cast %mul3A_2290 : vector<16xf32> to vector<1x16xf32>
    tpu.vector_store %arg14[%swap3A_2292, %swap3A_2293], %swap3A_2296 {strides = array<i32>} : memref<16x128xf32, #tpu.memory_space<vmem>>, vector<1x16xf32>,
    %get3A_2297 = arith.constant 14 : i32
    %get3A_2298 = arith.index_cast %get3A_2297 : i32 to index
    %get3A_2299 = arith.constant 64 : index
    %get3A_2300 = tpu.vector_load %arg14[%get3A_2298, %get3A_2299] {strides = array<i32>} : memref<16x128xf32, #tpu.memory_space<vmem>>, vector<1x16xf32>,
    %get3A_2301 = vector.shape_cast %get3A_2300 : vector<1x16xf32> to vector<16xf32>
    %get3A_2302 = arith.constant 14 : i32
    %get3A_2303 = arith.index_cast %get3A_2302 : i32 to index
    %get3A_2304 = arith.constant 64 : index
    %get3A_2305 = tpu.vector_load %arg15[%get3A_2303, %get3A_2304] {strides = array<i32>} : memref<16x128xf32, #tpu.memory_space<vmem>>, vector<1x16xf32>,
    %get3A_2306 = vector.shape_cast %get3A_2305 : vector<1x16xf32> to vector<16xf32>
    %add3A_2307 = arith.addf %get3A_2301, %get3A_2306 : vector<16xf32>
    %mul3A_2308 = arith.mulf %add3A_2307, %add3A_2224 : vector<16xf32>
    %swap3A_2309 = arith.constant 14 : i32
    %swap3A_2310 = arith.index_cast %swap3A_2309 : i32 to index
    %swap3A_2311 = arith.constant 64 : index
    %swap3A_2312 = tpu.vector_load %arg14[%swap3A_2310, %swap3A_2311] {strides = array<i32>} : memref<16x128xf32, #tpu.memory_space<vmem>>, vector<1x16xf32>,
    %swap3A_2313 = vector.shape_cast %swap3A_2312 : vector<1x16xf32> to vector<16xf32>
    %swap3A_2314 = vector.shape_cast %mul3A_2308 : vector<16xf32> to vector<1x16xf32>
    tpu.vector_store %arg14[%swap3A_2310, %swap3A_2311], %swap3A_2314 {strides = array<i32>} : memref<16x128xf32, #tpu.memory_space<vmem>>, vector<1x16xf32>,
    %get3A_2315 = arith.constant 14 : i32
    %get3A_2316 = arith.index_cast %get3A_2315 : i32 to index
    %get3A_2317 = arith.constant 80 : index
    %get3A_2318 = tpu.vector_load %arg14[%get3A_2316, %get3A_2317] {strides = array<i32>} : memref<16x128xf32, #tpu.memory_space<vmem>>, vector<1x16xf32>,
    %get3A_2319 = vector.shape_cast %get3A_2318 : vector<1x16xf32> to vector<16xf32>
    %get3A_2320 = arith.constant 14 : i32
    %get3A_2321 = arith.index_cast %get3A_2320 : i32 to index
    %get3A_2322 = arith.constant 80 : index
    %get3A_2323 = tpu.vector_load %arg15[%get3A_2321, %get3A_2322] {strides = array<i32>} : memref<16x128xf32, #tpu.memory_space<vmem>>, vector<1x16xf32>,
    %get3A_2324 = vector.shape_cast %get3A_2323 : vector<1x16xf32> to vector<16xf32>
    %add3A_2325 = arith.addf %get3A_2319, %get3A_2324 : vector<16xf32>
    %mul3A_2326 = arith.mulf %add3A_2325, %add3A_2224 : vector<16xf32>
    %swap3A_2327 = arith.constant 14 : i32
    %swap3A_2328 = arith.index_cast %swap3A_2327 : i32 to index
    %swap3A_2329 = arith.constant 80 : index
    %swap3A_2330 = tpu.vector_load %arg14[%swap3A_2328, %swap3A_2329] {strides = array<i32>} : memref<16x128xf32, #tpu.memory_space<vmem>>, vector<1x16xf32>,
    %swap3A_2331 = vector.shape_cast %swap3A_2330 : vector<1x16xf32> to vector<16xf32>
    %swap3A_2332 = vector.shape_cast %mul3A_2326 : vector<16xf32> to vector<1x16xf32>
    tpu.vector_store %arg14[%swap3A_2328, %swap3A_2329], %swap3A_2332 {strides = array<i32>} : memref<16x128xf32, #tpu.memory_space<vmem>>, vector<1x16xf32>,
    %get3A_2333 = arith.constant 14 : i32
    %get3A_2334 = arith.index_cast %get3A_2333 : i32 to index
    %get3A_2335 = arith.constant 96 : index
    %get3A_2336 = tpu.vector_load %arg14[%get3A_2334, %get3A_2335] {strides = array<i32>} : memref<16x128xf32, #tpu.memory_space<vmem>>, vector<1x16xf32>,
    %get3A_2337 = vector.shape_cast %get3A_2336 : vector<1x16xf32> to vector<16xf32>
    %get3A_2338 = arith.constant 14 : i32
    %get3A_2339 = arith.index_cast %get3A_2338 : i32 to index
    %get3A_2340 = arith.constant 96 : index
    %get3A_2341 = tpu.vector_load %arg15[%get3A_2339, %get3A_2340] {strides = array<i32>} : memref<16x128xf32, #tpu.memory_space<vmem>>, vector<1x16xf32>,
    %get3A_2342 = vector.shape_cast %get3A_2341 : vector<1x16xf32> to vector<16xf32>
    %add3A_2343 = arith.addf %get3A_2337, %get3A_2342 : vector<16xf32>
    %mul3A_2344 = arith.mulf %add3A_2343, %add3A_2224 : vector<16xf32>
    %swap3A_2345 = arith.constant 14 : i32
    %swap3A_2346 = arith.index_cast %swap3A_2345 : i32 to index
    %swap3A_2347 = arith.constant 96 : index
    %swap3A_2348 = tpu.vector_load %arg14[%swap3A_2346, %swap3A_2347] {strides = array<i32>} : memref<16x128xf32, #tpu.memory_space<vmem>>, vector<1x16xf32>,
    %swap3A_2349 = vector.shape_cast %swap3A_2348 : vector<1x16xf32> to vector<16xf32>
    %swap3A_2350 = vector.shape_cast %mul3A_2344 : vector<16xf32> to vector<1x16xf32>
    tpu.vector_store %arg14[%swap3A_2346, %swap3A_2347], %swap3A_2350 {strides = array<i32>} : memref<16x128xf32, #tpu.memory_space<vmem>>, vector<1x16xf32>,
    %get3A_2351 = arith.constant 14 : i32
    %get3A_2352 = arith.index_cast %get3A_2351 : i32 to index
    %get3A_2353 = arith.constant 112 : index
    %get3A_2354 = tpu.vector_load %arg14[%get3A_2352, %get3A_2353] {strides = array<i32>} : memref<16x128xf32, #tpu.memory_space<vmem>>, vector<1x16xf32>,
    %get3A_2355 = vector.shape_cast %get3A_2354 : vector<1x16xf32> to vector<16xf32>
    %get3A_2356 = arith.constant 14 : i32
    %get3A_2357 = arith.index_cast %get3A_2356 : i32 to index
    %get3A_2358 = arith.constant 112 : index
    %get3A_2359 = tpu.vector_load %arg15[%get3A_2357, %get3A_2358] {strides = array<i32>} : memref<16x128xf32, #tpu.memory_space<vmem>>, vector<1x16xf32>,
    %get3A_2360 = vector.shape_cast %get3A_2359 : vector<1x16xf32> to vector<16xf32>
    %add3A_2361 = arith.addf %get3A_2355, %get3A_2360 : vector<16xf32>
    %mul3A_2362 = arith.mulf %add3A_2361, %add3A_2224 : vector<16xf32>
    %swap3A_2363 = arith.constant 14 : i32
    %swap3A_2364 = arith.index_cast %swap3A_2363 : i32 to index
    %swap3A_2365 = arith.constant 112 : index
    %swap3A_2366 = tpu.vector_load %arg14[%swap3A_2364, %swap3A_2365] {strides = array<i32>} : memref<16x128xf32, #tpu.memory_space<vmem>>, vector<1x16xf32>,
    %swap3A_2367 = vector.shape_cast %swap3A_2366 : vector<1x16xf32> to vector<16xf32>
    %swap3A_2368 = vector.shape_cast %mul3A_2362 : vector<16xf32> to vector<1x16xf32>
    tpu.vector_store %arg14[%swap3A_2364, %swap3A_2365], %swap3A_2368 {strides = array<i32>} : memref<16x128xf32, #tpu.memory_space<vmem>>, vector<1x16xf32>,
    %broadcast_in_dim3A_2369 = arith.constant 0.000000e+00 : f32
    %broadcast_in_dim3A_2370 = vector.broadcast %broadcast_in_dim3A_2369 : f32 to vector<16xf32>
    %slice3A_2371 = vector.extract_strided_slice %div3A_111 {offsets = [15], sizes = [1], strides = [1]} : vector<16xf32> to vector<1xf32>
    %squeeze3A_2372 = vector.extract %slice3A_2371[0] : f32 from vector<1xf32>
    %add3A_2373 = vector.broadcast %squeeze3A_2372 : f32 to vector<16xf32>
    %add3A_2374 = arith.addf %broadcast_in_dim3A_2370, %add3A_2373 : vector<16xf32>
    %get3A_2375 = arith.constant 15 : i32
    %get3A_2376 = arith.index_cast %get3A_2375 : i32 to index
    %get3A_2377 = arith.constant 0 : index
    %get3A_2378 = tpu.vector_load %arg14[%get3A_2376, %get3A_2377] {strides = array<i32>} : memref<16x128xf32, #tpu.memory_space<vmem>>, vector<1x16xf32>,
    %get3A_2379 = vector.shape_cast %get3A_2378 : vector<1x16xf32> to vector<16xf32>
    %get3A_2380 = arith.constant 15 : i32
    %get3A_2381 = arith.index_cast %get3A_2380 : i32 to index
    %get3A_2382 = arith.constant 0 : index
    %get3A_2383 = tpu.vector_load %arg15[%get3A_2381, %get3A_2382] {strides = array<i32>} : memref<16x128xf32, #tpu.memory_space<vmem>>, vector<1x16xf32>,
    %get3A_2384 = vector.shape_cast %get3A_2383 : vector<1x16xf32> to vector<16xf32>
    %add3A_2385 = arith.addf %get3A_2379, %get3A_2384 : vector<16xf32>
    %mul3A_2386 = arith.mulf %add3A_2385, %add3A_2374 : vector<16xf32>
    %swap3A_2387 = arith.constant 15 : i32
    %swap3A_2388 = arith.index_cast %swap3A_2387 : i32 to index
    %swap3A_2389 = arith.constant 0 : index
    %swap3A_2390 = tpu.vector_load %arg14[%swap3A_2388, %swap3A_2389] {strides = array<i32>} : memref<16x128xf32, #tpu.memory_space<vmem>>, vector<1x16xf32>,
    %swap3A_2391 = vector.shape_cast %swap3A_2390 : vector<1x16xf32> to vector<16xf32>
    %swap3A_2392 = vector.shape_cast %mul3A_2386 : vector<16xf32> to vector<1x16xf32>
    tpu.vector_store %arg14[%swap3A_2388, %swap3A_2389], %swap3A_2392 {strides = array<i32>} : memref<16x128xf32, #tpu.memory_space<vmem>>, vector<1x16xf32>,
    %get3A_2393 = arith.constant 15 : i32
    %get3A_2394 = arith.index_cast %get3A_2393 : i32 to index
    %get3A_2395 = arith.constant 16 : index
    %get3A_2396 = tpu.vector_load %arg14[%get3A_2394, %get3A_2395] {strides = array<i32>} : memref<16x128xf32, #tpu.memory_space<vmem>>, vector<1x16xf32>,
    %get3A_2397 = vector.shape_cast %get3A_2396 : vector<1x16xf32> to vector<16xf32>
    %get3A_2398 = arith.constant 15 : i32
    %get3A_2399 = arith.index_cast %get3A_2398 : i32 to index
    %get3A_2400 = arith.constant 16 : index
    %get3A_2401 = tpu.vector_load %arg15[%get3A_2399, %get3A_2400] {strides = array<i32>} : memref<16x128xf32, #tpu.memory_space<vmem>>, vector<1x16xf32>,
    %get3A_2402 = vector.shape_cast %get3A_2401 : vector<1x16xf32> to vector<16xf32>
    %add3A_2403 = arith.addf %get3A_2397, %get3A_2402 : vector<16xf32>
    %mul3A_2404 = arith.mulf %add3A_2403, %add3A_2374 : vector<16xf32>
    %swap3A_2405 = arith.constant 15 : i32
    %swap3A_2406 = arith.index_cast %swap3A_2405 : i32 to index
    %swap3A_2407 = arith.constant 16 : index
    %swap3A_2408 = tpu.vector_load %arg14[%swap3A_2406, %swap3A_2407] {strides = array<i32>} : memref<16x128xf32, #tpu.memory_space<vmem>>, vector<1x16xf32>,
    %swap3A_2409 = vector.shape_cast %swap3A_2408 : vector<1x16xf32> to vector<16xf32>
    %swap3A_2410 = vector.shape_cast %mul3A_2404 : vector<16xf32> to vector<1x16xf32>
    tpu.vector_store %arg14[%swap3A_2406, %swap3A_2407], %swap3A_2410 {strides = array<i32>} : memref<16x128xf32, #tpu.memory_space<vmem>>, vector<1x16xf32>,
    %get3A_2411 = arith.constant 15 : i32
    %get3A_2412 = arith.index_cast %get3A_2411 : i32 to index
    %get3A_2413 = arith.constant 32 : index
    %get3A_2414 = tpu.vector_load %arg14[%get3A_2412, %get3A_2413] {strides = array<i32>} : memref<16x128xf32, #tpu.memory_space<vmem>>, vector<1x16xf32>,
    %get3A_2415 = vector.shape_cast %get3A_2414 : vector<1x16xf32> to vector<16xf32>
    %get3A_2416 = arith.constant 15 : i32
    %get3A_2417 = arith.index_cast %get3A_2416 : i32 to index
    %get3A_2418 = arith.constant 32 : index
    %get3A_2419 = tpu.vector_load %arg15[%get3A_2417, %get3A_2418] {strides = array<i32>} : memref<16x128xf32, #tpu.memory_space<vmem>>, vector<1x16xf32>,
    %get3A_2420 = vector.shape_cast %get3A_2419 : vector<1x16xf32> to vector<16xf32>
    %add3A_2421 = arith.addf %get3A_2415, %get3A_2420 : vector<16xf32>
    %mul3A_2422 = arith.mulf %add3A_2421, %add3A_2374 : vector<16xf32>
    %swap3A_2423 = arith.constant 15 : i32
    %swap3A_2424 = arith.index_cast %swap3A_2423 : i32 to index
    %swap3A_2425 = arith.constant 32 : index
    %swap3A_2426 = tpu.vector_load %arg14[%swap3A_2424, %swap3A_2425] {strides = array<i32>} : memref<16x128xf32, #tpu.memory_space<vmem>>, vector<1x16xf32>,
    %swap3A_2427 = vector.shape_cast %swap3A_2426 : vector<1x16xf32> to vector<16xf32>
    %swap3A_2428 = vector.shape_cast %mul3A_2422 : vector<16xf32> to vector<1x16xf32>
    tpu.vector_store %arg14[%swap3A_2424, %swap3A_2425], %swap3A_2428 {strides = array<i32>} : memref<16x128xf32, #tpu.memory_space<vmem>>, vector<1x16xf32>,
    %get3A_2429 = arith.constant 15 : i32
    %get3A_2430 = arith.index_cast %get3A_2429 : i32 to index
    %get3A_2431 = arith.constant 48 : index
    %get3A_2432 = tpu.vector_load %arg14[%get3A_2430, %get3A_2431] {strides = array<i32>} : memref<16x128xf32, #tpu.memory_space<vmem>>, vector<1x16xf32>,
    %get3A_2433 = vector.shape_cast %get3A_2432 : vector<1x16xf32> to vector<16xf32>
    %get3A_2434 = arith.constant 15 : i32
    %get3A_2435 = arith.index_cast %get3A_2434 : i32 to index
    %get3A_2436 = arith.constant 48 : index
    %get3A_2437 = tpu.vector_load %arg15[%get3A_2435, %get3A_2436] {strides = array<i32>} : memref<16x128xf32, #tpu.memory_space<vmem>>, vector<1x16xf32>,
    %get3A_2438 = vector.shape_cast %get3A_2437 : vector<1x16xf32> to vector<16xf32>
    %add3A_2439 = arith.addf %get3A_2433, %get3A_2438 : vector<16xf32>
    %mul3A_2440 = arith.mulf %add3A_2439, %add3A_2374 : vector<16xf32>
    %swap3A_2441 = arith.constant 15 : i32
    %swap3A_2442 = arith.index_cast %swap3A_2441 : i32 to index
    %swap3A_2443 = arith.constant 48 : index
    %swap3A_2444 = tpu.vector_load %arg14[%swap3A_2442, %swap3A_2443] {strides = array<i32>} : memref<16x128xf32, #tpu.memory_space<vmem>>, vector<1x16xf32>,
    %swap3A_2445 = vector.shape_cast %swap3A_2444 : vector<1x16xf32> to vector<16xf32>
    %swap3A_2446 = vector.shape_cast %mul3A_2440 : vector<16xf32> to vector<1x16xf32>
    tpu.vector_store %arg14[%swap3A_2442, %swap3A_2443], %swap3A_2446 {strides = array<i32>} : memref<16x128xf32, #tpu.memory_space<vmem>>, vector<1x16xf32>,
    %get3A_2447 = arith.constant 15 : i32
    %get3A_2448 = arith.index_cast %get3A_2447 : i32 to index
    %get3A_2449 = arith.constant 64 : index
    %get3A_2450 = tpu.vector_load %arg14[%get3A_2448, %get3A_2449] {strides = array<i32>} : memref<16x128xf32, #tpu.memory_space<vmem>>, vector<1x16xf32>,
    %get3A_2451 = vector.shape_cast %get3A_2450 : vector<1x16xf32> to vector<16xf32>
    %get3A_2452 = arith.constant 15 : i32
    %get3A_2453 = arith.index_cast %get3A_2452 : i32 to index
    %get3A_2454 = arith.constant 64 : index
    %get3A_2455 = tpu.vector_load %arg15[%get3A_2453, %get3A_2454] {strides = array<i32>} : memref<16x128xf32, #tpu.memory_space<vmem>>, vector<1x16xf32>,
    %get3A_2456 = vector.shape_cast %get3A_2455 : vector<1x16xf32> to vector<16xf32>
    %add3A_2457 = arith.addf %get3A_2451, %get3A_2456 : vector<16xf32>
    %mul3A_2458 = arith.mulf %add3A_2457, %add3A_2374 : vector<16xf32>
    %swap3A_2459 = arith.constant 15 : i32
    %swap3A_2460 = arith.index_cast %swap3A_2459 : i32 to index
    %swap3A_2461 = arith.constant 64 : index
    %swap3A_2462 = tpu.vector_load %arg14[%swap3A_2460, %swap3A_2461] {strides = array<i32>} : memref<16x128xf32, #tpu.memory_space<vmem>>, vector<1x16xf32>,
    %swap3A_2463 = vector.shape_cast %swap3A_2462 : vector<1x16xf32> to vector<16xf32>
    %swap3A_2464 = vector.shape_cast %mul3A_2458 : vector<16xf32> to vector<1x16xf32>
    tpu.vector_store %arg14[%swap3A_2460, %swap3A_2461], %swap3A_2464 {strides = array<i32>} : memref<16x128xf32, #tpu.memory_space<vmem>>, vector<1x16xf32>,
    %get3A_2465 = arith.constant 15 : i32
    %get3A_2466 = arith.index_cast %get3A_2465 : i32 to index
    %get3A_2467 = arith.constant 80 : index
    %get3A_2468 = tpu.vector_load %arg14[%get3A_2466, %get3A_2467] {strides = array<i32>} : memref<16x128xf32, #tpu.memory_space<vmem>>, vector<1x16xf32>,
    %get3A_2469 = vector.shape_cast %get3A_2468 : vector<1x16xf32> to vector<16xf32>
    %get3A_2470 = arith.constant 15 : i32
    %get3A_2471 = arith.index_cast %get3A_2470 : i32 to index
    %get3A_2472 = arith.constant 80 : index
    %get3A_2473 = tpu.vector_load %arg15[%get3A_2471, %get3A_2472] {strides = array<i32>} : memref<16x128xf32, #tpu.memory_space<vmem>>, vector<1x16xf32>,
    %get3A_2474 = vector.shape_cast %get3A_2473 : vector<1x16xf32> to vector<16xf32>
    %add3A_2475 = arith.addf %get3A_2469, %get3A_2474 : vector<16xf32>
    %mul3A_2476 = arith.mulf %add3A_2475, %add3A_2374 : vector<16xf32>
    %swap3A_2477 = arith.constant 15 : i32
    %swap3A_2478 = arith.index_cast %swap3A_2477 : i32 to index
    %swap3A_2479 = arith.constant 80 : index
    %swap3A_2480 = tpu.vector_load %arg14[%swap3A_2478, %swap3A_2479] {strides = array<i32>} : memref<16x128xf32, #tpu.memory_space<vmem>>, vector<1x16xf32>,
    %swap3A_2481 = vector.shape_cast %swap3A_2480 : vector<1x16xf32> to vector<16xf32>
    %swap3A_2482 = vector.shape_cast %mul3A_2476 : vector<16xf32> to vector<1x16xf32>
    tpu.vector_store %arg14[%swap3A_2478, %swap3A_2479], %swap3A_2482 {strides = array<i32>} : memref<16x128xf32, #tpu.memory_space<vmem>>, vector<1x16xf32>,
    %get3A_2483 = arith.constant 15 : i32
    %get3A_2484 = arith.index_cast %get3A_2483 : i32 to index
    %get3A_2485 = arith.constant 96 : index
    %get3A_2486 = tpu.vector_load %arg14[%get3A_2484, %get3A_2485] {strides = array<i32>} : memref<16x128xf32, #tpu.memory_space<vmem>>, vector<1x16xf32>,
    %get3A_2487 = vector.shape_cast %get3A_2486 : vector<1x16xf32> to vector<16xf32>
    %get3A_2488 = arith.constant 15 : i32
    %get3A_2489 = arith.index_cast %get3A_2488 : i32 to index
    %get3A_2490 = arith.constant 96 : index
    %get3A_2491 = tpu.vector_load %arg15[%get3A_2489, %get3A_2490] {strides = array<i32>} : memref<16x128xf32, #tpu.memory_space<vmem>>, vector<1x16xf32>,
    %get3A_2492 = vector.shape_cast %get3A_2491 : vector<1x16xf32> to vector<16xf32>
    %add3A_2493 = arith.addf %get3A_2487, %get3A_2492 : vector<16xf32>
    %mul3A_2494 = arith.mulf %add3A_2493, %add3A_2374 : vector<16xf32>
    %swap3A_2495 = arith.constant 15 : i32
    %swap3A_2496 = arith.index_cast %swap3A_2495 : i32 to index
    %swap3A_2497 = arith.constant 96 : index
    %swap3A_2498 = tpu.vector_load %arg14[%swap3A_2496, %swap3A_2497] {strides = array<i32>} : memref<16x128xf32, #tpu.memory_space<vmem>>, vector<1x16xf32>,
    %swap3A_2499 = vector.shape_cast %swap3A_2498 : vector<1x16xf32> to vector<16xf32>
    %swap3A_2500 = vector.shape_cast %mul3A_2494 : vector<16xf32> to vector<1x16xf32>
    tpu.vector_store %arg14[%swap3A_2496, %swap3A_2497], %swap3A_2500 {strides = array<i32>} : memref<16x128xf32, #tpu.memory_space<vmem>>, vector<1x16xf32>,
    %get3A_2501 = arith.constant 15 : i32
    %get3A_2502 = arith.index_cast %get3A_2501 : i32 to index
    %get3A_2503 = arith.constant 112 : index
    %get3A_2504 = tpu.vector_load %arg14[%get3A_2502, %get3A_2503] {strides = array<i32>} : memref<16x128xf32, #tpu.memory_space<vmem>>, vector<1x16xf32>,
    %get3A_2505 = vector.shape_cast %get3A_2504 : vector<1x16xf32> to vector<16xf32>
    %get3A_2506 = arith.constant 15 : i32
    %get3A_2507 = arith.index_cast %get3A_2506 : i32 to index
    %get3A_2508 = arith.constant 112 : index
    %get3A_2509 = tpu.vector_load %arg15[%get3A_2507, %get3A_2508] {strides = array<i32>} : memref<16x128xf32, #tpu.memory_space<vmem>>, vector<1x16xf32>,
    %get3A_2510 = vector.shape_cast %get3A_2509 : vector<1x16xf32> to vector<16xf32>
    %add3A_2511 = arith.addf %get3A_2505, %get3A_2510 : vector<16xf32>
    %mul3A_2512 = arith.mulf %add3A_2511, %add3A_2374 : vector<16xf32>
    %swap3A_2513 = arith.constant 15 : i32
    %swap3A_2514 = arith.index_cast %swap3A_2513 : i32 to index
    %swap3A_2515 = arith.constant 112 : index
    %swap3A_2516 = tpu.vector_load %arg14[%swap3A_2514, %swap3A_2515] {strides = array<i32>} : memref<16x128xf32, #tpu.memory_space<vmem>>, vector<1x16xf32>,
    %swap3A_2517 = vector.shape_cast %swap3A_2516 : vector<1x16xf32> to vector<16xf32>
    %swap3A_2518 = vector.shape_cast %mul3A_2512 : vector<16xf32> to vector<1x16xf32>
    tpu.vector_store %arg14[%swap3A_2514, %swap3A_2515], %swap3A_2518 {strides = array<i32>} : memref<16x128xf32, #tpu.memory_space<vmem>>, vector<1x16xf32>,
    "tpu.region"() ({
      %run_scoped3A = tpu.sem_alloc : memref<!tpu.dma_semaphore, #tpu.memory_space<semaphore_mem>>
      %dma_start3A_2519 = arith.constant 0 : i32
      %dma_start3A_2520 = tpu.memref_slice %arg5[%add3A_24, %dma_start3A_2519] : memref<512x128xf32, #tpu.memory_space<hbm>> -> memref<16x128xf32, #tpu.memory_space<hbm>>
      %dma_start3A_2521 = arith.constant 0 : i32
      %dma_start3A_2522 = tpu.memref_slice %arg5[%add3A_24, %dma_start3A_2521] : memref<512x128xf32, #tpu.memory_space<hbm>> -> memref<16x128xf32, #tpu.memory_space<hbm>>
      tpu.enqueue_dma source(%arg14 : memref<16x128xf32, #tpu.memory_space<vmem>>) target(%dma_start3A_2522 : memref<16x128xf32, #tpu.memory_space<hbm>>) target_semaphore(%run_scoped3A : memref<!tpu.dma_semaphore, #tpu.memory_space<semaphore_mem>>)
      %dma_wait3A_2523 = arith.constant 0 : i32
      %dma_wait3A_2524 = tpu.memref_slice %arg5[%add3A_24, %dma_wait3A_2523] : memref<512x128xf32, #tpu.memory_space<hbm>> -> memref<16x128xf32, #tpu.memory_space<hbm>>
      %dma_wait3A_2525 = arith.constant 0 : i32
      %dma_wait3A_2526 = tpu.memref_slice %arg5[%add3A_24, %dma_wait3A_2525] : memref<512x128xf32, #tpu.memory_space<hbm>> -> memref<16x128xf32, #tpu.memory_space<hbm>>
      tpu.wait_dma2 semaphore(%run_scoped3A : memref<!tpu.dma_semaphore, #tpu.memory_space<semaphore_mem>>) src(%arg14 : memref<16x128xf32, #tpu.memory_space<vmem>>) dst(%dma_wait3A_2526 : memref<16x128xf32, #tpu.memory_space<hbm>>)
      tpu.yield
    }) : () -> ()
    return
  }
}

</mosaic_0001>

<sc_bundles>
// kernel: kernel.3.cloned.1.call-start
scs
__scs_entry_jumppad:
0x0: {  	(pc) =	sbr.rel $0x88, $3  }
0x1: {  	(tag) =	ssettag $0x0;
	lr =	simm.s32 $0x1  }
0x2: {  	[smem:$0x3F9F] =	sst lr;
	_ =	strace $0xD0000000  }
0x3: {  	_ = 	snop  }
0x4: {  	_ = 	snop  }
0x5: {  	_ = 	snop  }
0x6: {  	_ = 	snop  }
0x7: {  	_ = 	snop  }
__scs_overlays_trampoline_lowered:
0x8: {  	[smem:$0x3FAE] =	sst s0  }
0x9: {  	[smem:$0x3FAF] =	sst s1  }
0xa: {  	[smem:$0x3FB0] =	sst s2  }
0xb: {  	[smem:$0x3FB1] =	sst s3  }
0xc: {  	[smem:$0x3FB2] =	sst s4  }
0xd: {  	[smem:$0x3FB3] =	sst s5  }
0xe: {  	[smem:$0x3FB4] =	sst s6  }
0xf: {  	[smem:$0x3FB5] =	sst s7  }
0x10: {  	[smem:$0x3FB6] =	sst s8  }
0x11: {  	[smem:$0x3FB7] =	sst s9;
	s0 =	simm.s32 @!p0 $0x0  }
0x12: {  	s1 =	sld [smem:$0x3F9D];
	s0 =	simm.s32 @p0 $0x1  }
0x13: {  	[smem:$0x3FB8] =	sst s0;
	s0 =	simm.s32 @!p1 $0x0  }
0x14: {  	s2 =	sld [smem:$0x3F9C];
	s0 =	simm.s32 @p1 $0x1  }
0x15: {  	[smem:$0x3FB9] =	sst s0;
	s0 =	simm.s32 @!p2 $0x0  }
0x16: {  	s3 =	sld [smem:$0x3FDB];
	s0 =	simm.s32 @p2 $0x1  }
0x17: {  	s4 =	simm.s32 $0x1BF5;
	[smem:$0x3FBB] =	sst s0  }
0x18: {  	s0 =	sld [smem:$0x3F9E];
	_ =	swait.ge [sflag:s4], $0x0  }
0x19: {  	s7 =	sld [smem:$0x3F9F]  }
0x1a: {  	s8 =	sadd.s32 $0xFFFFE003, lr  }
0x1b: {  	s9 =	sadd.s32 $0xFFFFFEF7, lr;
	s5 =	simm.s32 $0xFFFFFFFF;
	p2 =	slt.u32 s8, $0xFFFFF086  }
0x1c: {  	p1 =	slt.u32 s9, $0xF7A;
	s5 =	simm.s32 @!p2 $0x0  }
0x1d: {  	s5 =	simm.s32 @p1 $0x1;
	p0 =	seq.s32 s7, s2  }
0x1e: {  	s7 =	smul.u32 @!p0 $0xF7A, s2;
	p2 =	seq.s32 @!p0 s5, $0x0  }
0x1f: {  	s9 =	smul.u32 $0xF7A, s1;
	s8 =	simm.s32 @!p0 $0x1BF5;
	p2 =	por !p2, p0  }
0x20: {  	[sflag:s8] =	ssyncset.s32 @!p0 $0xFFFFF086;
	s6 =	sadd.s32 @!p0 s3, s7;
	s7 =	simm.s32 @!p0 $0x108  }
0x21: {  	s3 =	sadd.s32 s3, s9;
	s6 =	sadd.s32 @!p0 $0x88, s6;
	s7 =	simm.s32 @p2 $0x1082  }
0x22: {  	[simem:s7], [sflag:s8] =	dma.local @!p0 [hbm:s6], $0xF7A  }
0x23: {  	s9 =	sor.u32 $0xD0000000, s2;
	s6 =	simm.s32 $0x108;
	_ =	swait.ge @!p0 [sflag:s8], $0x0  }
0x24: {  	s3 =	sadd.s32 $0x88, s3;
	s6 =	simm.s32 @!p1 $0x1082;
	[sflag:s4] =	ssyncset.s32 $0xFFFFF086  }
0x25: {  	[simem:s6], [sflag:s4] =	dma.local [hbm:s3], $0xF7A  }
0x26: {  	[smem:$0x3F9F] =	sst s1;
	(tag) =	ssettag s2;
	_ =	strace s9  }
0x27: {  	s1 =	sld [smem:$0x3FAF]  }
0x28: {  	s2 =	sld [smem:$0x3FB0]  }
0x29: {  	s4 =	sld [smem:$0x3FB2]  }
0x2a: {  	p0 =	seq.s32 s5, $0x0;
	s5 =	sld [smem:$0x3FB3]  }
0x2b: {  	s6 =	sld [smem:$0x3FB4]  }
0x2c: {  	s7 =	sld [smem:$0x3FB5]  }
0x2d: {  	s3 =	simm.s32 $0x108;
	s8 =	sld [smem:$0x3FB6]  }
0x2e: {  	s3 =	simm.s32 @!p0 $0x1082;
	s9 =	sld [smem:$0x3FB7]  }
0x2f: {  	lr =	sadd.s32 s0, s3;
	s0 =	sld [smem:$0x3FAE]  }
0x30: {  	s3 =	sld [smem:$0x3FB1]  }
0x31: {  	[smem:$0x3FBA] =	sst s10  }
0x32: {  	s10 =	sld [smem:$0x3FB8];
	_ =	sdelay $0x3  }
0x33: {  	p0 =	seq.s32 s10, $0x1;
	s10 =	sld [smem:$0x3FBA];
	_ =	sdelay $0x3  }
0x34: {  	[smem:$0x3FBA] =	sst s10  }
0x35: {  	s10 =	sld [smem:$0x3FB9];
	_ =	sdelay $0x3  }
0x36: {  	p1 =	seq.s32 s10, $0x1;
	s10 =	sld [smem:$0x3FBA];
	_ =	sdelay $0x3  }
0x37: {  	[smem:$0x3FBA] =	sst s10  }
0x38: {  	s10 =	sld [smem:$0x3FBB]  }
0x39: {  	_ = 	snop;
	(pc) =	sbr.ind lr, $3  }
0x3a: {  	_ = 	snop  }
0x3b: {  	_ = 	snop  }
0x3c: {  	p2 =	seq.s32 s10, $0x1;
	s10 =	sld [smem:$0x3FBA]  }
0x3d: {  	_ =	shalt  }
0x3e: {  	_ =	shalt  }
0x3f: {  	_ =	shalt  }
0x40: {  	_ =	shalt  }
0x41: {  	_ =	shalt  }
0x42: {  	_ =	shalt  }
0x43: {  	_ =	shalt  }
0x44: {  	_ =	shalt  }
0x45: {  	_ =	shalt  }
0x46: {  	_ =	shalt  }
0x47: {  	_ =	shalt  }
0x48: {  	_ =	shalt  }
0x49: {  	_ =	shalt  }
0x4a: {  	_ =	shalt  }
0x4b: {  	_ =	shalt  }
0x4c: {  	_ =	shalt  }
0x4d: {  	_ =	shalt  }
0x4e: {  	_ =	shalt  }
0x4f: {  	_ =	shalt  }
0x50: {  	_ =	shalt  }
0x51: {  	_ =	shalt  }
0x52: {  	_ =	shalt  }
0x53: {  	_ =	shalt  }
0x54: {  	_ =	shalt  }
0x55: {  	_ =	shalt  }
0x56: {  	_ =	shalt  }
0x57: {  	_ =	shalt  }
0x58: {  	_ =	shalt  }
0x59: {  	_ =	shalt  }
0x5a: {  	_ =	shalt  }
0x5b: {  	_ =	shalt  }
0x5c: {  	_ =	shalt  }
0x5d: {  	_ =	shalt  }
0x5e: {  	_ =	shalt  }
0x5f: {  	_ =	shalt  }
0x60: {  	_ =	shalt  }
0x61: {  	_ =	shalt  }
0x62: {  	_ =	shalt  }
0x63: {  	_ =	shalt  }
0x64: {  	_ =	shalt  }
0x65: {  	_ =	shalt  }
0x66: {  	_ =	shalt  }
0x67: {  	_ =	shalt  }
0x68: {  	_ =	shalt  }
0x69: {  	_ =	shalt  }
0x6a: {  	_ =	shalt  }
0x6b: {  	_ =	shalt  }
0x6c: {  	_ =	shalt  }
0x6d: {  	_ =	shalt  }
0x6e: {  	_ =	shalt  }
0x6f: {  	_ =	shalt  }
0x70: {  	_ =	shalt  }
0x71: {  	_ =	shalt  }
0x72: {  	_ =	shalt  }
0x73: {  	_ =	shalt  }
0x74: {  	_ =	shalt  }
0x75: {  	_ =	shalt  }
0x76: {  	_ =	shalt  }
0x77: {  	_ =	shalt  }
0x78: {  	_ =	shalt  }
0x79: {  	_ =	shalt  }
0x7a: {  	_ =	shalt  }
0x7b: {  	_ =	shalt  }
0x7c: {  	_ =	shalt  }
0x7d: {  	_ =	shalt  }
0x7e: {  	_ =	shalt  }
0x7f: {  	_ =	shalt  }
0x80: {  	_ =	shalt  }
0x81: {  	_ =	shalt  }
0x82: {  	_ =	shalt  }
0x83: {  	_ =	shalt  }
0x84: {  	_ =	shalt  }
0x85: {  	_ =	shalt  }
0x86: {  	_ =	shalt  }
0x87: {  	_ =	shalt  }
.Lfunc_end0:
.L_simem_size_0:
called_computation_lowered:
.L_overlay_start_0:
0x88: {  	s2 =	sld [smem:$0x3FD9]  }
0x89: {  	s3 =	sld [smem:$0x3FFE];
	_ =	sdelay $0x1  }
0x8a: {  	s1 =	srdreg.scid  }
0x8b: {  	s0 =	sand.u32 $0x1, s1  }
0x8c: {  	s17 =	sshll.u32 s0, $0xA;
	s2 =	sadd.s32 s3, s2  }
0x8d: {  	s2 =	sadd.s32 s2, s17  }
0x8e: {  	[smem:$0x3FC6] =	sst s2  }
0x8f: {  	_ = 	snop  }
0x90: {  	s2 =	sld [smem:$0x3FC9]  }
0x91: {  	s18 =	sld [smem:$0x3FC8]  }
0x92: {  	s4 =	sld [smem:$0x3FD0];
	(tm) =	ssettm $0x1  }
0x93: {  	s5 =	sld [smem:$0x3FFB];
	_ =	sdelay $0x3  }
0x94: {  	_ =	strace s5  }
0x95: {  	s5 =	sld [smem:$0x3FFC];
	_ =	sdelay $0x3  }
0x96: {  	_ =	strace s5  }
0x97: {  	s5 =	sld [smem:$0x3FFD];
	_ =	sdelay $0x3  }
0x98: {  	_ =	strace s5  }
0x99: {  	_ =	strace $0x8FFFFFFF  }
0x9a: {  	s19 =	sld [smem:$0x3FDB];
	_ =	sdelay $0x1  }
0x9b: {  	s6 =	simm.s32 $_scs_section_size  }
0x9c: {  	s7 =	simm.s32 $_size__tile_overlayer_lowered;
	s8 =	simm.s32 $_tile_overlayer_lowered  }
0x9d: {  	s22 =	simm.s32 $0x1BFF;
	s21 =	sshll.u32 s8, $0x1;
	s5 =	sadd.s32 s6, s19  }
0x9e: {  	s9 =	simm.s32 $0x0;
	s20 =	sshll.u32 s7, $0x1;
	s7 =	sadd.s32 s21, s5  }
0x9f: {  	[timem:s9], [sflag:s22] =	dma.local [hbm:s7], s20  }
0xa0: {  	_ =	swait.ge [sflag:s22], s20  }
0xa1: {  	s6 =	ssub.s32 $0x0, s20;
	[sflag:s22] =	ssyncset.done $0x0  }
0xa2: {  	[sflag:s22] =	ssyncadd.s32 s6;
	_ =	sdelay $0x1  }
0xa3: {  	s23 =	simm.s32 $0x1B8B  }
0xa4: {  	_ =	swait.ge [sflag:s23], $0x1  }
0xa5: {  	[sflag:s23] =	ssyncset.done $0x0  }
0xa6: {  	s25 =	simm.s32 $0x1B8E;
	s24 =	sld [smem:$0x3FFE];
	[sflag:s23] =	ssyncadd.s32 $0xFFFFFFFF  }
0xa7: {  	s26 =	simm.s32 $execute0_lowered;
	[smem:$0x3FD2] =	sst s25  }
0xa8: {  	s7 =	sshll.u32 s26, $0x1;
	_ =	strace $0x80000046;
	[dreg:$0x1] =	wrdreg $0xFFFFFFFF  }
0xa9: {  	s28 =	simm.s32 $_size_execute0_lowered;
	s5 =	sadd.s32 s5, s7;
	[dreg:$0x0] =	wrdreg $0x0  }
0xaa: {  	s7 =	sshll.u32 s28, $0x1;
	[dreg:$0x2] =	wrdreg s5  }
0xab: {  	[dreg:$0x3] =	wrdreg s7  }
0xac: {  	[dreg:$0x4] =	wrdreg $0xC0  }
0xad: {  	_ =	task [dreg:s9], $0x5FFFF  }
0xae: {  	[dreg:$0x1] =	wrdreg $0xFFFFFFFF  }
0xaf: {  	[dreg:$0x0] =	wrdreg $0x60  }
0xb0: {  	[dreg:$0x2] =	wrdreg s2  }
0xb1: {  	[dreg:$0x3] =	wrdreg s18  }
0xb2: {  	[dreg:$0x4] =	wrdreg s24  }
0xb3: {  	[dreg:$0x5] =	wrdreg s4  }
0xb4: {  	[dreg:$0x6] =	wrdreg $0xAA800  }
0xb5: {  	[dreg:$0x7] =	wrdreg $0x9  }
0xb6: {  	_ =	task.clear_ibuf [dreg:s9], $0x8FFFF;
	_ =	strace $0x90000046  }
0xb7: {  	s29 =	simm.s32 $0x9;
	_ =	strace $0x80000048  }
0xb8: {  	_ =	swait.ge [sflag:s29], $0x1  }
0xb9: {  	[sflag:s29] =	ssyncadd.s32 $0xFFFFFFFF  }
0xba: {  	_ =	strace $0x90000048  }
0xbb: {  	_ =	sfence  }
0xbc: {  	s30 =	sld [smem:$0x0];
	_ =	sdelay $0x2  }
0xbd: {  	s31 =	sshll.u32 s1, $0xD;
	s1 =	sshrl.u32 s1, $0x2  }
0xbe: {  	s3 =	sand.u32 $0x4000, s31;
	s1 =	sadd.s32 s1, s30  }
0xbf: {  	s0 =	sor.u32 s3, s0;
	s1 =	sshll.u32 s1, $0x11  }
0xc0: {  	s0 =	sor.u32 s1, s0  }
0xc1: {  	s0 =	sadd.s32 $0x8F2B, s0  }
0xc2: {  	[sflag:s0] =	ssyncadd.remote.s32 $0x1  }
0xc3: {  	_ =	sfence.sel $0xFFFF  }
0xc4: {  	[dreg:$0x0] =	wrdreg $0xFFFFFFFF;
	(pc) =	sbr.abs _section_cstart, $3  }
0xc5: {  	[dreg:$0x1] =	wrdreg $0xFFFFFFFF  }
0xc6: {  	_ =	task.clear_ibuf [dreg:s9], $0x2FFFF;
	_ =	strace $0x9FFFFFFF  }
0xc7: {  	(tm) =	ssettm $0x7FFFFFFF  }
tec
execute0_lowered:
.L_overlay_start_1:
0x0: {  	(tag) =	ssettag $0x1  }
0x1: {  	s0 =	rddreg [dreg:$0x0]  }
0x2: {  	s1 =	rddreg [dreg:$0x1]  }
0x3: {  	s2 =	rddreg [dreg:$0x2]  }
0x4: {  	s5 =	rddreg [dreg:$0x3]  }
0x5: {  	s3 =	rddreg [dreg:$0x4]  }
0x6: {  	s4 =	simm.s32 $0x0;
	s6 =	srdreg.scid;
	s15 =	stileid.u32  }
0x7: {  	s28 =	simm.s32 $0x8980;
	s29 =	simm.s32 $0x5;
	s30 =	simm.s32 $0x20  }
0x8: {  	s31 =	simm.s32 $0xA980;
	[smem:$0x7FF] =	sst s4;
	s7 =	sand.u32 $0x1, s6  }
0x9: {  	s8 =	sshll.u32 s15, $0x1;
	s9 =	sadd.s32 $0x800, s2;
	s2 =	sadd.s32 $0xA00, s2  }
0xa: {  	s21 =	sshll.u32 s15, $0xC;
	s24 =	sshll.u32 s15, $0x4;
	s8 =	sor.u32 s7, s8  }
0xb: {  	_ =	strace $0x80000047;
	[dreg:$0x6] =	wrdreg s9;
	s10 =	smul.u32 $0x2710, s8  }
0xc: {  	s16 =	ssub.s32 $0x2, s7;
	s22 =	sadd.s32 s21, s3;
	s8 =	smul.u32 $0x27100, s8  }
0xd: {  	s23 =	sshll.u32 s7, $0x8;
	[dreg:$0xb] =	wrdreg s22;
	s22 =	smul.u32 $0x2710, s7  }
0xe: {  	s25 =	sxor.u32 $0x1, s7;
	s14 =	sor.u32 s24, s23;
	s23 =	smul.u32 $0x4E200, s15  }
0xf: {  	s11 =	sshrl.u32 s16, $0x1;
	s13 =	sshll.u32 s25, $0x8;
	s7 =	smul.u32 $0x27100, s7  }
0x10: {  	s9 =	ssub.s32 s16, s11;
	s13 =	sor.u32 s24, s13;
	s21 =	sshll.u32 s14, $0x4  }
0x11: {  	s11 =	simm.s32 $0x4;
	s17 =	sshrl.u32 s10, $0x3;
	s12 =	sadd.s32 $0x80, s10  }
0x12: {  	s8 =	sadd.s32 s0, s8;
	s10 =	sadd.s32 $0x2700, s10;
	s16 =	sshll.u32 s13, $0x7  }
0x13: {  	[dreg:$0x7] =	wrdreg s8;
	s18 =	sadd.s32 s1, s17;
	s19 =	sshll.u32 s12, $0x4  }
0x14: {  	s20 =	sshrl.u32 s12, $0x3;
	s26 =	sshll.u32 s10, $0x4;
	s10 =	sshrl.u32 s10, $0x3  }
0x15: {  	s12 =	simm.s32 $0x0;
	[dreg:$0x8] =	wrdreg s18;
	s8 =	sadd.s32 s0, s19  }
0x16: {  	s18 =	sand.u32 $0x2, s6;
	s6 =	sshrl.u32 s6, $0x2;
	[dreg:$0x9] =	wrdreg s8  }
0x17: {  	s8 =	sadd.s32 s1, s20;
	[dreg:$0x10] =	wrdreg s6;
	s19 =	sor.u32 s25, s18  }
0x18: {  	s20 =	smul.u32 $0x4E20, s15;
	s25 =	sshll.u32 s14, $0x7;
	[dreg:$0xa] =	wrdreg s8  }
0x19: {  	s8 =	sadd.s32 s0, s26;
	s6 =	sor.u32 $0x4, s19;
	s18 =	sadd.s32 s25, s3  }
0x1a: {  	s0 =	sadd.s32 s23, s0;
	s19 =	smax.u32 s9, $0x1;
	s23 =	simm.s32 $0x8800  }
0x1b: {  	s25 =	simm.s32 $0x4000;
	s9 =	simm.s32 $0x8900;
	[dreg:$0xc] =	wrdreg s8  }
0x1c: {  	s8 =	sadd.s32 s1, s10;
	s10 =	sshll.u32 s13, $0x4;
	s24 =	sadd.s32 s22, s20  }
0x1d: {  	s0 =	sadd.s32 s7, s0;
	s7 =	simm.s32 $0x2;
	[dreg:$0xd] =	wrdreg s8  }
0x1e: {  	s8 =	sadd.s32 s16, s3;
	s17 =	sadd.s32 s2, s10;
	s2 =	sadd.s32 s2, s21  }
0x1f: {  	s26 =	sadd.s32 $0x180, s24;
	s15 =	sadd.s32 $0x1800, s0;
	s13 =	sadd.s32 $0x100, s24  }
.Ltmp0:
0x20: {  	s24 =	sshll.u32 s6, $0xE;
	[dreg:$0xe] =	wrdreg s8;
	(pc) =	sbr.rel .LBB2_1-.Ltmp0, $4  }
0x21: {  	s0 =	simm.s32 $0xAA00;
	s6 =	simm.s32 $0x80;
	[dreg:$0xf] =	wrdreg s17  }
0x22: {  	v0 =	vlaneseq.u32;
	s10 =	simm.s32 $0x9980;
	[dreg:$0x11] =	wrdreg s2;
	s17 =	sadd.s32 s5, s21  }
0x23: {  	v1 =	vadd.s32 $0x1, v0;
	s2 =	sshrl.u32 s26, $0x3;
	s26 =	simm.s32 $0x8880;
	s5 =	simm.s32 $0x1  }
0x24: {  	v0 =	vor.u32 s14, v0;
	v1 =	vadd.s32 s14, v1;
	s8 =	simm.s32 $0x8000;
	s21 =	sadd.s32 s2, s1;
	s2 =	simm.s32 $0x3  }
.LBB2_4:
0x25: {  	_ =	swait.ge [sflag:s7], $0x4000  }
0x26: {  	[sflag:s7] =	ssyncset.done $0x0  }
0x27: {  	[sflag:s7] =	ssyncadd.s32 $0xFFFFC000  }
0x28: {  	_ =	swait.ge [sflag:s7], $0x80  }
0x29: {  	[sflag:s7] =	ssyncset.done $0x0  }
0x2a: {  	[sflag:s7] =	ssyncadd.s32 $0xFFFFFF80  }
0x2b: {  	[spmem:s3] =	stream.indirect.scatter.add.f32 [tilespmem:s25], [sflag:$0x5], $0x80, s26, s6, $0xb8;
	[tilespmem:$0xBA80] =	vst v63  }
0x2c: {  	_ =	swait.ge [sflag:s29], $0x4000  }
0x2d: {  	[sflag:s29] =	ssyncset.done $0x0  }
0x2e: {  	s14 =	rddreg [dreg:$0xc];
	[sflag:s29] =	ssyncadd.s32 $0xFFFFC000  }
0x2f: {  	[tilespmem:s8], [sflag:$0x1] =	stream.linear.gather [hbm4b:s14+s4], $0x800, $0x38;
	[tilespmem:$0xBA80] =	vst v63  }
0x30: {  	s22 =	rddreg [dreg:$0xd]  }
0x31: {  	[tilespmem:s9], [sflag:$0x1] =	stream.linear.gather [hbm4b:s22+s4], $0x10, $0x38;
	[tilespmem:$0xBA80] =	vst v63  }
0x32: {  	_ =	swait.ge [sflag:s5], $0x800  }
0x33: {  	[sflag:s5] =	ssyncset.done $0x0  }
0x34: {  	[sflag:s5] =	ssyncadd.s32 $0xFFFFF800  }
0x35: {  	_ =	swait.ge [sflag:s5], $0x10  }
0x36: {  	[sflag:s5] =	ssyncset.done $0x0  }
0x37: {  	s16 =	simm.s32 $0x10;
	[sflag:s5] =	ssyncadd.s32 $0xFFFFFFF0  }
0x38: {  	[spmem:s3] =	stream.indirect.scatter.add.f32 [tilespmem:s8], [sflag:$0x5], $0x80, s9, s16, $0xb8;
	[tilespmem:$0xBA80] =	vst v63  }
0x39: {  	_ =	swait.ge [sflag:s29], $0x800  }
0x3a: {  	[sflag:s29] =	ssyncset.done $0x0  }
0x3b: {  	[sflag:s29] =	ssyncadd.s32 $0xFFFFF800  }
0x3c: {  	_ =	swait.ge [sflag:s2], $0x20  }
0x3d: {  	[sflag:s2] =	ssyncset.done $0x0  }
0x3e: {  	[sflag:s2] =	ssyncadd.s32 $0xFFFFFFE0  }
0x3f: {  	v4 =	vld [tilespmem:$0xAA00]  }
0x40: {  	v5 =	vld [tilespmem:$0xAA10];
	_ =	sdelay $0x3  }
0x41: {  	v61 =	vadd.s32 $0x1, v6  }
0x42: {  	v62 =	vadd.s32 $0x1, v7;
	vm0 =	vlt.s32 v4, v0;
	vm1 =	vlt.s32 v5, v1  }
0x43: {  	v3 =	vsel vm0, v61, v3;
	v2 =	vsel vm1, v62, v2  }
0x44: {  	v2 =	vsub.s32 v2, v3  }
0x45: {  	v2 =	vcvt.s32.f32 v2;
	_ =	sdelay $0x1  }
0x46: {  	v2 =	vmax.f32 v2, $1.000000000e+00  }
0x47: {  	(erf) = vrcp.f32 v2;
	_ =	sdelay $0x8  }
0x48: {  	v3 =	vpop (erf)  }
0x49: {  	[bflag:$0x0] =	sbarrier.arrive $0xFFFF  }
0x4a: {  	s20 =	rddreg [dreg:$0xe]  }
0x4b: {  	[tilespmem:s10], [sflag:$0x5] =	stream.linear.gather [spmem:s20], $0x800, $0x38;
	[tilespmem:$0xBA80] =	vst v63  }
0x4c: {  	_ =	swait.ge [sflag:s29], $0x800  }
0x4d: {  	[sflag:s29] =	ssyncset.done $0x0  }
0x4e: {  	s22 =	rddreg [dreg:$0xf];
	[sflag:s29] =	ssyncadd.s32 $0xFFFFF800  }
0x4f: {  	[hbm4b:s22+s4] =	stream.linear.scatter [tilespmem:s10], [sflag:$0x5], $0x800, $0x38;
	[tilespmem:$0xBA80] =	vst v63  }
0x50: {  	_ =	swait.ge [sflag:s29], $0x800  }
0x51: {  	[sflag:s29] =	ssyncset.done $0x0  }
0x52: {  	s16 =	simm.s32 $0x100000;
	[sflag:s29] =	ssyncadd.s32 $0xFFFFF800  }
0x53: {  	[smem:s16], [sflag:$0x0] =	smem.add.s32 $0x0  }
0x54: {  	_ =	swait.done [sflag:s4]  }
0x55: {  	s20 =	ssyncread [sflag:$0x0];
	_ =	sdelay $0x1  }
0x56: {  	s22 =	stileid.u32;
	s16 =	rddreg [dreg:$0x10]  }
0x57: {  	s14 =	sadd.s32 s16, s20;
	s16 =	sshll.u32 s22, $0x6  }
0x58: {  	s16 =	sor.u32 s24, s16;
	s14 =	sshll.u32 s14, $0x11  }
0x59: {  	[sflag:s4] =	ssyncset.s32 $0x0;
	s14 =	sor.u32 s14, s16  }
0x5a: {  	[sflag:s4] =	ssyncset.done $0x0;
	s14 =	sor.u32 $0x1C04, s14  }
0x5b: {  	[sflag:s14] =	ssyncadd.remote.s32 $0x1  }
0x5c: {  	_ =	swait.ge [sflag:s11], $0x1  }
0x5d: {  	[sflag:s11] =	ssyncset.done $0x0  }
0x5e: {  	s22 =	simm.s32 $0xA180;
	s20 =	rddreg [dreg:$0x11];
	[sflag:s11] =	ssyncadd.s32 $0xFFFFFFFF  }
0x5f: {  	[tilespmem:s22], [sflag:$0x5] =	stream.linear.gather [hbm4b:s20+s4], $0x800, $0x38;
	[tilespmem:$0xBA80] =	vst v63  }
0x60: {  	_ =	swait.ge [sflag:s29], $0x800  }
0x61: {  	[sflag:s29] =	ssyncset.done $0x0  }
0x62: {  	[sflag:s29] =	ssyncadd.s32 $0xFFFFF800  }
0x63: {  	[tilespmem:s10], [sflag:$0x5] =	stream.linear.gather [spmem:s18], $0x800, $0x38;
	[tilespmem:$0xBA80] =	vst v63  }
0x64: {  	_ =	swait.ge [sflag:s29], $0x800  }
0x65: {  	[sflag:s29] =	ssyncset.done $0x0  }
0x66: {  	[sflag:s29] =	ssyncadd.s32 $0xFFFFF800  }
0x67: {  	v6 =	vld [tilespmem:$0x9980]  }
0x68: {  	v2 =	vld [tilespmem:$0xA180]  }
0x69: {  	v9 =	vld [tilespmem:$0x9990]  }
0x6a: {  	v4 =	vld [tilespmem:$0xA190]  }
0x6b: {  	v7 =	vld [tilespmem:$0x99A0]  }
0x6c: {  	v5 =	vld [tilespmem:$0xA1A0]  }
0x6d: {  	v10 =	vld [tilespmem:$0x99B0]  }
0x6e: {  	v8 =	vld [tilespmem:$0xA1B0]  }
0x6f: {  	v12 =	vld [tilespmem:$0x99C0]  }
0x70: {  	v11 =	vld [tilespmem:$0xA1C0]  }
0x71: {  	v14 =	vld [tilespmem:$0x99D0]  }
0x72: {  	v13 =	vld [tilespmem:$0xA1D0]  }
0x73: {  	v16 =	vld [tilespmem:$0x99E0]  }
0x74: {  	v15 =	vld [tilespmem:$0xA1E0]  }
0x75: {  	v18 =	vld [tilespmem:$0x99F0]  }
0x76: {  	v17 =	vld [tilespmem:$0xA1F0]  }
0x77: {  	v20 =	vld [tilespmem:$0x9A00]  }
0x78: {  	v19 =	vld [tilespmem:$0xA200]  }
0x79: {  	v23 =	vld [tilespmem:$0x9A10]  }
0x7a: {  	v21 =	vld [tilespmem:$0xA210]  }
0x7b: {  	v24 =	vld [tilespmem:$0x9A20]  }
0x7c: {  	v22 =	vld [tilespmem:$0xA220]  }
0x7d: {  	v26 =	vld [tilespmem:$0x9A30]  }
0x7e: {  	v25 =	vld [tilespmem:$0xA230]  }
0x7f: {  	v28 =	vld [tilespmem:$0x9A40]  }
0x80: {  	v27 =	vld [tilespmem:$0xA240]  }
0x81: {  	v30 =	vld [tilespmem:$0x9A50]  }
0x82: {  	v29 =	vld [tilespmem:$0xA250]  }
0x83: {  	v32 =	vld [tilespmem:$0x9A60]  }
0x84: {  	v31 =	vld [tilespmem:$0xA260]  }
0x85: {  	v34 =	vld [tilespmem:$0x9A70]  }
0x86: {  	v33 =	vld [tilespmem:$0xA270]  }
0x87: {  	v36 =	vld [tilespmem:$0x9A80]  }
0x88: {  	v35 =	vld [tilespmem:$0xA280]  }
0x89: {  	v39 =	vld [tilespmem:$0x9A90]  }
0x8a: {  	v63 =	vld [tilespmem:$0x9B60]  }
0x8b: {  	v37 =	vld [tilespmem:$0xA290]  }
0x8c: {  	v57 =	vld [tilespmem:$0x9AA0]  }
0x8d: {  	v38 =	vld [tilespmem:$0xA2A0]  }
0x8e: {  	v58 =	vld [tilespmem:$0x9AB0]  }
0x8f: {  	[tilespmem:$0x1FA40] =	vst v63;
	v63 =	vld [tilespmem:$0xA360]  }
0x90: {  	v40 =	vld [tilespmem:$0xA2B0]  }
0x91: {  	v61 =	vld [tilespmem:$0x9AC0]  }
0x92: {  	v41 =	vld [tilespmem:$0xA2C0]  }
0x93: {  	v62 =	vld [tilespmem:$0x9AD0]  }
0x94: {  	[tilespmem:$0x1FA50] =	vst v63;
	v63 =	vld [tilespmem:$0x9B70]  }
0x95: {  	v42 =	vld [tilespmem:$0xA2D0]  }
0x96: {  	v49 =	vld [tilespmem:$0x9AE0]  }
0x97: {  	v43 =	vld [tilespmem:$0xA2E0]  }
0x98: {  	v47 =	vld [tilespmem:$0x9AF0]  }
0x99: {  	[tilespmem:$0x1FA60] =	vst v63;
	v63 =	vld [tilespmem:$0xA370]  }
0x9a: {  	v44 =	vld [tilespmem:$0xA2F0]  }
0x9b: {  	v46 =	vld [tilespmem:$0x9B00]  }
0x9c: {  	v45 =	vld [tilespmem:$0xA300]  }
0x9d: {  	v51 =	vld [tilespmem:$0x9B10]  }
0x9e: {  	[tilespmem:$0x1FA70] =	vst v63;
	v63 =	vld [tilespmem:$0x9B80]  }
0x9f: {  	v48 =	vld [tilespmem:$0xA310]  }
0xa0: {  	v52 =	vld [tilespmem:$0x9B20]  }
0xa1: {  	v50 =	vld [tilespmem:$0xA320]  }
0xa2: {  	v54 =	vld [tilespmem:$0x9B30]  }
0xa3: {  	[tilespmem:$0x1FA80] =	vst v63;
	v63 =	vld [tilespmem:$0xA380]  }
0xa4: {  	v53 =	vld [tilespmem:$0xA330]  }
0xa5: {  	v56 =	vld [tilespmem:$0x9B40]  }
0xa6: {  	v55 =	vld [tilespmem:$0xA340]  }
0xa7: {  	v60 =	vld [tilespmem:$0x9B50]  }
0xa8: {  	v59 =	vld [tilespmem:$0xA350];
	[tilespmem:$0x1FA90] =	vst v63  }
0xa9: {  	v63 =	vld [tilespmem:$0x9B90];
	_ =	sdelay $0x4  }
0xaa: {  	[tilespmem:$0x1FAA0] =	vst v63;
	v63 =	vld [tilespmem:$0xA390];
	_ =	sdelay $0x4  }
0xab: {  	[tilespmem:$0x1FAB0] =	vst v63;
	v63 =	vld [tilespmem:$0x9BA0];
	_ =	sdelay $0x4  }
0xac: {  	[tilespmem:$0x1FAC0] =	vst v63;
	v63 =	vld [tilespmem:$0xA3A0];
	_ =	sdelay $0x4  }
0xad: {  	[tilespmem:$0x1FAD0] =	vst v63;
	v63 =	vld [tilespmem:$0x9BB0];
	_ =	sdelay $0x4  }
0xae: {  	[tilespmem:$0x1FAE0] =	vst v63;
	v63 =	vld [tilespmem:$0xA3B0];
	_ =	sdelay $0x4  }
0xaf: {  	[tilespmem:$0x1FAF0] =	vst v63;
	v63 =	vld [tilespmem:$0x9BC0];
	_ =	sdelay $0x4  }
0xb0: {  	[tilespmem:$0x1FB00] =	vst v63;
	v63 =	vld [tilespmem:$0xA3C0];
	_ =	sdelay $0x4  }
0xb1: {  	[tilespmem:$0x1FB10] =	vst v63;
	v63 =	vld [tilespmem:$0x9BD0];
	_ =	sdelay $0x4  }
0xb2: {  	[tilespmem:$0x1FB20] =	vst v63;
	v63 =	vld [tilespmem:$0xA3D0];
	_ =	sdelay $0x4  }
0xb3: {  	[tilespmem:$0x1FB30] =	vst v63;
	v63 =	vld [tilespmem:$0x9BE0];
	_ =	sdelay $0x4  }
0xb4: {  	[tilespmem:$0x1FB40] =	vst v63;
	v63 =	vld [tilespmem:$0xA3E0];
	_ =	sdelay $0x4  }
0xb5: {  	[tilespmem:$0x1FB50] =	vst v63;
	v63 =	vld [tilespmem:$0x9BF0];
	_ =	sdelay $0x4  }
0xb6: {  	[tilespmem:$0x1FB60] =	vst v63;
	v63 =	vld [tilespmem:$0xA3F0];
	_ =	sdelay $0x4  }
0xb7: {  	[tilespmem:$0x1FB70] =	vst v63;
	v63 =	vld [tilespmem:$0x9C00];
	_ =	sdelay $0x4  }
0xb8: {  	[tilespmem:$0x1FB80] =	vst v63;
	v63 =	vld [tilespmem:$0xA400];
	_ =	sdelay $0x4  }
0xb9: {  	[tilespmem:$0x1FB90] =	vst v63;
	v63 =	vld [tilespmem:$0x9C10];
	_ =	sdelay $0x4  }
0xba: {  	[tilespmem:$0x1FBA0] =	vst v63;
	v63 =	vld [tilespmem:$0xA410];
	_ =	sdelay $0x4  }
0xbb: {  	[tilespmem:$0x1FBB0] =	vst v63;
	v63 =	vld [tilespmem:$0x9C20];
	_ =	sdelay $0x4  }
0xbc: {  	[tilespmem:$0x1FBC0] =	vst v63;
	v63 =	vld [tilespmem:$0xA420];
	_ =	sdelay $0x4  }
0xbd: {  	[tilespmem:$0x1FBD0] =	vst v63;
	v63 =	vld [tilespmem:$0x9C30];
	_ =	sdelay $0x2  }
0xbe: {  	v3 =	vadd.f32 $0.0e+00, v3;
	_ =	sdelay $0x1  }
0xbf: {  	v2 =	vadd.f32 v2, v6;
	v6 =	vbroadcast v3, $0x0;
	[tilespmem:$0x1FBE0] =	vst v63;
	v63 =	vld [tilespmem:$0xA430];
	_ =	sdelay $0x1  }
0xc0: {  	v2 =	vmul.f32 v2, v6;
	_ =	sdelay $0x1  }
0xc1: {  	v4 =	vadd.f32 v4, v9;
	[tilespmem:$0x9980] =	vst v2  }
0xc2: {  	v2 =	vadd.f32 v11, v12;
	[tilespmem:$0x1FBF0] =	vst v63;
	v63 =	vld [tilespmem:$0x9C40]  }
0xc3: {  	v4 =	vmul.f32 v4, v6  }
0xc4: {  	v2 =	vmul.f32 v2, v6  }
0xc5: {  	[tilespmem:$0x9990] =	vst v4;
	v12 =	vld [tilespmem:$0xA5C0]  }
0xc6: {  	v4 =	vadd.f32 v13, v14;
	v13 =	vadd.f32 v15, v16;
	[tilespmem:$0x99C0] =	vst v2  }
0xc7: {  	v15 =	vadd.f32 v17, v18;
	v17 =	vbroadcast v3, $0x1;
	v2 =	vadd.f32 v19, v20;
	[tilespmem:$0x1FC00] =	vst v63;
	v63 =	vld [tilespmem:$0xA440];
	_ =	sdelay $0x1  }
0xc8: {  	v2 =	vmul.f32 v2, v17  }
0xc9: {  	[tilespmem:$0x1FF00] =	vst v12;
	v12 =	vld [tilespmem:$0x9DD0]  }
0xca: {  	[tilespmem:$0x9A00] =	vst v2  }
0xcb: {  	v2 =	vadd.f32 v27, v28;
	[tilespmem:$0x1FC10] =	vst v63;
	v63 =	vld [tilespmem:$0x9C50];
	_ =	sdelay $0x1  }
0xcc: {  	v2 =	vmul.f32 v2, v17  }
0xcd: {  	[tilespmem:$0x1FF10] =	vst v12  }
0xce: {  	v5 =	vadd.f32 v5, v7;
	[tilespmem:$0x9A40] =	vst v2  }
0xcf: {  	v12 =	vbroadcast v3, $0x2;
	v2 =	vadd.f32 v35, v36;
	[tilespmem:$0x1FC20] =	vst v63;
	v63 =	vld [tilespmem:$0xA450]  }
0xd0: {  	v5 =	vmul.f32 v5, v6  }
0xd1: {  	v2 =	vmul.f32 v2, v12  }
0xd2: {  	[tilespmem:$0x99A0] =	vst v5  }
0xd3: {  	[tilespmem:$0x9A80] =	vst v2;
	v2 =	vadd.f32 v41, v61  }
0xd4: {  	v5 =	vmul.f32 v13, v6;
	[tilespmem:$0x1FC30] =	vst v63;
	v63 =	vld [tilespmem:$0x9C60]  }
0xd5: {  	v20 =	vadd.f32 v21, v23;
	v23 =	vadd.f32 v22, v24;
	v2 =	vmul.f32 v2, v12  }
0xd6: {  	[tilespmem:$0x99E0] =	vst v5  }
0xd7: {  	v5 =	vmul.f32 v23, v17;
	v23 =	vbroadcast v3, $0x3;
	[tilespmem:$0x9AC0] =	vst v2;
	v2 =	vadd.f32 v45, v46;
	_ =	sdelay $0x1  }
0xd8: {  	v2 =	vmul.f32 v2, v23;
	[tilespmem:$0x1FC40] =	vst v63;
	v63 =	vld [tilespmem:$0xA460];
	_ =	sdelay $0x1  }
0xd9: {  	v14 =	vld [tilespmem:$0xA5D0];
	[tilespmem:$0x9B00] =	vst v2;
	v2 =	vadd.f32 v55, v56  }
0xda: {  	v16 =	vld [tilespmem:$0x9DE0]  }
0xdb: {  	v35 =	vadd.f32 v50, v52;
	v50 =	vld [tilespmem:$0x1FA90];
	v2 =	vmul.f32 v2, v23  }
0xdc: {  	v25 =	vadd.f32 v25, v26;
	v4 =	vmul.f32 v4, v6;
	[tilespmem:$0x1FC50] =	vst v63;
	v63 =	vld [tilespmem:$0x9C70]  }
0xdd: {  	[tilespmem:$0x9B40] =	vst v2;
	v2 =	vld [tilespmem:$0x1FA80]  }
0xde: {  	v7 =	vadd.f32 v8, v10;
	[tilespmem:$0x99D0] =	vst v4;
	v21 =	vld [tilespmem:$0x9DF0];
	v4 =	vmul.f32 v25, v17  }
0xdf: {  	v34 =	vadd.f32 v33, v34;
	v18 =	vld [tilespmem:$0xA5E0];
	[tilespmem:$0x1FF20] =	vst v14  }
0xe0: {  	v7 =	vmul.f32 v7, v6;
	[tilespmem:$0x9A30] =	vst v4  }
0xe1: {  	v19 =	vmul.f32 v15, v6;
	v4 =	vmul.f32 v34, v17;
	[tilespmem:$0x1FC60] =	vst v63;
	v63 =	vld [tilespmem:$0xA470]  }
0xe2: {  	[tilespmem:$0x1FF30] =	vst v16;
	v34 =	vadd.f32 v48, v51;
	v51 =	vbroadcast v3, $0x4;
	v2 =	vadd.f32 v50, v2  }
0xe3: {  	v6 =	vmul.f32 v20, v17;
	[tilespmem:$0x1FF50] =	vst v21;
	v21 =	vadd.f32 v43, v49;
	v43 =	vadd.f32 v59, v60;
	v59 =	vld [tilespmem:$0x1FAF0]  }
0xe4: {  	[tilespmem:$0x1FF40] =	vst v18;
	v56 =	vmul.f32 v2, v51;
	v2 =	vld [tilespmem:$0x1FAE0]  }
0xe5: {  	v29 =	vadd.f32 v29, v30;
	[tilespmem:$0x9A10] =	vst v6  }
0xe6: {  	v31 =	vadd.f32 v31, v32;
	[tilespmem:$0x1FC70] =	vst v63;
	v63 =	vld [tilespmem:$0x9C80]  }
0xe7: {  	v22 =	vadd.f32 v44, v47;
	[tilespmem:$0x9A20] =	vst v5;
	v6 =	vmul.f32 v29, v17  }
0xe8: {  	v44 =	vld [tilespmem:$0x1FA40];
	v14 =	vadd.f32 v37, v39;
	v16 =	vadd.f32 v38, v57;
	v5 =	vmul.f32 v31, v17;
	[tilespmem:$0x9A70] =	vst v4  }
0xe9: {  	[tilespmem:$0x9A50] =	vst v6;
	v60 =	vadd.f32 v59, v2;
	v2 =	vld [tilespmem:$0x1FB00]  }
0xea: {  	v18 =	vadd.f32 v40, v58;
	[tilespmem:$0x9A60] =	vst v5;
	v6 =	vmul.f32 v14, v12;
	v5 =	vmul.f32 v16, v12;
	v16 =	vld [tilespmem:$0x1FB10]  }
0xeb: {  	v20 =	vadd.f32 v42, v62;
	[tilespmem:$0x1FC80] =	vst v63;
	v63 =	vld [tilespmem:$0xA480]  }
0xec: {  	v48 =	vld [tilespmem:$0x1FA70];
	v4 =	vmul.f32 v18, v12;
	[tilespmem:$0x9A90] =	vst v6  }
0xed: {  	[tilespmem:$0x9AA0] =	vst v5;
	v6 =	vmul.f32 v20, v12;
	v45 =	vld [tilespmem:$0x1FA50]  }
0xee: {  	[tilespmem:$0x9AB0] =	vst v4;
	v46 =	vld [tilespmem:$0x1FA60]  }
0xef: {  	v5 =	vmul.f32 v21, v12;
	[tilespmem:$0x9AD0] =	vst v6;
	v18 =	vadd.f32 v16, v2;
	v2 =	vld [tilespmem:$0x1FB20]  }
0xf0: {  	v37 =	vadd.f32 v53, v54;
	v4 =	vmul.f32 v22, v12;
	[tilespmem:$0x1FC90] =	vst v63;
	v63 =	vld [tilespmem:$0x9C90]  }
0xf1: {  	[tilespmem:$0x9AE0] =	vst v5;
	v5 =	vmul.f32 v35, v23;
	v21 =	vld [tilespmem:$0x1FB30]  }
0xf2: {  	[tilespmem:$0x9AF0] =	vst v4;
	v4 =	vmul.f32 v37, v23  }
0xf3: {  	[tilespmem:$0x9B20] =	vst v5  }
0xf4: {  	v24 =	vld [tilespmem:$0xA5F0];
	v6 =	vmul.f32 v34, v23;
	[tilespmem:$0x9B30] =	vst v4  }
0xf5: {  	v5 =	vadd.f32 v45, v44;
	v4 =	vadd.f32 v48, v46;
	[tilespmem:$0x1FCA0] =	vst v63;
	v63 =	vld [tilespmem:$0xA490]  }
0xf6: {  	[tilespmem:$0x9B10] =	vst v6;
	v6 =	vmul.f32 v43, v23;
	v22 =	vadd.f32 v21, v2;
	v2 =	vld [tilespmem:$0x1FB40]  }
0xf7: {  	v5 =	vmul.f32 v5, v23;
	v4 =	vmul.f32 v4, v23;
	v23 =	vld [tilespmem:$0x1FB50]  }
0xf8: {  	v28 =	vld [tilespmem:$0xA600];
	_ =	sdelay $0x1  }
0xf9: {  	[tilespmem:$0x1FCB0] =	vst v63;
	v63 =	vld [tilespmem:$0x9CA0];
	_ =	sdelay $0x1  }
0xfa: {  	[tilespmem:$0x1FF60] =	vst v24;
	v24 =	vadd.f32 v23, v2;
	v2 =	vld [tilespmem:$0x1FB60]  }
0xfb: {  	[tilespmem:$0x1FF80] =	vst v28;
	v28 =	vld [tilespmem:$0x1FB70];
	_ =	sdelay $0x1  }
0xfc: {  	[tilespmem:$0x1FCC0] =	vst v63;
	v63 =	vld [tilespmem:$0xA4A0];
	_ =	sdelay $0x2  }
0xfd: {  	v29 =	vadd.f32 v28, v2;
	v2 =	vld [tilespmem:$0x1FB80]  }
0xfe: {  	v31 =	vld [tilespmem:$0x1FB90]  }
0xff: {  	[tilespmem:$0x1FCD0] =	vst v63;
	v63 =	vld [tilespmem:$0x9CB0];
	_ =	sdelay $0x3  }
0x100: {  	v33 =	vadd.f32 v31, v2;
	v2 =	vld [tilespmem:$0x1FBA0]  }
0x101: {  	[tilespmem:$0x1FCE0] =	vst v63;
	v63 =	vld [tilespmem:$0xA4B0]  }
0x102: {  	v36 =	vld [tilespmem:$0x1FBB0];
	_ =	sdelay $0x3  }
0x103: {  	[tilespmem:$0x1FCF0] =	vst v63;
	v63 =	vld [tilespmem:$0x9CC0]  }
0x104: {  	v37 =	vadd.f32 v36, v2;
	v2 =	vld [tilespmem:$0x1FBC0]  }
0x105: {  	v39 =	vld [tilespmem:$0x1FBD0]  }
0x106: {  	v9 =	vld [tilespmem:$0xA5B0]  }
0x107: {  	v13 =	vld [tilespmem:$0xA620]  }
0x108: {  	[tilespmem:$0x1FD00] =	vst v63;
	v63 =	vld [tilespmem:$0xA4C0]  }
0x109: {  	v52 =	vld [tilespmem:$0x1FAA0]  }
0x10a: {  	v41 =	vadd.f32 v39, v2;
	v2 =	vld [tilespmem:$0x1FBE0]  }
0x10b: {  	v43 =	vld [tilespmem:$0x1FBF0]  }
0x10c: {  	v53 =	vld [tilespmem:$0x1FAB0]  }
0x10d: {  	[tilespmem:$0x1FD10] =	vst v63;
	v63 =	vld [tilespmem:$0x9CD0]  }
0x10e: {  	v54 =	vld [tilespmem:$0x1FAC0]  }
0x10f: {  	v55 =	vld [tilespmem:$0x1FAD0]  }
0x110: {  	v44 =	vadd.f32 v43, v2;
	v2 =	vld [tilespmem:$0x1FC00]  }
0x111: {  	v46 =	vld [tilespmem:$0x1FC10]  }
0x112: {  	[tilespmem:$0x1FD20] =	vst v63;
	v63 =	vld [tilespmem:$0xA4D0]  }
0x113: {  	[tilespmem:$0x9B50] =	vst v6;
	v6 =	vadd.f32 v53, v52  }
0x114: {  	[tilespmem:$0x9B60] =	vst v5;
	v5 =	vadd.f32 v55, v54  }
0x115: {  	[tilespmem:$0x1FEF0] =	vst v9;
	v6 =	vmul.f32 v6, v51  }
0x116: {  	[tilespmem:$0x1FFC0] =	vst v13;
	v20 =	vmul.f32 v5, v51;
	v9 =	vmul.f32 v60, v51;
	v48 =	vadd.f32 v46, v2;
	v2 =	vld [tilespmem:$0x1FC20]  }
0x117: {  	v27 =	vmul.f32 v18, v51;
	v13 =	vmul.f32 v22, v51;
	[tilespmem:$0x1FD30] =	vst v63;
	v63 =	vld [tilespmem:$0x9CE0]  }
0x118: {  	v34 =	vmul.f32 v24, v51;
	v35 =	vmul.f32 v29, v51;
	v51 =	vld [tilespmem:$0x1FC30];
	_ =	sdelay $0x3  }
0x119: {  	[tilespmem:$0x1FD40] =	vst v63;
	v63 =	vld [tilespmem:$0xA4E0]  }
0x11a: {  	v52 =	vadd.f32 v51, v2;
	v2 =	vld [tilespmem:$0x1FC40]  }
0x11b: {  	v53 =	vld [tilespmem:$0x1FC50];
	_ =	sdelay $0x2  }
0x11c: {  	[tilespmem:$0x1FD50] =	vst v63;
	v63 =	vld [tilespmem:$0x9CF0];
	_ =	sdelay $0x1  }
0x11d: {  	v54 =	vadd.f32 v53, v2;
	v2 =	vld [tilespmem:$0x1FC60]  }
0x11e: {  	[tilespmem:$0x9B80] =	vst v56;
	v56 =	vld [tilespmem:$0x1FC70];
	_ =	sdelay $0x1  }
0x11f: {  	[tilespmem:$0x1FD60] =	vst v63;
	v63 =	vld [tilespmem:$0xA4F0];
	_ =	sdelay $0x2  }
0x120: {  	v59 =	vadd.f32 v56, v2;
	v2 =	vld [tilespmem:$0x1FC80]  }
0x121: {  	[tilespmem:$0x9BF0] =	vst v35;
	v35 =	vld [tilespmem:$0x1FC90]  }
0x122: {  	[tilespmem:$0x1FD70] =	vst v63;
	v63 =	vld [tilespmem:$0x9D00];
	_ =	sdelay $0x3  }
0x123: {  	v22 =	vbroadcast v3, $0x5;
	v36 =	vadd.f32 v35, v2;
	v2 =	vld [tilespmem:$0x1FCA0]  }
0x124: {  	[tilespmem:$0x1FD80] =	vst v63;
	v63 =	vld [tilespmem:$0xA500]  }
0x125: {  	v45 =	vmul.f32 v37, v22;
	v37 =	vld [tilespmem:$0x1FCB0];
	_ =	sdelay $0x3  }
0x126: {  	[tilespmem:$0x1FD90] =	vst v63;
	v63 =	vld [tilespmem:$0x9D10]  }
0x127: {  	v39 =	vadd.f32 v37, v2;
	v2 =	vld [tilespmem:$0x1FCC0]  }
0x128: {  	v50 =	vmul.f32 v41, v22;
	v41 =	vld [tilespmem:$0x1FCD0];
	_ =	sdelay $0x2  }
0x129: {  	v42 =	vmul.f32 v33, v22;
	[tilespmem:$0x1FDA0] =	vst v63;
	v63 =	vld [tilespmem:$0xA510];
	_ =	sdelay $0x1  }
0x12a: {  	[tilespmem:$0x9C00] =	vst v42;
	v42 =	vadd.f32 v41, v2;
	v2 =	vld [tilespmem:$0x1FCE0]  }
0x12b: {  	[tilespmem:$0x9BA0] =	vst v20;
	v20 =	vmul.f32 v44, v22;
	v44 =	vld [tilespmem:$0x1FCF0];
	_ =	sdelay $0x1  }
0x12c: {  	[tilespmem:$0x1FDB0] =	vst v63;
	v63 =	vld [tilespmem:$0x9D20];
	_ =	sdelay $0x2  }
0x12d: {  	[tilespmem:$0x9C10] =	vst v45;
	v45 =	vadd.f32 v44, v2;
	v2 =	vld [tilespmem:$0x1FD00]  }
0x12e: {  	v46 =	vld [tilespmem:$0x1FD10]  }
0x12f: {  	[tilespmem:$0x1FDC0] =	vst v63;
	v63 =	vld [tilespmem:$0xA520];
	_ =	sdelay $0x3  }
0x130: {  	v55 =	vmul.f32 v48, v22;
	v48 =	vadd.f32 v46, v2;
	v2 =	vld [tilespmem:$0x1FD20]  }
0x131: {  	[tilespmem:$0x1FDD0] =	vst v63;
	v63 =	vld [tilespmem:$0x9D30]  }
0x132: {  	[tilespmem:$0x9C20] =	vst v50;
	v50 =	vld [tilespmem:$0x1FD30];
	_ =	sdelay $0x3  }
0x133: {  	[tilespmem:$0x1FDE0] =	vst v63;
	v63 =	vld [tilespmem:$0xA530]  }
0x134: {  	v51 =	vadd.f32 v50, v2;
	v2 =	vld [tilespmem:$0x1FD40]  }
0x135: {  	v60 =	vmul.f32 v52, v22;
	v52 =	vld [tilespmem:$0x1FD50];
	_ =	sdelay $0x2  }
0x136: {  	[tilespmem:$0x1FDF0] =	vst v63;
	v63 =	vld [tilespmem:$0x9D40];
	_ =	sdelay $0x1  }
0x137: {  	v53 =	vadd.f32 v52, v2;
	v2 =	vld [tilespmem:$0x1FD60]  }
0x138: {  	[tilespmem:$0x9C40] =	vst v55;
	v55 =	vld [tilespmem:$0x1FD70];
	_ =	sdelay $0x1  }
0x139: {  	[tilespmem:$0x1FE00] =	vst v63;
	v63 =	vld [tilespmem:$0xA540]  }
0x13a: {  	v26 =	vld [tilespmem:$0x9E00]  }
0x13b: {  	v30 =	vld [tilespmem:$0x9E10]  }
0x13c: {  	v56 =	vadd.f32 v55, v2;
	v2 =	vld [tilespmem:$0x1FD80]  }
0x13d: {  	[tilespmem:$0x9BC0] =	vst v27;
	v27 =	vmul.f32 v59, v22;
	v59 =	vld [tilespmem:$0x1FD90]  }
0x13e: {  	[tilespmem:$0x1FE10] =	vst v63;
	v63 =	vld [tilespmem:$0x9D50]  }
0x13f: {  	v32 =	vld [tilespmem:$0xA610]  }
0x140: {  	v11 =	vld [tilespmem:$0x9E20]  }
0x141: {  	v8 =	vld [tilespmem:$0xA6B0];
	[tilespmem:$0x9BE0] =	vst v34  }
0x142: {  	v34 =	vbroadcast v3, $0x6;
	[tilespmem:$0x9C50] =	vst v60;
	v60 =	vadd.f32 v59, v2;
	v2 =	vld [tilespmem:$0x1FDA0]  }
0x143: {  	[tilespmem:$0x1FE20] =	vst v63;
	v63 =	vld [tilespmem:$0xA550]  }
0x144: {  	v23 =	vmul.f32 v54, v22;
	v54 =	vmul.f32 v48, v34;
	v48 =	vld [tilespmem:$0x1FDB0]  }
0x145: {  	v10 =	vld [tilespmem:$0x9EC0]  }
0x146: {  	[tilespmem:$0x99B0] =	vst v7;
	v7 =	vld [tilespmem:$0xA6D0]  }
0x147: {  	v15 =	vld [tilespmem:$0x9E30]  }
0x148: {  	[tilespmem:$0x1FE30] =	vst v63;
	v63 =	vld [tilespmem:$0x9D60]  }
0x149: {  	v50 =	vadd.f32 v48, v2;
	v2 =	vld [tilespmem:$0x1FDC0]  }
0x14a: {  	v35 =	vmul.f32 v51, v34;
	v51 =	vld [tilespmem:$0x1FDD0]  }
0x14b: {  	v47 =	vld [tilespmem:$0x9E70]  }
0x14c: {  	v25 =	vld [tilespmem:$0x9EA0]  }
0x14d: {  	[tilespmem:$0x1FE40] =	vst v63;
	v63 =	vld [tilespmem:$0xA560]  }
0x14e: {  	[tilespmem:$0x99F0] =	vst v19;
	v19 =	vld [tilespmem:$0x9E40]  }
0x14f: {  	v52 =	vadd.f32 v51, v2;
	v2 =	vld [tilespmem:$0x1FDE0]  }
0x150: {  	v43 =	vmul.f32 v36, v34;
	v36 =	vmul.f32 v53, v34;
	v53 =	vld [tilespmem:$0x1FDF0]  }
0x151: {  	v62 =	vld [tilespmem:$0x9E50]  }
0x152: {  	[tilespmem:$0x1FE50] =	vst v63;
	v63 =	vld [tilespmem:$0x9D70]  }
0x153: {  	v58 =	vld [tilespmem:$0xA650]  }
0x154: {  	v57 =	vld [tilespmem:$0x9E60]  }
0x155: {  	[tilespmem:$0x9CC0] =	vst v54;
	v54 =	vadd.f32 v53, v2;
	v2 =	vld [tilespmem:$0x1FE00]  }
0x156: {  	v55 =	vld [tilespmem:$0x1FE10]  }
0x157: {  	[tilespmem:$0x1FE60] =	vst v63;
	v63 =	vld [tilespmem:$0xA570]  }
0x158: {  	v38 =	vld [tilespmem:$0xA670]  }
0x159: {  	v40 =	vld [tilespmem:$0x9E80]  }
0x15a: {  	[tilespmem:$0x1FF90] =	vst v30;
	v30 =	vld [tilespmem:$0xA680]  }
0x15b: {  	v46 =	vmul.f32 v56, v34;
	v56 =	vadd.f32 v55, v2;
	v2 =	vld [tilespmem:$0x1FE20]  }
0x15c: {  	[tilespmem:$0x1FE70] =	vst v63;
	v63 =	vld [tilespmem:$0x9D80]  }
0x15d: {  	v59 =	vld [tilespmem:$0x1FE30]  }
0x15e: {  	[tilespmem:$0x1FFA0] =	vst v32;
	v32 =	vld [tilespmem:$0x9E90]  }
0x15f: {  	[tilespmem:$0x1FF70] =	vst v26;
	v26 =	vld [tilespmem:$0xA690]  }
0x160: {  	[tilespmem:$0x1FFB0] =	vst v11;
	v11 =	vld [tilespmem:$0xA6E0];
	v44 =	vbroadcast v3, $0x7  }
0x161: {  	[tilespmem:$0x1FE80] =	vst v63;
	v63 =	vld [tilespmem:$0xA580]  }
0x162: {  	v37 =	vmul.f32 v60, v44;
	v60 =	vadd.f32 v59, v2;
	v2 =	vld [tilespmem:$0x1FE40]  }
0x163: {  	v51 =	vld [tilespmem:$0x1FE50]  }
0x164: {  	v49 =	vld [tilespmem:$0xA660]  }
0x165: {  	[tilespmem:$0x1FFD0] =	vst v15;
	v15 =	vld [tilespmem:$0xA700]  }
0x166: {  	[tilespmem:$0x1FE90] =	vst v63;
	v63 =	vld [tilespmem:$0x9D90]  }
0x167: {  	v17 =	vld [tilespmem:$0xA630]  }
0x168: {  	v41 =	vmul.f32 v52, v44;
	v52 =	vadd.f32 v51, v2;
	v2 =	vld [tilespmem:$0x1FE60]  }
0x169: {  	v53 =	vld [tilespmem:$0x1FE70]  }
0x16a: {  	[tilespmem:$0x1FFF0] =	vst v19;
	v19 =	vld [tilespmem:$0xA6A0]  }
0x16b: {  	[tilespmem:$0x1FEA0] =	vst v63;
	v63 =	vld [tilespmem:$0xA590]  }
0x16c: {  	v38 =	vadd.f32 v38, v47;
	v47 =	vld [tilespmem:$0xA020]  }
0x16d: {  	v30 =	vadd.f32 v30, v40;
	v40 =	vld [tilespmem:$0xA820]  }
0x16e: {  	v29 =	vmul.f32 v42, v34;
	v42 =	vmul.f32 v54, v44;
	v54 =	vadd.f32 v53, v2;
	v2 =	vld [tilespmem:$0x1FE80]  }
0x16f: {  	v55 =	vld [tilespmem:$0x1FE90]  }
0x170: {  	[tilespmem:$0x1FEB0] =	vst v63;
	v63 =	vld [tilespmem:$0x9DA0]  }
0x171: {  	v26 =	vadd.f32 v26, v32;
	v32 =	vld [tilespmem:$0xA030]  }
0x172: {  	v14 =	vld [tilespmem:$0xA6F0]  }
0x173: {  	[tilespmem:$0x1FFE0] =	vst v17;
	v17 =	vld [tilespmem:$0x9EB0]  }
0x174: {  	v28 =	vmul.f32 v39, v34;
	v39 =	vmul.f32 v50, v44;
	v50 =	vadd.f32 v55, v2;
	v2 =	vld [tilespmem:$0x1FEA0]  }
0x175: {  	[tilespmem:$0x1FED0] =	vst v63;
	v63 =	vld [tilespmem:$0xA5A0]  }
0x176: {  	[tilespmem:$0x9C80] =	vst v43;
	v43 =	vmul.f32 v56, v44;
	v56 =	vld [tilespmem:$0x1FEB0]  }
0x177: {  	v61 =	vld [tilespmem:$0xA640]  }
0x178: {  	v19 =	vadd.f32 v19, v25;
	v25 =	vld [tilespmem:$0xA830]  }
0x179: {  	v59 =	vld [tilespmem:$0x1FED0]  }
0x17a: {  	[tilespmem:$0x1FEC0] =	vst v63;
	v63 =	vld [tilespmem:$0x9DB0]  }
0x17b: {  	[tilespmem:$0x9CF0] =	vst v46;
	v46 =	vmul.f32 v52, v44;
	v52 =	vadd.f32 v56, v2;
	v2 =	vld [tilespmem:$0x1FEC0]  }
0x17c: {  	v12 =	vld [tilespmem:$0x9EF0]  }
0x17d: {  	v8 =	vadd.f32 v8, v17;
	v17 =	vld [tilespmem:$0xA040]  }
0x17e: {  	[tilespmem:$0x9B90] =	vst v6;
	v6 =	vld [tilespmem:$0x9ED0]  }
0x17f: {  	v56 =	vld [tilespmem:$0x1FEF0];
	[tilespmem:$0x1FEE0] =	vst v63  }
0x180: {  	v33 =	vmul.f32 v45, v34;
	v45 =	vmul.f32 v60, v44;
	v60 =	vadd.f32 v2, v59;
	v2 =	vld [tilespmem:$0x1FEE0]  }
0x181: {  	v5 =	vld [tilespmem:$0xA6C0]  }
0x182: {  	[tilespmem:$0x9B70] =	vst v4;
	v4 =	vld [tilespmem:$0x1FFD0]  }
0x183: {  	v6 =	vadd.f32 v7, v6;
	v7 =	vld [tilespmem:$0xA050]  }
0x184: {  	v63 =	vld [tilespmem:$0x9DC0]  }
0x185: {  	v59 =	vadd.f32 v56, v2;
	v2 =	vld [tilespmem:$0x1FF00]  }
0x186: {  	v5 =	vadd.f32 v5, v10;
	v10 =	vld [tilespmem:$0xA840]  }
0x187: {  	[tilespmem:$0x9BB0] =	vst v9;
	v9 =	vld [tilespmem:$0x9EE0];
	v51 =	vbroadcast v3, $0x8  }
0x188: {  	v16 =	vld [tilespmem:$0x9F10]  }
0x189: {  	v53 =	vmul.f32 v60, v51;
	v60 =	vld [tilespmem:$0x1FF20]  }
0x18a: {  	v55 =	vadd.f32 v2, v63;
	v2 =	vld [tilespmem:$0x1FF10]  }
0x18b: {  	v18 =	vld [tilespmem:$0xA710]  }
0x18c: {  	[tilespmem:$0x9BD0] =	vst v13;
	v13 =	vld [tilespmem:$0x9F00]  }
0x18d: {  	v9 =	vadd.f32 v11, v9;
	v11 =	vld [tilespmem:$0xA850]  }
0x18e: {  	v48 =	vmul.f32 v54, v44;
	v54 =	vmul.f32 v59, v51;
	v59 =	vld [tilespmem:$0x1FF40]  }
0x18f: {  	v63 =	vadd.f32 v60, v2;
	v2 =	vld [tilespmem:$0x1FF30]  }
0x190: {  	v21 =	vld [tilespmem:$0xA720]  }
0x191: {  	v13 =	vadd.f32 v15, v13;
	v15 =	vld [tilespmem:$0xA070]  }
0x192: {  	v24 =	vld [tilespmem:$0x9F40]  }
0x193: {  	v60 =	vld [tilespmem:$0x1FF60]  }
0x194: {  	[tilespmem:$0x9DA0] =	vst v53;
	v53 =	vadd.f32 v59, v2;
	v2 =	vld [tilespmem:$0x1FF50]  }
0x195: {  	v31 =	vld [tilespmem:$0x9F60]  }
0x196: {  	[tilespmem:$0x9C60] =	vst v23;
	v23 =	vld [tilespmem:$0xA730];
	v52 =	vmul.f32 v52, v51  }
0x197: {  	v22 =	vld [tilespmem:$0x9F30]  }
0x198: {  	[tilespmem:$0x9D90] =	vst v52;
	v52 =	vmul.f32 v63, v51;
	v63 =	vld [tilespmem:$0x1FF80]  }
0x199: {  	[tilespmem:$0x9DB0] =	vst v54;
	v54 =	vadd.f32 v60, v2;
	v2 =	vld [tilespmem:$0x1FF70]  }
0x19a: {  	[tilespmem:$0x9C30] =	vst v20;
	v20 =	vld [tilespmem:$0x9F20]  }
0x19b: {  	[tilespmem:$0x9C70] =	vst v27;
	v27 =	vld [tilespmem:$0xA740]  }
0x19c: {  	v23 =	vadd.f32 v23, v22;
	v22 =	vld [tilespmem:$0xA0A0];
	v50 =	vmul.f32 v50, v51;
	v55 =	vmul.f32 v55, v51  }
0x19d: {  	[tilespmem:$0x9C90] =	vst v28;
	v53 =	vmul.f32 v53, v51;
	v51 =	vmul.f32 v54, v51;
	v54 =	vld [tilespmem:$0x1FFA0]  }
0x19e: {  	[tilespmem:$0x9DC0] =	vst v55;
	v55 =	vadd.f32 v63, v2;
	v2 =	vld [tilespmem:$0x1FF90]  }
0x19f: {  	v28 =	vld [tilespmem:$0x9F50];
	[tilespmem:$0x9CA0] =	vst v29  }
0x1a0: {  	v29 =	vld [tilespmem:$0xA750];
	[tilespmem:$0x9CB0] =	vst v33;
	v60 =	vbroadcast v3, $0x9  }
0x1a1: {  	v33 =	vld [tilespmem:$0xA760];
	[tilespmem:$0x9CD0] =	vst v35  }
0x1a2: {  	[tilespmem:$0x9DE0] =	vst v53;
	v53 =	vmul.f32 v55, v60;
	v55 =	vld [tilespmem:$0x1FFC0]  }
0x1a3: {  	[tilespmem:$0x9DD0] =	vst v52;
	v52 =	vadd.f32 v54, v2;
	v2 =	vld [tilespmem:$0x1FFB0]  }
0x1a4: {  	v35 =	vld [tilespmem:$0x9F80];
	[tilespmem:$0x9CE0] =	vst v36  }
0x1a5: {  	v36 =	vld [tilespmem:$0xA770];
	[tilespmem:$0x9D00] =	vst v37  }
0x1a6: {  	v34 =	vld [tilespmem:$0x9F70];
	[tilespmem:$0x9D10] =	vst v39  }
0x1a7: {  	v37 =	vld [tilespmem:$0xA780];
	[tilespmem:$0x9D20] =	vst v41  }
0x1a8: {  	v39 =	vld [tilespmem:$0x9F90];
	[tilespmem:$0x9D30] =	vst v42;
	v55 =	vadd.f32 v55, v2  }
0x1a9: {  	[tilespmem:$0x9DF0] =	vst v51;
	v51 =	vmul.f32 v52, v60;
	v52 =	vld [tilespmem:$0x1FFE0]  }
0x1aa: {  	[tilespmem:$0x9E00] =	vst v53;
	v53 =	vmul.f32 v55, v60;
	v55 =	vld [tilespmem:$0x1FFF0]  }
0x1ab: {  	v41 =	vld [tilespmem:$0xA790];
	[tilespmem:$0x9D40] =	vst v43  }
0x1ac: {  	v49 =	vadd.f32 v49, v57;
	v42 =	vld [tilespmem:$0x9FA0];
	[tilespmem:$0x9D50] =	vst v45  }
0x1ad: {  	v43 =	vld [tilespmem:$0xA7A0];
	[tilespmem:$0x9D60] =	vst v46  }
0x1ae: {  	v45 =	vld [tilespmem:$0xA7B0];
	[tilespmem:$0x9D70] =	vst v48;
	v49 =	vmul.f32 v49, v60  }
0x1af: {  	v46 =	vld [tilespmem:$0x9FC0];
	[tilespmem:$0x9D80] =	vst v50;
	v52 =	vadd.f32 v52, v4;
	v55 =	vadd.f32 v61, v55  }
0x1b0: {  	v44 =	vld [tilespmem:$0x9FB0];
	v38 =	vmul.f32 v38, v60;
	[tilespmem:$0x9E60] =	vst v49  }
0x1b1: {  	v48 =	vld [tilespmem:$0xA7C0];
	[tilespmem:$0x9E10] =	vst v51;
	v51 =	vmul.f32 v52, v60;
	v52 =	vadd.f32 v58, v62;
	v62 =	vmul.f32 v55, v60  }
0x1b2: {  	v50 =	vld [tilespmem:$0x9FD0];
	[tilespmem:$0x9E70] =	vst v38  }
0x1b3: {  	v56 =	vld [tilespmem:$0xA7D0];
	[tilespmem:$0x9E40] =	vst v62;
	v62 =	vbroadcast v3, $0xA  }
0x1b4: {  	v59 =	vld [tilespmem:$0x9FE0];
	[tilespmem:$0x9E20] =	vst v53;
	v57 =	vmul.f32 v52, v60  }
0x1b5: {  	v49 =	vadd.f32 v14, v12;
	v12 =	vld [tilespmem:$0xA060];
	[tilespmem:$0x9E30] =	vst v51;
	v30 =	vmul.f32 v30, v62  }
0x1b6: {  	v54 =	vld [tilespmem:$0x9FF0];
	[tilespmem:$0x9E50] =	vst v57;
	v26 =	vmul.f32 v26, v62  }
0x1b7: {  	v2 =	vld [tilespmem:$0xA7F0];
	v19 =	vmul.f32 v19, v62;
	[tilespmem:$0x9E80] =	vst v30  }
0x1b8: {  	v14 =	vld [tilespmem:$0xA860];
	v8 =	vmul.f32 v8, v62;
	[tilespmem:$0x9E90] =	vst v26  }
0x1b9: {  	v63 =	vld [tilespmem:$0xA7E0];
	v5 =	vmul.f32 v5, v62;
	[tilespmem:$0x9EA0] =	vst v19  }
0x1ba: {  	v4 =	vld [tilespmem:$0xA000];
	v6 =	vmul.f32 v6, v62;
	[tilespmem:$0x9EB0] =	vst v8  }
0x1bb: {  	v58 =	vld [tilespmem:$0xA010];
	v51 =	vmul.f32 v9, v62;
	v9 =	vbroadcast v3, $0xB;
	[tilespmem:$0x9EC0] =	vst v5  }
0x1bc: {  	v2 =	vadd.f32 v2, v54;
	v54 =	vld [tilespmem:$0xA900];
	v57 =	vadd.f32 v18, v16;
	v53 =	vmul.f32 v49, v62;
	[tilespmem:$0x9ED0] =	vst v6  }
0x1bd: {  	v52 =	vadd.f32 v33, v31;
	v61 =	vld [tilespmem:$0xA800];
	v62 =	vadd.f32 v21, v20;
	[tilespmem:$0x9EE0] =	vst v51;
	v60 =	vmul.f32 v13, v9  }
0x1be: {  	v31 =	vadd.f32 v41, v39;
	v41 =	vadd.f32 v56, v50;
	v50 =	vld [tilespmem:$0xA8F0];
	[tilespmem:$0x9EF0] =	vst v53;
	v21 =	vmul.f32 v57, v9  }
0x1bf: {  	v56 =	vld [tilespmem:$0xA110];
	v49 =	vadd.f32 v29, v28;
	v26 =	vmul.f32 v62, v9;
	[tilespmem:$0x9F00] =	vst v60  }
0x1c0: {  	v16 =	vld [tilespmem:$0xA870];
	v30 =	vadd.f32 v27, v24;
	v38 =	vmul.f32 v23, v9;
	[tilespmem:$0x9F10] =	vst v21  }
0x1c1: {  	v18 =	vld [tilespmem:$0xA080];
	v53 =	vmul.f32 v49, v9;
	[tilespmem:$0x9F20] =	vst v26  }
0x1c2: {  	v55 =	vld [tilespmem:$0xA810];
	v4 =	vadd.f32 v61, v4;
	v57 =	vadd.f32 v36, v34;
	v51 =	vmul.f32 v30, v9;
	[tilespmem:$0x9F30] =	vst v38  }
0x1c3: {  	v61 =	vld [tilespmem:$0xA120];
	v29 =	vadd.f32 v37, v35;
	v62 =	vbroadcast v3, $0xC;
	v60 =	vmul.f32 v52, v9;
	[tilespmem:$0x9F50] =	vst v53  }
0x1c4: {  	v20 =	vld [tilespmem:$0xA090];
	v30 =	vmul.f32 v57, v9;
	[tilespmem:$0x9F40] =	vst v51  }
0x1c5: {  	v28 =	vld [tilespmem:$0xA8C0];
	v34 =	vadd.f32 v43, v42;
	v33 =	vmul.f32 v29, v62;
	[tilespmem:$0x9F60] =	vst v60  }
0x1c6: {  	v19 =	vld [tilespmem:$0xA880];
	v36 =	vadd.f32 v45, v44;
	v35 =	vmul.f32 v31, v62;
	[tilespmem:$0x9F70] =	vst v30  }
0x1c7: {  	v24 =	vld [tilespmem:$0xA8A0];
	v37 =	vmul.f32 v34, v62;
	[tilespmem:$0x9F80] =	vst v33  }
0x1c8: {  	v27 =	vld [tilespmem:$0xA0C0];
	v43 =	vadd.f32 v63, v59;
	v39 =	vmul.f32 v36, v62;
	[tilespmem:$0x9F90] =	vst v35  }
0x1c9: {  	v8 =	vld [tilespmem:$0xA0E0];
	v44 =	vmul.f32 v41, v62;
	[tilespmem:$0x9FA0] =	vst v37  }
0x1ca: {  	v13 =	vld [tilespmem:$0xA0F0];
	v38 =	vadd.f32 v48, v46;
	v45 =	vmul.f32 v43, v62;
	[tilespmem:$0x9FB0] =	vst v39  }
0x1cb: {  	v59 =	vld [tilespmem:$0xA910];
	v46 =	vbroadcast v3, $0xD;
	v2 =	vmul.f32 v2, v62;
	[tilespmem:$0x9FD0] =	vst v44  }
0x1cc: {  	v21 =	vld [tilespmem:$0xA890];
	v48 =	vadd.f32 v55, v58;
	v42 =	vmul.f32 v38, v62;
	[tilespmem:$0x9FE0] =	vst v45  }
0x1cd: {  	v49 =	vadd.f32 v40, v47;
	v9 =	vld [tilespmem:$0xA0B0];
	v4 =	vmul.f32 v4, v46;
	[tilespmem:$0x9FF0] =	vst v2  }
0x1ce: {  	v26 =	vld [tilespmem:$0xA8B0];
	v2 =	vmul.f32 v48, v46;
	v51 =	vadd.f32 v25, v32;
	[tilespmem:$0x9FC0] =	vst v42  }
0x1cf: {  	v29 =	vld [tilespmem:$0xA0D0];
	v53 =	vadd.f32 v10, v17;
	v52 =	vmul.f32 v49, v46;
	[tilespmem:$0xA000] =	vst v4  }
0x1d0: {  	v31 =	vld [tilespmem:$0xA8E0];
	v55 =	vadd.f32 v11, v7;
	[tilespmem:$0xA010] =	vst v2;
	v2 =	vmul.f32 v51, v46  }
0x1d1: {  	v58 =	vadd.f32 v14, v12;
	v34 =	vld [tilespmem:$0xA920];
	v57 =	vmul.f32 v53, v46;
	[tilespmem:$0xA020] =	vst v52  }
0x1d2: {  	v36 =	vld [tilespmem:$0xA130];
	v60 =	vadd.f32 v16, v15;
	[tilespmem:$0xA030] =	vst v2;
	v2 =	vmul.f32 v55, v46  }
0x1d3: {  	v63 =	vbroadcast v3, $0xE;
	v30 =	vld [tilespmem:$0xA8D0];
	v62 =	vmul.f32 v58, v46;
	v32 =	vadd.f32 v19, v18;
	[tilespmem:$0xA040] =	vst v57  }
0x1d4: {  	v41 =	vld [tilespmem:$0xA140];
	v35 =	vadd.f32 v21, v20;
	[tilespmem:$0xA050] =	vst v2;
	v2 =	vmul.f32 v60, v46  }
0x1d5: {  	v25 =	vld [tilespmem:$0xA100];
	v38 =	vadd.f32 v24, v22;
	[tilespmem:$0xA060] =	vst v62;
	v37 =	vmul.f32 v32, v63  }
0x1d6: {  	v39 =	vld [tilespmem:$0xA930];
	v40 =	vadd.f32 v26, v9;
	[tilespmem:$0xA070] =	vst v2;
	v2 =	vmul.f32 v35, v63  }
0x1d7: {  	v44 =	vld [tilespmem:$0xA940];
	v43 =	vadd.f32 v28, v27;
	v42 =	vmul.f32 v38, v63;
	[tilespmem:$0xA080] =	vst v37  }
0x1d8: {  	v48 =	vld [tilespmem:$0xA950];
	v45 =	vadd.f32 v30, v29;
	[tilespmem:$0xA090] =	vst v2;
	v2 =	vmul.f32 v40, v63  }
0x1d9: {  	v53 =	vld [tilespmem:$0xA960];
	v47 =	vmul.f32 v43, v63;
	v8 =	vadd.f32 v31, v8;
	[tilespmem:$0xA0A0] =	vst v42  }
0x1da: {  	v58 =	vld [tilespmem:$0xA970];
	v49 =	vadd.f32 v50, v13;
	[tilespmem:$0xA0B0] =	vst v2;
	v2 =	vmul.f32 v45, v63  }
0x1db: {  	v3 =	vbroadcast v3, $0xF;
	v57 =	vadd.f32 v34, v61;
	[tilespmem:$0xA0C0] =	vst v47;
	v51 =	vmul.f32 v8, v63;
	v46 =	vld [tilespmem:$0xA150]  }
0x1dc: {  	v50 =	vld [tilespmem:$0xA160];
	v52 =	vadd.f32 v54, v25;
	[tilespmem:$0xA0D0] =	vst v2;
	v2 =	vmul.f32 v49, v63  }
0x1dd: {  	v55 =	vld [tilespmem:$0xA170];
	v54 =	vadd.f32 v59, v56;
	v7 =	vmul.f32 v57, v3;
	[tilespmem:$0xA0E0] =	vst v51  }
0x1de: {  	v56 =	vmul.f32 v52, v3;
	[tilespmem:$0xA0F0] =	vst v2;
	v2 =	vadd.f32 v39, v36  }
0x1df: {  	v59 =	vadd.f32 v44, v41;
	v5 =	vmul.f32 v54, v3;
	[tilespmem:$0xA120] =	vst v7  }
0x1e0: {  	[tilespmem:$0xA100] =	vst v56;
	v60 =	vadd.f32 v48, v46;
	v2 =	vmul.f32 v2, v3  }
0x1e1: {  	v61 =	vadd.f32 v53, v50;
	v4 =	vmul.f32 v59, v3;
	[tilespmem:$0xA110] =	vst v5  }
0x1e2: {  	v62 =	vadd.f32 v58, v55;
	[tilespmem:$0xA130] =	vst v2;
	v2 =	vmul.f32 v60, v3  }
0x1e3: {  	[tilespmem:$0xA140] =	vst v4;
	v63 =	vmul.f32 v61, v3  }
0x1e4: {  	s12 =	sadd.s32 $0x1, s12;
	[tilespmem:$0xA150] =	vst v2;
	v2 =	vmul.f32 v62, v3  }
0x1e5: {  	p0 =	sne.s32 s12, s19;
	[tilespmem:$0xA160] =	vst v63  }
.Ltmp1:
0x1e6: {  	[tilespmem:$0xA170] =	vst v2;
	(pc) =	sbr.rel @!p0 .LBB2_5-.Ltmp1, $4  }
0x1e7: {  	[hbm4b:s17+s4] =	stream.linear.scatter [tilespmem:s10], [sflag:$0x5], $0x800, $0x38;
	[tilespmem:$0xBA80] =	vst v63  }
0x1e8: {  	_ =	swait.ge [sflag:s29], $0x800  }
0x1e9: {  	[sflag:s29] =	ssyncset.done $0x0  }
0x1ea: {  	[sflag:s29] =	ssyncadd.s32 $0xFFFFF800  }
.LBB2_1:
0x1eb: {  	s14 =	rddreg [dreg:$0x7]  }
0x1ec: {  	[tilespmem:s4], [sflag:$0x1] =	stream.linear.gather [hbm4b:s14+s4], $0x4000, $0x38;
	[tilespmem:$0xBA80] =	vst v63  }
0x1ed: {  	s20 =	rddreg [dreg:$0x8]  }
0x1ee: {  	[tilespmem:s23], [sflag:$0x1] =	stream.linear.gather [hbm4b:s20+s4], $0x80, $0x38;
	[tilespmem:$0xBA80] =	vst v63  }
0x1ef: {  	s22 =	rddreg [dreg:$0x9]  }
0x1f0: {  	[tilespmem:s25], [sflag:$0x2] =	stream.linear.gather [hbm4b:s22+s4], $0x4000, $0x38;
	[tilespmem:$0xBA80] =	vst v63  }
0x1f1: {  	s16 =	rddreg [dreg:$0xa]  }
0x1f2: {  	[tilespmem:s26], [sflag:$0x2] =	stream.linear.gather [hbm4b:s16+s4], $0x80, $0x38;
	[tilespmem:$0xBA80] =	vst v63  }
0x1f3: {  	s20 =	rddreg [dreg:$0x6]  }
0x1f4: {  	[tilespmem:s28], [sflag:$0x5] =	stream.linear.gather [hbm4b:s20+s4], $0x1000, $0x38;
	[tilespmem:$0xBA80] =	vst v63  }
0x1f5: {  	_ =	swait.ge [sflag:s29], $0x1000  }
0x1f6: {  	[sflag:s29] =	ssyncset.done $0x0  }
0x1f7: {  	s22 =	rddreg [dreg:$0xb];
	[sflag:s29] =	ssyncadd.s32 $0xFFFFF000  }
0x1f8: {  	[spmem:s22] =	stream.linear.scatter [tilespmem:s28], [sflag:$0x5], $0x1000, $0x38;
	[tilespmem:$0xBA80] =	vst v63  }
0x1f9: {  	_ =	swait.ge [sflag:s29], $0x1000  }
0x1fa: {  	[sflag:s29] =	ssyncset.done $0x0  }
0x1fb: {  	[sflag:s29] =	ssyncadd.s32 $0xFFFFF000  }
0x1fc: {  	v2 =	vimm.s32 $0x27100;
	[bflag:$0x0] =	sbarrier.arrive $0xFFFF  }
0x1fd: {  	[tilespmem:$0xA980] =	vst v2  }
0x1fe: {  	v4 =	vimm.s32 $0x4E200;
	s14 =	simm.s32 $0x0;
	s20 =	smov.u32 s15;
	s22 =	smov.u32 s13;
	[tilespmem:$0xA990] =	vst v2  }
0x1ff: {  	v5 =	vimm.s32 $0x4E200;
	v3 =	vimm.s32 $0x0;
	v2 =	vimm.s32 $0x0;
	[tilespmem:s0], [sflag:$0x3] =	stream.indirect.gather [hbm4b:s1+s30], $0x1, s31, s30, $0xb8;
	[tilespmem:$0xBA80] =	vst v63  }
.LBB2_2:
0x200: {  	_ =	swait.ge [sflag:s2], $0x20  }
0x201: {  	[sflag:s2] =	ssyncset.done $0x0  }
0x202: {  	[sflag:s2] =	ssyncadd.s32 $0xFFFFFFE0  }
0x203: {  	v6 =	vld [tilespmem:$0xAA00]  }
0x204: {  	v7 =	vld [tilespmem:$0xAA10];
	_ =	sdelay $0x1  }
0x205: {  	v8 =	vadd.s32 v3, v5;
	v9 =	vadd.s32 v2, v4  }
0x206: {  	v8 =	vshrl.u32 v8, $0x1;
	v9 =	vshrl.u32 v9, $0x1  }
0x207: {  	v8 =	vmin.u32 v8, $0x4E1FF;
	v9 =	vmin.u32 v9, $0x4E1FF  }
0x208: {  	vm0 =	vlt.s32 v6, v0;
	vm1 =	vlt.s32 v7, v1;
	v6 =	vadd.s32 $0x1, v8  }
0x209: {  	v3 =	vsel vm0, v6, v3;
	v5 =	vsel vm0, v5, v8;
	v6 =	vadd.s32 $0x1, v9  }
0x20a: {  	v4 =	vsel vm1, v4, v9;
	v2 =	vsel vm1, v6, v2;
	v6 =	vadd.s32 v5, v3  }
0x20b: {  	v6 =	vshrl.u32 v6, $0x1;
	v7 =	vadd.s32 v4, v2  }
0x20c: {  	v6 =	vmin.u32 v6, $0x4E1FF;
	v7 =	vshrl.u32 v7, $0x1  }
0x20d: {  	v7 =	vmin.u32 v7, $0x4E1FF;
	[tilespmem:$0xA980] =	vst v6  }
0x20e: {  	[tilespmem:$0xA990] =	vst v7  }
0x20f: {  	[tilespmem:s0], [sflag:$0x3] =	stream.indirect.gather [hbm4b:s1+s30], $0x1, s31, s30, $0xb8;
	[tilespmem:$0xBA80] =	vst v63  }
0x210: {  	_ =	swait.ge [sflag:s5], $0x4000  }
0x211: {  	[sflag:s5] =	ssyncset.done $0x0  }
0x212: {  	[sflag:s5] =	ssyncadd.s32 $0xFFFFC000  }
0x213: {  	_ =	swait.ge [sflag:s5], $0x80  }
0x214: {  	p0 =	seq.s32 s14, $0x4C0;
	[sflag:s5] =	ssyncset.done $0x0  }
.Ltmp2:
0x215: {  	[sflag:s5] =	ssyncadd.s32 $0xFFFFFF80;
	(pc) =	sbr.rel @p0 .LBB2_4-.Ltmp2, $4  }
0x216: {  	[spmem:s3] =	stream.indirect.scatter.add.f32 [tilespmem:s4], [sflag:$0x5], $0x80, s23, s6, $0xb8;
	[tilespmem:$0xBA80] =	vst v63  }
0x217: {  	_ =	swait.ge [sflag:s29], $0x4000  }
0x218: {  	[sflag:s29] =	ssyncset.done $0x0  }
0x219: {  	[sflag:s29] =	ssyncadd.s32 $0xFFFFC000  }
0x21a: {  	s16 =	sadd.s32 $0xFFFFF800, s20  }
0x21b: {  	[tilespmem:s4], [sflag:$0x1] =	stream.linear.gather [hbm4b:s16+s4], $0x4000, $0x38;
	[tilespmem:$0xBA80] =	vst v63  }
0x21c: {  	s16 =	sshrl.u32 s22, $0x3  }
0x21d: {  	s16 =	sadd.s32 s1, s16  }
0x21e: {  	[tilespmem:s23], [sflag:$0x1] =	stream.linear.gather [hbm4b:s16+s4], $0x80, $0x38;
	[tilespmem:$0xBA80] =	vst v63  }
0x21f: {  	_ =	swait.ge [sflag:s7], $0x4000  }
0x220: {  	[sflag:s7] =	ssyncset.done $0x0  }
0x221: {  	[sflag:s7] =	ssyncadd.s32 $0xFFFFC000  }
0x222: {  	_ =	swait.ge [sflag:s7], $0x80  }
0x223: {  	[sflag:s7] =	ssyncset.done $0x0  }
0x224: {  	[sflag:s7] =	ssyncadd.s32 $0xFFFFFF80  }
0x225: {  	[spmem:s3] =	stream.indirect.scatter.add.f32 [tilespmem:s25], [sflag:$0x5], $0x80, s26, s6, $0xb8;
	[tilespmem:$0xBA80] =	vst v63  }
0x226: {  	_ =	swait.ge [sflag:s29], $0x4000  }
.Ltmp3:
0x227: {  	[sflag:s29] =	ssyncset.done $0x0;
	(pc) =	sbr.rel .LBB2_2-.Ltmp3, $4  }
0x228: {  	s22 =	sadd.s32 $0x100, s22;
	[sflag:s29] =	ssyncadd.s32 $0xFFFFC000  }
0x229: {  	[tilespmem:s25], [sflag:$0x2] =	stream.linear.gather [hbm4b:s20+s4], $0x4000, $0x38;
	[tilespmem:$0xBA80] =	vst v63  }
0x22a: {  	s16 =	sadd.s32 s14, s21;
	s14 =	sadd.s32 $0x20, s14;
	s20 =	sadd.s32 $0x1000, s20  }
0x22b: {  	[tilespmem:s26], [sflag:$0x2] =	stream.linear.gather [hbm4b:s16+s4], $0x80, $0x38;
	[tilespmem:$0xBA80] =	vst v63  }
.LBB2_5:
0x22c: {  	_ =	sfence.sel $0x180000  }
0x22d: {  	[bflag:$0x0] =	sbarrier.arrive $0xFFFF  }
0x22e: {  	_ =	strace $0x90000047  }
0x22f: {  	s0 =	stileid.u32;
	[bflag:$0x2] =	sbarrier.arrive $0xFFFF  }
0x230: {  	p0 =	sne.s32 s0, $0x0;
	s0 =	rddreg [dreg:$0x5]  }
0x231: {  	s0 =	sadd.s32 @!p0 $0x100000, s0  }
0x232: {  	[sflag:s0] =	ssyncadd.tile.s32 @!p0 $0x1;
	_ =	shalt  }
.Lfunc_end2:
_tile_overlayer_lowered:
.L_overlay_start_2:
0x233: {  	(tag) =	ssettag $0x2  }
0x234: {  	s0 =	rddreg [dreg:$0x0];
	s2 =	stileid.u32  }
0x235: {  	s1 =	rddreg [dreg:$0x1];
	p0 =	sne.s32 s2, $0x0  }
0x236: {  	s3 =	rddreg [dreg:$0x2];
	[bflag:$0x3] =	sbarrier.arrive $0xFFFF;
	s2 =	simm.s32 @!p0 $0x1C05  }
0x237: {  	[timem:s3], [sflag:s2] =	dma.local @!p0 [hbm:s0], s1  }
0x238: {  	s0 =	simm.s32 @!p0 $0x5  }
0x239: {  	_ =	swait.ge @!p0 [sflag:s0], s1  }
0x23a: {  	s1 =	ssub.s32 @!p0 $0x0, s1;
	[sflag:s0] =	ssyncset.done @!p0 $0x0  }
0x23b: {  	[sflag:s0] =	ssyncadd.s32 @!p0 s1  }
0x23c: {  	[bflag:$0x3] =	sbarrier.arrive $0xFFFF  }
0x23d: {  	_ =	shalt  }

</sc_bundles>
